<compile_context>
chip_gen: v7x
topology: tpu7x:2x2x1
jax: 0.10.2.dev20260603
libtpu: 0.0.44.dev20260713+nightly
codegen_flags: <defaults>
</compile_context>

<pallas_src>
import functools

import jax
import jax.numpy as jnp
from jax import lax
from jax.experimental import pallas as pl
from jax.experimental.pallas import tpu as pltpu
from jax.experimental.pallas import tpu_sc as plsc

B_, N_, D_, H_, K_ = 4, 2048, 384, 8, 16
HD_ = D_ // H_
CBN = (1.0 + 1e-5) ** -0.5
SCALE = HD_ ** -0.5
TN = 256
TQ = 512
F32 = jnp.float32
_P = jax.lax.Precision.DEFAULT


def _relu(v):
    return jnp.maximum(v, 0.0)


def _dot(a, b, prec=_P):
    return jax.lax.dot_general(a, b, (((1,), (0,)), ((), ())),
                               precision=prec, preferred_element_type=F32)


def _dot_t(a, b, prec=_P):
    return jax.lax.dot_general(a, b, (((1,), (1,)), ((), ())),
                               precision=prec, preferred_element_type=F32)


_NW = 32
_ROWS = B_ * K_ * N_
_PER_W = _ROWS // _NW
_CH = 128
_NCH = _PER_W // _CH


_DC = 512


def _sc_gather_body(per_w, nch, xc_hbm, idx_hbm, gx_hbm, idx_v, rows_v, sem1):
    wid = lax.axis_index("s") * 2 + lax.axis_index("c")
    base = wid * per_w

    def chunk(j, carry):
        b = base + j * _CH
        pltpu.sync_copy(idx_hbm.at[pl.ds(b, _CH)], idx_v)
        pltpu.async_copy(xc_hbm.at[idx_v], rows_v, sem1).wait()
        pltpu.sync_copy(rows_v, gx_hbm.at[pl.ds(b, _CH)])
        return carry

    lax.fori_loop(0, nch, chunk, 0)


def _sc_gather(xc, idxTg):
    rows = idxTg.shape[0]
    per_w = rows // _NW
    nch = per_w // _CH
    mesh = plsc.VectorSubcoreMesh(core_axis_name="c", subcore_axis_name="s")
    f = pl.kernel(
        functools.partial(_sc_gather_body, per_w, nch),
        mesh=mesh,
        out_type=jax.ShapeDtypeStruct((rows, _DC), F32),
        scratch_types=[
            pltpu.VMEM((_CH,), jnp.int32),
            pltpu.VMEM((_CH, _DC), F32),
            pltpu.SemaphoreType.DMA,
        ],
    )
    return f(xc, idxTg)


TR = 512


def _topk_body(xyz4_ref, xyzall_ref, n2_ref, idx_ref):
    b = pl.program_id(0)
    xt = xyz4_ref[0]
    n2t = jnp.sum(xt * xt, axis=1, keepdims=True)
    d = n2t + n2_ref[0] - 2.0 * _dot_t(xt, xyzall_ref[0])
    lane_n = jax.lax.broadcasted_iota(jnp.int32, (TR, N_), 1)
    lane_k = jax.lax.broadcasted_iota(jnp.int32, (TR, K_), 1)
    idxs = jnp.zeros((TR, K_), jnp.int32)
    for kk in range(K_):
        m = jnp.min(d, axis=1, keepdims=True)
        cand = jnp.where(d == m, lane_n, N_)
        a = jnp.min(cand, axis=1, keepdims=True)
        idxs = jnp.where(lane_k == kk, a + b * N_, idxs)
        d = jnp.where(lane_n == a, float('inf'), d)
    idx_ref[0] = idxs


def _topk_call(xyz4, n2):
    nb = xyz4.shape[0]
    grid = (nb, N_ // TR)
    return pl.pallas_call(
        _topk_body,
        grid=grid,
        in_specs=[
            pl.BlockSpec((1, TR, 4), lambda b, n: (b, n, 0)),
            pl.BlockSpec((1, N_, 4), lambda b, n: (b, 0, 0)),
            pl.BlockSpec((1, 1, N_), lambda b, n: (b, 0, 0)),
        ],
        out_specs=pl.BlockSpec((1, TR, K_), lambda b, n: (b, n, 0)),
        out_shape=jax.ShapeDtypeStruct((nb, N_, K_), jnp.int32),
    )(xyz4, xyz4, n2)


def _local_body(x_ref, gc_ref, xyz4_ref,
                Wm1a_ref, Wm1b_ref, bm1_ref, Wm2_ref, bm2_ref,
                Wpos_ref, bpos_ref, Wl_ref, bl_ref,
                Wq_ref, Wk_ref, Wv_ref,
                xn_ref, q_ref, k_ref, v_ref):
    x = x_ref[0]
    gc = gc_ref[0]
    gx = gc[..., 0:D_].reshape(K_ * TN, D_)

    g4 = gc[..., D_:D_ + 4]
    rel = g4 - g4[0:1]
    d2 = jnp.sum(rel * rel, -1, keepdims=True)
    lane4 = jax.lax.broadcasted_iota(jnp.int32, (K_, TN, 4), 2)
    rel4 = jnp.where(lane4 == 3, d2, rel).reshape(K_ * TN, 4)

    pos = _dot(rel4, Wpos_ref[...]) + bpos_ref[...]
    keyf = gx + pos

    a1 = _dot(_relu(keyf * CBN).astype(jnp.bfloat16),
              Wm1b_ref[...].astype(jnp.bfloat16))
    tq = _dot(_relu(x * CBN), Wm1a_ref[...])
    h1 = (a1.reshape(K_, TN, D_) + tq[None] + bm1_ref[...]).reshape(K_ * TN, D_)
    logits = (_dot(_relu(h1 * CBN), Wm2_ref[...]) + bm2_ref[...]) * SCALE

    lane = jax.lax.broadcasted_iota(jnp.int32, (H_, D_), 1)
    hid = jax.lax.broadcasted_iota(jnp.int32, (H_, D_), 0)
    E = (lane // HD_ == hid).astype(F32)

    m = logits[0:TN]
    for kk in range(1, K_):
        m = jnp.maximum(m, logits[kk * TN:(kk + 1) * TN])
    s = jnp.zeros((TN, H_), F32)
    acc = jnp.zeros((TN, D_), F32)
    for kk in range(K_):
        p = jnp.exp(logits[kk * TN:(kk + 1) * TN] - m)
        s = s + p
        acc = acc + _dot(p, E) * keyf[kk * TN:(kk + 1) * TN]
    out = acc / _dot(s, E)

    o = _dot(_relu(out * CBN), Wl_ref[...]) + bl_ref[...]
    xn = x + o
    xn_ref[0] = xn
    q_ref[0] = _dot(xn, Wq_ref[...]) * SCALE
    k_ref[0] = _dot(xn, Wk_ref[...])
    v_ref[0] = _dot(xn, Wv_ref[...])


def _global_body(xn_ref, q_ref, k_ref, v_ref, Wg_ref, bg_ref, out_ref):
    q = q_ref[0]
    kf = k_ref[0]
    vf = v_ref[0]
    acc = jnp.zeros((TQ, D_), F32)
    for h in range(H_):
        sl = slice(h * HD_, (h + 1) * HD_)
        sc = _dot_t(q[:, sl], kf[:, sl])
        m = jnp.max(sc, axis=1, keepdims=True)
        p = jnp.exp(sc - m)
        den = jnp.sum(p, axis=1, keepdims=True)
        sv = _dot(p, vf[:, sl])
        acc = acc + _dot(sv / den, Wg_ref[sl, :])
    out_ref[0] = xn_ref[0] + acc + bg_ref[...]


def _local_call(x, gcT, xyz4, Wm1a, Wm1b, bm1, Wm2, bm2,
                Wpos, bpos, Wl, bl, Wq, Wk, Wv):
    nb = x.shape[0]
    grid = (nb, N_ // TN)
    full = lambda shape: pl.BlockSpec(shape, lambda b, n: (0,) * len(shape))
    out_bs = pl.BlockSpec((1, TN, D_), lambda b, n: (b, n, 0))
    return pl.pallas_call(
        _local_body,
        grid=grid,
        in_specs=[
            pl.BlockSpec((1, TN, D_), lambda b, n: (b, n, 0)),
            pl.BlockSpec((1, K_, TN, _DC), lambda b, n: (b, 0, n, 0)),
            pl.BlockSpec((1, TN, 4), lambda b, n: (b, n, 0)),
            full((D_, D_)), full((D_, D_)), full((1, D_)),
            full((D_, H_)), full((1, H_)),
            full((4, D_)), full((1, D_)),
            full((D_, D_)), full((1, D_)),
            full((D_, D_)), full((D_, D_)), full((D_, D_)),
        ],
        out_specs=[out_bs, out_bs, out_bs, out_bs],
        out_shape=[jax.ShapeDtypeStruct((nb, N_, D_), F32)] * 4,
    )(x, gcT, xyz4, Wm1a, Wm1b, bm1, Wm2, bm2, Wpos, bpos, Wl, bl, Wq, Wk, Wv)


def _global_call(xn, q, k, v, Wg, bg):
    nb = xn.shape[0]
    grid = (nb, N_ // TQ)
    tile = pl.BlockSpec((1, TQ, D_), lambda b, n: (b, n, 0))
    row = pl.BlockSpec((1, N_, D_), lambda b, n: (b, 0, 0))
    return pl.pallas_call(
        _global_body,
        grid=grid,
        in_specs=[tile, tile, row, row,
                  pl.BlockSpec((D_, D_), lambda b, n: (0, 0)),
                  pl.BlockSpec((1, D_), lambda b, n: (0, 0))],
        out_specs=tile,
        out_shape=jax.ShapeDtypeStruct((nb, N_, D_), F32),
    )(xn, q, k, v, Wg, bg)


def kernel(x, xyz, W_pos, b_pos, W_m1, b_m1, W_m2, b_m2,
           W_lproj, b_lproj, W_q, W_k, W_v, W_gproj, b_gproj):
    r2 = lambda a: a.reshape(1, -1)
    xyz4 = jnp.pad(xyz, ((0, 0), (0, 0), (0, 1)))
    n2 = jnp.sum(xyz * xyz, -1)[:, None, :]
    xc = jnp.concatenate(
        [x, jnp.pad(xyz, ((0, 0), (0, 0), (0, _DC - D_ - 3)))], axis=-1)

    outs = []
    for b in range(B_):
        xb = x[b:b + 1]
        idxg = _topk_call(xyz4[b:b + 1], n2[b:b + 1])
        idxTg = jnp.swapaxes(idxg, 1, 2)
        gc_flat = _sc_gather(xc[b], idxTg.reshape(K_ * N_).astype(jnp.int32))
        gcT = gc_flat.reshape(1, K_, N_, _DC)
        xn, q, k, v = _local_call(
            xb, gcT, xyz4[b:b + 1],
            W_m1[:D_], W_m1[D_:], r2(b_m1), W_m2, r2(b_m2),
            W_pos, r2(b_pos), W_lproj, r2(b_lproj), W_q, W_k, W_v)
        outs.append(_global_call(xn, q, k, v, W_gproj, r2(b_gproj)))
    return jnp.concatenate(outs, axis=0)

# --- scband reference (transcript-rebuilt; emitter-appended) ---
"""Pipeline reference for scband-block-lgpa-64682207478092 (READ-ONLY COPY).

The authoritative reference and input builder live on the scoring server;
editing this copy changes nothing except your own understanding.
"""

import jax, jax.numpy as jnp
import numpy as np

B, N, DIM, HEADS, K = 4, 2048, 384, 8, 16
HD = DIM // HEADS
BN_EPS = 1e-5


def _bn_inf(x):
    # BatchNorm in inference mode with running_mean=0, running_var=1
    return x / jnp.sqrt(1.0 + BN_EPS)


def setup_inputs(seed: int = 0) -> dict:
    key = jax.random.key(seed)
    ks = jax.random.split(key, 12)
    def w(k, shape, fan):
        return (jax.random.normal(k, shape, jnp.float32) * (fan ** -0.5)).astype(jnp.float32)
    inp = {}
    inp['x'] = jax.random.normal(ks[0], (B, N, DIM), jnp.float32)
    inp['xyz'] = jax.random.uniform(ks[1], (B, N, 3), jnp.float32)
    # relative-position encoding MLP (rel xyz + sq dist -> dim)
    inp['W_pos'] = w(ks[2], (4, DIM), 4)
    inp['b_pos'] = jnp.zeros((DIM,), jnp.float32)
    # NewAttention score mlp: cat(q, k) (2*dim) -> dim -> num_heads
    inp['W_m1'] = w(ks[3], (2 * DIM, DIM), 2 * DIM)
    inp['b_m1'] = jnp.zeros((DIM,), jnp.float32)
    inp['W_m2'] = w(ks[4], (DIM, HEADS), DIM)
    inp['b_m2'] = jnp.zeros((HEADS,), jnp.float32)
    # NewAttention output proj
    inp['W_lproj'] = w(ks[5], (DIM, DIM), DIM)
    inp['b_lproj'] = jnp.zeros((DIM,), jnp.float32)
    # global Attention q/k/v (no bias) + proj
    inp['W_q'] = w(ks[6], (DIM, DIM), DIM)
    inp['W_k'] = w(ks[7], (DIM, DIM), DIM)
    inp['W_v'] = w(ks[8], (DIM, DIM), DIM)
    inp['W_gproj'] = w(ks[9], (DIM, DIM), DIM)
    inp['b_gproj'] = jnp.zeros((DIM,), jnp.float32)
    return inp


def reference(x, xyz, W_pos, b_pos, W_m1, b_m1, W_m2, b_m2, W_lproj, b_lproj, W_q, W_k, W_v, W_gproj, b_gproj):
    scale = HD ** -0.5
    # ---- knn grouping (square_distance + topk) ----
    sq = (-2.0 * jnp.einsum('bnd,bmd->bnm', xyz, xyz)
          + jnp.sum(xyz ** 2, -1)[:, :, None]
          + jnp.sum(xyz ** 2, -1)[:, None, :])
    _, idx = jax.lax.top_k(-sq, K)                      # [b,n,k] nearest neighbors
    gather = jax.vmap(lambda pts, i: pts[i])            # batched index_points
    gx = gather(x, idx)                                 # [b,n,k,d]
    gxyz = gather(xyz, idx)                             # [b,n,k,3]
    # ---- rel_fps_pos ----
    rel = gxyz - gxyz[:, :, 0:1, :]
    dist = jnp.sum(rel ** 2, -1, keepdims=True)
    pos = jnp.concatenate([rel, dist], -1) @ W_pos + b_pos   # [b,n,k,d]
    # ---- local NewAttention (vector attention over k neighbors) ----
    keyf = gx + pos
    q_exp = jnp.broadcast_to(x[:, :, None, :], keyf.shape)
    feat = jnp.concatenate([q_exp, keyf], -1)                # [b,n,k,2d]
    h = jax.nn.relu(_bn_inf(feat)) @ W_m1 + b_m1
    h = jax.nn.relu(_bn_inf(h)) @ W_m2 + b_m2                # [b,n,k,H]
    attn = jax.nn.softmax(h * scale, axis=2)
    v = keyf.reshape(B, N, K, HEADS, HD)
    out = jnp.einsum('bnkh,bnkhd->bnhd', attn, v).reshape(B, N, DIM)
    out = jax.nn.relu(_bn_inf(out)) @ W_lproj + b_lproj
    x = x + out
    # ---- global Attention (standard multi-head self-attention) ----
    q = (x @ W_q).reshape(B, N, HEADS, HD)
    k_ = (x @ W_k).reshape(B, N, HEADS, HD)
    v_ = (x @ W_v).reshape(B, N, HEADS, HD)
    a = jnp.einsum('bnhd,bmhd->bhnm', q, k_) * scale
    a = jax.nn.softmax(a, -1)
    go = jnp.einsum('bhnm,bmhd->bnhd', a, v_).reshape(B, N, DIM)
    go = go @ W_gproj + b_gproj
    return x + go

if __name__ == "__main__":
    import jax
    _d = setup_inputs()
    print(jax.jit(kernel)(*tuple(_d.values())))

</pallas_src>

<mosaic_0001>
#map = affine_map<(d0, d1) -> (0, 0)>
#map1 = affine_map<(d0, d1) -> (0)>
module attributes {stable_mosaic.version = 14 : i64} {
  func.func @_sc_gather_body(%arg0: i32, %arg1: i32, %arg2: memref<2048x512xf32, #tpu.memory_space<hbm>>, %arg3: memref<32768xi32, #tpu.memory_space<hbm>>, %arg4: memref<32768x512xf32, #tpu.memory_space<hbm>>, %arg5: memref<128xi32, #tpu.memory_space<vmem>>, %arg6: memref<128x512xf32, #tpu.memory_space<vmem>>, %arg7: memref<!tpu.dma_semaphore, #tpu.memory_space<semaphore_mem>>) attributes {dimension_semantics = [#tpu.dimension_semantics<core_parallel>, #tpu.dimension_semantics<subcore_parallel>], iteration_bounds = array<i64: 2, 16>, scalar_prefetch = 0 : i64, scratch_operands = 3 : i64, tpu.core_type = #tpu.core_type<sc_vector_subcore>, window_params = [{transform_indices = #map}, {transform_indices = #map1}, {transform_indices = #map}]} {
    %mul3A = arith.constant 2 : i32
    %mul3A_0 = arith.muli %arg1, %mul3A : i32
    %add3A = arith.addi %mul3A_0, %arg0 : i32
    %mul3A_1 = arith.constant 1024 : i32
    %mul3A_2 = arith.muli %add3A, %mul3A_1 : i32
    %scan3A = arith.constant 0 : i32
    %scan3A_3 = arith.constant 0 : i32
    %scan3A_4 = arith.constant 8 : i32
    %scan3A_5 = arith.addi %scan3A_3, %scan3A_4 : i32
    %scan3A_6 = arith.constant 1 : i32
    scf.for %scan3A_8 = %scan3A_3 to %scan3A_5 step %scan3A_6  : i32 {
      %mul3A_9 = arith.constant 128 : i32
      %mul3A_10 = arith.muli %scan3A_8, %mul3A_9 : i32
      %add3A_11 = arith.addi %mul3A_2, %mul3A_10 : i32
      "tpu.region"() ({
        %run_scoped3A = tpu.sem_alloc : memref<!tpu.dma_semaphore, #tpu.memory_space<semaphore_mem>>
        %dma_start3A_16 = tpu.memref_slice %arg3[%add3A_11] : memref<32768xi32, #tpu.memory_space<hbm>> -> memref<128xi32, #tpu.memory_space<hbm>>
        %dma_start3A_17 = tpu.memref_slice %arg3[%add3A_11] : memref<32768xi32, #tpu.memory_space<hbm>> -> memref<128xi32, #tpu.memory_space<hbm>>
        tpu.enqueue_dma source(%dma_start3A_17 : memref<128xi32, #tpu.memory_space<hbm>>) target(%arg5 : memref<128xi32, #tpu.memory_space<vmem>>) target_semaphore(%run_scoped3A : memref<!tpu.dma_semaphore, #tpu.memory_space<semaphore_mem>>)
        %dma_wait3A_18 = tpu.memref_slice %arg3[%add3A_11] : memref<32768xi32, #tpu.memory_space<hbm>> -> memref<128xi32, #tpu.memory_space<hbm>>
        %dma_wait3A_19 = tpu.memref_slice %arg3[%add3A_11] : memref<32768xi32, #tpu.memory_space<hbm>> -> memref<128xi32, #tpu.memory_space<hbm>>
        tpu.wait_dma2 semaphore(%run_scoped3A : memref<!tpu.dma_semaphore, #tpu.memory_space<semaphore_mem>>) src(%dma_wait3A_19 : memref<128xi32, #tpu.memory_space<hbm>>) dst(%arg5 : memref<128xi32, #tpu.memory_space<vmem>>)
        tpu.yield
      }) : () -> ()
      %dma_start3A = arith.constant 0 : i32
      %dma_start3A_12 = arith.constant 0 : i32
      %dma_start3A_13 = tpu.memref_slice %arg2[%dma_start3A, %dma_start3A_12] : memref<2048x512xf32, #tpu.memory_space<hbm>> -> memref<2048x512xf32, #tpu.memory_space<hbm>>
      tpu.enqueue_indirect_dma source(%dma_start3A_13 : memref<2048x512xf32, #tpu.memory_space<hbm>>) target(%arg6 : memref<128x512xf32, #tpu.memory_space<vmem>>) offsets(%arg5 : memref<128xi32, #tpu.memory_space<vmem>>) semaphore(%arg7 : memref<!tpu.dma_semaphore, #tpu.memory_space<semaphore_mem>>)
      %dma_wait3A = arith.constant 0 : i32
      %dma_wait3A_14 = arith.constant 0 : i32
      %dma_wait3A_15 = tpu.memref_slice %arg2[%dma_wait3A, %dma_wait3A_14] : memref<2048x512xf32, #tpu.memory_space<hbm>> -> memref<2048x512xf32, #tpu.memory_space<hbm>>
      tpu.wait_indirect_dma semaphore(%arg7 : memref<!tpu.dma_semaphore, #tpu.memory_space<semaphore_mem>>) src(%dma_wait3A_15 : memref<2048x512xf32, #tpu.memory_space<hbm>>) dst(%arg6 : memref<128x512xf32, #tpu.memory_space<vmem>>)
      "tpu.region"() ({
        %run_scoped3A = tpu.sem_alloc : memref<!tpu.dma_semaphore, #tpu.memory_space<semaphore_mem>>
        %dma_start3A_16 = arith.constant 0 : i32
        %dma_start3A_17 = tpu.memref_slice %arg4[%add3A_11, %dma_start3A_16] : memref<32768x512xf32, #tpu.memory_space<hbm>> -> memref<128x512xf32, #tpu.memory_space<hbm>>
        %dma_start3A_18 = arith.constant 0 : i32
        %dma_start3A_19 = tpu.memref_slice %arg4[%add3A_11, %dma_start3A_18] : memref<32768x512xf32, #tpu.memory_space<hbm>> -> memref<128x512xf32, #tpu.memory_space<hbm>>
        tpu.enqueue_dma source(%arg6 : memref<128x512xf32, #tpu.memory_space<vmem>>) target(%dma_start3A_19 : memref<128x512xf32, #tpu.memory_space<hbm>>) target_semaphore(%run_scoped3A : memref<!tpu.dma_semaphore, #tpu.memory_space<semaphore_mem>>)
        %dma_wait3A_20 = arith.constant 0 : i32
        %dma_wait3A_21 = tpu.memref_slice %arg4[%add3A_11, %dma_wait3A_20] : memref<32768x512xf32, #tpu.memory_space<hbm>> -> memref<128x512xf32, #tpu.memory_space<hbm>>
        %dma_wait3A_22 = arith.constant 0 : i32
        %dma_wait3A_23 = tpu.memref_slice %arg4[%add3A_11, %dma_wait3A_22] : memref<32768x512xf32, #tpu.memory_space<hbm>> -> memref<128x512xf32, #tpu.memory_space<hbm>>
        tpu.wait_dma2 semaphore(%run_scoped3A : memref<!tpu.dma_semaphore, #tpu.memory_space<semaphore_mem>>) src(%arg6 : memref<128x512xf32, #tpu.memory_space<vmem>>) dst(%dma_wait3A_23 : memref<128x512xf32, #tpu.memory_space<hbm>>)
        tpu.yield
      }) : () -> ()
    }
    %scan3A_7 = arith.constant 8 : i32
    return
  }
}

#map = affine_map<(d0, d1) -> (0, 0)>
#map1 = affine_map<(d0, d1) -> (0)>
module attributes {stable_mosaic.version = 14 : i64} {
  func.func @_sc_gather_body(%arg0: i32, %arg1: i32, %arg2: memref<2048x512xf32, #tpu.memory_space<hbm>>, %arg3: memref<32768xi32, #tpu.memory_space<hbm>>, %arg4: memref<32768x512xf32, #tpu.memory_space<hbm>>, %arg5: memref<128xi32, #tpu.memory_space<vmem>>, %arg6: memref<128x512xf32, #tpu.memory_space<vmem>>, %arg7: memref<!tpu.dma_semaphore, #tpu.memory_space<semaphore_mem>>) attributes {dimension_semantics = [#tpu.dimension_semantics<core_parallel>, #tpu.dimension_semantics<subcore_parallel>], iteration_bounds = array<i64: 2, 16>, scalar_prefetch = 0 : i64, scratch_operands = 3 : i64, tpu.core_type = #tpu.core_type<sc_vector_subcore>, window_params = [{transform_indices = #map}, {transform_indices = #map1}, {transform_indices = #map}]} {
    %mul3A = arith.constant 2 : i32
    %mul3A_0 = arith.muli %arg1, %mul3A : i32
    %add3A = arith.addi %mul3A_0, %arg0 : i32
    %mul3A_1 = arith.constant 1024 : i32
    %mul3A_2 = arith.muli %add3A, %mul3A_1 : i32
    %scan3A = arith.constant 0 : i32
    %scan3A_3 = arith.constant 0 : i32
    %scan3A_4 = arith.constant 8 : i32
    %scan3A_5 = arith.addi %scan3A_3, %scan3A_4 : i32
    %scan3A_6 = arith.constant 1 : i32
    scf.for %scan3A_8 = %scan3A_3 to %scan3A_5 step %scan3A_6  : i32 {
      %mul3A_9 = arith.constant 128 : i32
      %mul3A_10 = arith.muli %scan3A_8, %mul3A_9 : i32
      %add3A_11 = arith.addi %mul3A_2, %mul3A_10 : i32
      "tpu.region"() ({
        %run_scoped3A = tpu.sem_alloc : memref<!tpu.dma_semaphore, #tpu.memory_space<semaphore_mem>>
        %dma_start3A_16 = tpu.memref_slice %arg3[%add3A_11] : memref<32768xi32, #tpu.memory_space<hbm>> -> memref<128xi32, #tpu.memory_space<hbm>>
        %dma_start3A_17 = tpu.memref_slice %arg3[%add3A_11] : memref<32768xi32, #tpu.memory_space<hbm>> -> memref<128xi32, #tpu.memory_space<hbm>>
        tpu.enqueue_dma source(%dma_start3A_17 : memref<128xi32, #tpu.memory_space<hbm>>) target(%arg5 : memref<128xi32, #tpu.memory_space<vmem>>) target_semaphore(%run_scoped3A : memref<!tpu.dma_semaphore, #tpu.memory_space<semaphore_mem>>)
        %dma_wait3A_18 = tpu.memref_slice %arg3[%add3A_11] : memref<32768xi32, #tpu.memory_space<hbm>> -> memref<128xi32, #tpu.memory_space<hbm>>
        %dma_wait3A_19 = tpu.memref_slice %arg3[%add3A_11] : memref<32768xi32, #tpu.memory_space<hbm>> -> memref<128xi32, #tpu.memory_space<hbm>>
        tpu.wait_dma2 semaphore(%run_scoped3A : memref<!tpu.dma_semaphore, #tpu.memory_space<semaphore_mem>>) src(%dma_wait3A_19 : memref<128xi32, #tpu.memory_space<hbm>>) dst(%arg5 : memref<128xi32, #tpu.memory_space<vmem>>)
        tpu.yield
      }) : () -> ()
      %dma_start3A = arith.constant 0 : i32
      %dma_start3A_12 = arith.constant 0 : i32
      %dma_start3A_13 = tpu.memref_slice %arg2[%dma_start3A, %dma_start3A_12] : memref<2048x512xf32, #tpu.memory_space<hbm>> -> memref<2048x512xf32, #tpu.memory_space<hbm>>
      tpu.enqueue_indirect_dma source(%dma_start3A_13 : memref<2048x512xf32, #tpu.memory_space<hbm>>) target(%arg6 : memref<128x512xf32, #tpu.memory_space<vmem>>) offsets(%arg5 : memref<128xi32, #tpu.memory_space<vmem>>) semaphore(%arg7 : memref<!tpu.dma_semaphore, #tpu.memory_space<semaphore_mem>>)
      %dma_wait3A = arith.constant 0 : i32
      %dma_wait3A_14 = arith.constant 0 : i32
      %dma_wait3A_15 = tpu.memref_slice %arg2[%dma_wait3A, %dma_wait3A_14] : memref<2048x512xf32, #tpu.memory_space<hbm>> -> memref<2048x512xf32, #tpu.memory_space<hbm>>
      tpu.wait_indirect_dma semaphore(%arg7 : memref<!tpu.dma_semaphore, #tpu.memory_space<semaphore_mem>>) src(%dma_wait3A_15 : memref<2048x512xf32, #tpu.memory_space<hbm>>) dst(%arg6 : memref<128x512xf32, #tpu.memory_space<vmem>>)
      "tpu.region"() ({
        %run_scoped3A = tpu.sem_alloc : memref<!tpu.dma_semaphore, #tpu.memory_space<semaphore_mem>>
        %dma_start3A_16 = arith.constant 0 : i32
        %dma_start3A_17 = tpu.memref_slice %arg4[%add3A_11, %dma_start3A_16] : memref<32768x512xf32, #tpu.memory_space<hbm>> -> memref<128x512xf32, #tpu.memory_space<hbm>>
        %dma_start3A_18 = arith.constant 0 : i32
        %dma_start3A_19 = tpu.memref_slice %arg4[%add3A_11, %dma_start3A_18] : memref<32768x512xf32, #tpu.memory_space<hbm>> -> memref<128x512xf32, #tpu.memory_space<hbm>>
        tpu.enqueue_dma source(%arg6 : memref<128x512xf32, #tpu.memory_space<vmem>>) target(%dma_start3A_19 : memref<128x512xf32, #tpu.memory_space<hbm>>) target_semaphore(%run_scoped3A : memref<!tpu.dma_semaphore, #tpu.memory_space<semaphore_mem>>)
        %dma_wait3A_20 = arith.constant 0 : i32
        %dma_wait3A_21 = tpu.memref_slice %arg4[%add3A_11, %dma_wait3A_20] : memref<32768x512xf32, #tpu.memory_space<hbm>> -> memref<128x512xf32, #tpu.memory_space<hbm>>
        %dma_wait3A_22 = arith.constant 0 : i32
        %dma_wait3A_23 = tpu.memref_slice %arg4[%add3A_11, %dma_wait3A_22] : memref<32768x512xf32, #tpu.memory_space<hbm>> -> memref<128x512xf32, #tpu.memory_space<hbm>>
        tpu.wait_dma2 semaphore(%run_scoped3A : memref<!tpu.dma_semaphore, #tpu.memory_space<semaphore_mem>>) src(%arg6 : memref<128x512xf32, #tpu.memory_space<vmem>>) dst(%dma_wait3A_23 : memref<128x512xf32, #tpu.memory_space<hbm>>)
        tpu.yield
      }) : () -> ()
    }
    %scan3A_7 = arith.constant 8 : i32
    return
  }
}

#map = affine_map<(d0, d1) -> (0, 0)>
#map1 = affine_map<(d0, d1) -> (0)>
module attributes {stable_mosaic.version = 14 : i64} {
  func.func @_sc_gather_body(%arg0: i32, %arg1: i32, %arg2: memref<2048x512xf32, #tpu.memory_space<hbm>>, %arg3: memref<32768xi32, #tpu.memory_space<hbm>>, %arg4: memref<32768x512xf32, #tpu.memory_space<hbm>>, %arg5: memref<128xi32, #tpu.memory_space<vmem>>, %arg6: memref<128x512xf32, #tpu.memory_space<vmem>>, %arg7: memref<!tpu.dma_semaphore, #tpu.memory_space<semaphore_mem>>) attributes {dimension_semantics = [#tpu.dimension_semantics<core_parallel>, #tpu.dimension_semantics<subcore_parallel>], iteration_bounds = array<i64: 2, 16>, scalar_prefetch = 0 : i64, scratch_operands = 3 : i64, tpu.core_type = #tpu.core_type<sc_vector_subcore>, window_params = [{transform_indices = #map}, {transform_indices = #map1}, {transform_indices = #map}]} {
    %mul3A = arith.constant 2 : i32
    %mul3A_0 = arith.muli %arg1, %mul3A : i32
    %add3A = arith.addi %mul3A_0, %arg0 : i32
    %mul3A_1 = arith.constant 1024 : i32
    %mul3A_2 = arith.muli %add3A, %mul3A_1 : i32
    %scan3A = arith.constant 0 : i32
    %scan3A_3 = arith.constant 0 : i32
    %scan3A_4 = arith.constant 8 : i32
    %scan3A_5 = arith.addi %scan3A_3, %scan3A_4 : i32
    %scan3A_6 = arith.constant 1 : i32
    scf.for %scan3A_8 = %scan3A_3 to %scan3A_5 step %scan3A_6  : i32 {
      %mul3A_9 = arith.constant 128 : i32
      %mul3A_10 = arith.muli %scan3A_8, %mul3A_9 : i32
      %add3A_11 = arith.addi %mul3A_2, %mul3A_10 : i32
      "tpu.region"() ({
        %run_scoped3A = tpu.sem_alloc : memref<!tpu.dma_semaphore, #tpu.memory_space<semaphore_mem>>
        %dma_start3A_16 = tpu.memref_slice %arg3[%add3A_11] : memref<32768xi32, #tpu.memory_space<hbm>> -> memref<128xi32, #tpu.memory_space<hbm>>
        %dma_start3A_17 = tpu.memref_slice %arg3[%add3A_11] : memref<32768xi32, #tpu.memory_space<hbm>> -> memref<128xi32, #tpu.memory_space<hbm>>
        tpu.enqueue_dma source(%dma_start3A_17 : memref<128xi32, #tpu.memory_space<hbm>>) target(%arg5 : memref<128xi32, #tpu.memory_space<vmem>>) target_semaphore(%run_scoped3A : memref<!tpu.dma_semaphore, #tpu.memory_space<semaphore_mem>>)
        %dma_wait3A_18 = tpu.memref_slice %arg3[%add3A_11] : memref<32768xi32, #tpu.memory_space<hbm>> -> memref<128xi32, #tpu.memory_space<hbm>>
        %dma_wait3A_19 = tpu.memref_slice %arg3[%add3A_11] : memref<32768xi32, #tpu.memory_space<hbm>> -> memref<128xi32, #tpu.memory_space<hbm>>
        tpu.wait_dma2 semaphore(%run_scoped3A : memref<!tpu.dma_semaphore, #tpu.memory_space<semaphore_mem>>) src(%dma_wait3A_19 : memref<128xi32, #tpu.memory_space<hbm>>) dst(%arg5 : memref<128xi32, #tpu.memory_space<vmem>>)
        tpu.yield
      }) : () -> ()
      %dma_start3A = arith.constant 0 : i32
      %dma_start3A_12 = arith.constant 0 : i32
      %dma_start3A_13 = tpu.memref_slice %arg2[%dma_start3A, %dma_start3A_12] : memref<2048x512xf32, #tpu.memory_space<hbm>> -> memref<2048x512xf32, #tpu.memory_space<hbm>>
      tpu.enqueue_indirect_dma source(%dma_start3A_13 : memref<2048x512xf32, #tpu.memory_space<hbm>>) target(%arg6 : memref<128x512xf32, #tpu.memory_space<vmem>>) offsets(%arg5 : memref<128xi32, #tpu.memory_space<vmem>>) semaphore(%arg7 : memref<!tpu.dma_semaphore, #tpu.memory_space<semaphore_mem>>)
      %dma_wait3A = arith.constant 0 : i32
      %dma_wait3A_14 = arith.constant 0 : i32
      %dma_wait3A_15 = tpu.memref_slice %arg2[%dma_wait3A, %dma_wait3A_14] : memref<2048x512xf32, #tpu.memory_space<hbm>> -> memref<2048x512xf32, #tpu.memory_space<hbm>>
      tpu.wait_indirect_dma semaphore(%arg7 : memref<!tpu.dma_semaphore, #tpu.memory_space<semaphore_mem>>) src(%dma_wait3A_15 : memref<2048x512xf32, #tpu.memory_space<hbm>>) dst(%arg6 : memref<128x512xf32, #tpu.memory_space<vmem>>)
      "tpu.region"() ({
        %run_scoped3A = tpu.sem_alloc : memref<!tpu.dma_semaphore, #tpu.memory_space<semaphore_mem>>
        %dma_start3A_16 = arith.constant 0 : i32
        %dma_start3A_17 = tpu.memref_slice %arg4[%add3A_11, %dma_start3A_16] : memref<32768x512xf32, #tpu.memory_space<hbm>> -> memref<128x512xf32, #tpu.memory_space<hbm>>
        %dma_start3A_18 = arith.constant 0 : i32
        %dma_start3A_19 = tpu.memref_slice %arg4[%add3A_11, %dma_start3A_18] : memref<32768x512xf32, #tpu.memory_space<hbm>> -> memref<128x512xf32, #tpu.memory_space<hbm>>
        tpu.enqueue_dma source(%arg6 : memref<128x512xf32, #tpu.memory_space<vmem>>) target(%dma_start3A_19 : memref<128x512xf32, #tpu.memory_space<hbm>>) target_semaphore(%run_scoped3A : memref<!tpu.dma_semaphore, #tpu.memory_space<semaphore_mem>>)
        %dma_wait3A_20 = arith.constant 0 : i32
        %dma_wait3A_21 = tpu.memref_slice %arg4[%add3A_11, %dma_wait3A_20] : memref<32768x512xf32, #tpu.memory_space<hbm>> -> memref<128x512xf32, #tpu.memory_space<hbm>>
        %dma_wait3A_22 = arith.constant 0 : i32
        %dma_wait3A_23 = tpu.memref_slice %arg4[%add3A_11, %dma_wait3A_22] : memref<32768x512xf32, #tpu.memory_space<hbm>> -> memref<128x512xf32, #tpu.memory_space<hbm>>
        tpu.wait_dma2 semaphore(%run_scoped3A : memref<!tpu.dma_semaphore, #tpu.memory_space<semaphore_mem>>) src(%arg6 : memref<128x512xf32, #tpu.memory_space<vmem>>) dst(%dma_wait3A_23 : memref<128x512xf32, #tpu.memory_space<hbm>>)
        tpu.yield
      }) : () -> ()
    }
    %scan3A_7 = arith.constant 8 : i32
    return
  }
}

#map = affine_map<(d0, d1) -> (0, 0)>
#map1 = affine_map<(d0, d1) -> (0)>
module attributes {stable_mosaic.version = 14 : i64} {
  func.func @_sc_gather_body(%arg0: i32, %arg1: i32, %arg2: memref<2048x512xf32, #tpu.memory_space<hbm>>, %arg3: memref<32768xi32, #tpu.memory_space<hbm>>, %arg4: memref<32768x512xf32, #tpu.memory_space<hbm>>, %arg5: memref<128xi32, #tpu.memory_space<vmem>>, %arg6: memref<128x512xf32, #tpu.memory_space<vmem>>, %arg7: memref<!tpu.dma_semaphore, #tpu.memory_space<semaphore_mem>>) attributes {dimension_semantics = [#tpu.dimension_semantics<core_parallel>, #tpu.dimension_semantics<subcore_parallel>], iteration_bounds = array<i64: 2, 16>, scalar_prefetch = 0 : i64, scratch_operands = 3 : i64, tpu.core_type = #tpu.core_type<sc_vector_subcore>, window_params = [{transform_indices = #map}, {transform_indices = #map1}, {transform_indices = #map}]} {
    %mul3A = arith.constant 2 : i32
    %mul3A_0 = arith.muli %arg1, %mul3A : i32
    %add3A = arith.addi %mul3A_0, %arg0 : i32
    %mul3A_1 = arith.constant 1024 : i32
    %mul3A_2 = arith.muli %add3A, %mul3A_1 : i32
    %scan3A = arith.constant 0 : i32
    %scan3A_3 = arith.constant 0 : i32
    %scan3A_4 = arith.constant 8 : i32
    %scan3A_5 = arith.addi %scan3A_3, %scan3A_4 : i32
    %scan3A_6 = arith.constant 1 : i32
    scf.for %scan3A_8 = %scan3A_3 to %scan3A_5 step %scan3A_6  : i32 {
      %mul3A_9 = arith.constant 128 : i32
      %mul3A_10 = arith.muli %scan3A_8, %mul3A_9 : i32
      %add3A_11 = arith.addi %mul3A_2, %mul3A_10 : i32
      "tpu.region"() ({
        %run_scoped3A = tpu.sem_alloc : memref<!tpu.dma_semaphore, #tpu.memory_space<semaphore_mem>>
        %dma_start3A_16 = tpu.memref_slice %arg3[%add3A_11] : memref<32768xi32, #tpu.memory_space<hbm>> -> memref<128xi32, #tpu.memory_space<hbm>>
        %dma_start3A_17 = tpu.memref_slice %arg3[%add3A_11] : memref<32768xi32, #tpu.memory_space<hbm>> -> memref<128xi32, #tpu.memory_space<hbm>>
        tpu.enqueue_dma source(%dma_start3A_17 : memref<128xi32, #tpu.memory_space<hbm>>) target(%arg5 : memref<128xi32, #tpu.memory_space<vmem>>) target_semaphore(%run_scoped3A : memref<!tpu.dma_semaphore, #tpu.memory_space<semaphore_mem>>)
        %dma_wait3A_18 = tpu.memref_slice %arg3[%add3A_11] : memref<32768xi32, #tpu.memory_space<hbm>> -> memref<128xi32, #tpu.memory_space<hbm>>
        %dma_wait3A_19 = tpu.memref_slice %arg3[%add3A_11] : memref<32768xi32, #tpu.memory_space<hbm>> -> memref<128xi32, #tpu.memory_space<hbm>>
        tpu.wait_dma2 semaphore(%run_scoped3A : memref<!tpu.dma_semaphore, #tpu.memory_space<semaphore_mem>>) src(%dma_wait3A_19 : memref<128xi32, #tpu.memory_space<hbm>>) dst(%arg5 : memref<128xi32, #tpu.memory_space<vmem>>)
        tpu.yield
      }) : () -> ()
      %dma_start3A = arith.constant 0 : i32
      %dma_start3A_12 = arith.constant 0 : i32
      %dma_start3A_13 = tpu.memref_slice %arg2[%dma_start3A, %dma_start3A_12] : memref<2048x512xf32, #tpu.memory_space<hbm>> -> memref<2048x512xf32, #tpu.memory_space<hbm>>
      tpu.enqueue_indirect_dma source(%dma_start3A_13 : memref<2048x512xf32, #tpu.memory_space<hbm>>) target(%arg6 : memref<128x512xf32, #tpu.memory_space<vmem>>) offsets(%arg5 : memref<128xi32, #tpu.memory_space<vmem>>) semaphore(%arg7 : memref<!tpu.dma_semaphore, #tpu.memory_space<semaphore_mem>>)
      %dma_wait3A = arith.constant 0 : i32
      %dma_wait3A_14 = arith.constant 0 : i32
      %dma_wait3A_15 = tpu.memref_slice %arg2[%dma_wait3A, %dma_wait3A_14] : memref<2048x512xf32, #tpu.memory_space<hbm>> -> memref<2048x512xf32, #tpu.memory_space<hbm>>
      tpu.wait_indirect_dma semaphore(%arg7 : memref<!tpu.dma_semaphore, #tpu.memory_space<semaphore_mem>>) src(%dma_wait3A_15 : memref<2048x512xf32, #tpu.memory_space<hbm>>) dst(%arg6 : memref<128x512xf32, #tpu.memory_space<vmem>>)
      "tpu.region"() ({
        %run_scoped3A = tpu.sem_alloc : memref<!tpu.dma_semaphore, #tpu.memory_space<semaphore_mem>>
        %dma_start3A_16 = arith.constant 0 : i32
        %dma_start3A_17 = tpu.memref_slice %arg4[%add3A_11, %dma_start3A_16] : memref<32768x512xf32, #tpu.memory_space<hbm>> -> memref<128x512xf32, #tpu.memory_space<hbm>>
        %dma_start3A_18 = arith.constant 0 : i32
        %dma_start3A_19 = tpu.memref_slice %arg4[%add3A_11, %dma_start3A_18] : memref<32768x512xf32, #tpu.memory_space<hbm>> -> memref<128x512xf32, #tpu.memory_space<hbm>>
        tpu.enqueue_dma source(%arg6 : memref<128x512xf32, #tpu.memory_space<vmem>>) target(%dma_start3A_19 : memref<128x512xf32, #tpu.memory_space<hbm>>) target_semaphore(%run_scoped3A : memref<!tpu.dma_semaphore, #tpu.memory_space<semaphore_mem>>)
        %dma_wait3A_20 = arith.constant 0 : i32
        %dma_wait3A_21 = tpu.memref_slice %arg4[%add3A_11, %dma_wait3A_20] : memref<32768x512xf32, #tpu.memory_space<hbm>> -> memref<128x512xf32, #tpu.memory_space<hbm>>
        %dma_wait3A_22 = arith.constant 0 : i32
        %dma_wait3A_23 = tpu.memref_slice %arg4[%add3A_11, %dma_wait3A_22] : memref<32768x512xf32, #tpu.memory_space<hbm>> -> memref<128x512xf32, #tpu.memory_space<hbm>>
        tpu.wait_dma2 semaphore(%run_scoped3A : memref<!tpu.dma_semaphore, #tpu.memory_space<semaphore_mem>>) src(%arg6 : memref<128x512xf32, #tpu.memory_space<vmem>>) dst(%dma_wait3A_23 : memref<128x512xf32, #tpu.memory_space<hbm>>)
        tpu.yield
      }) : () -> ()
    }
    %scan3A_7 = arith.constant 8 : i32
    return
  }
}

module attributes {stable_mosaic.version = 14 : i64} {
  func.func @_topk_body(%arg0: i32, %arg1: i32, %arg2: memref<1x512x4xf32, #tpu.memory_space<vmem>>, %arg3: memref<1x2048x4xf32, #tpu.memory_space<vmem>>, %arg4: memref<1x1x2048xf32, #tpu.memory_space<vmem>>, %arg5: memref<1x512x16xi32, #tpu.memory_space<vmem>>) attributes {dimension_semantics = [#tpu.dimension_semantics<arbitrary>, #tpu.dimension_semantics<arbitrary>], iteration_bounds = array<i64: 1, 4>, scalar_prefetch = 0 : i64, scratch_operands = 0 : i64, tpu.core_type = #tpu.core_type<tc>, window_params = [{transform_indices = @transform_0, window_bounds = array<i64: 1, 512, 4>}, {transform_indices = @transform_1, window_bounds = array<i64: 1, 2048, 4>}, {transform_indices = @transform_2, window_bounds = array<i64: 1, 1, 2048>}, {transform_indices = @transform_3, window_bounds = array<i64: 1, 512, 16>}]} {
    %get3A = arith.constant 0 : index
    %get3A_0 = arith.constant 0 : index
    %get3A_1 = arith.constant 0 : index
    %get3A_2 = vector.load %arg2[%get3A, %get3A_0, %get3A_1] : memref<1x512x4xf32, #tpu.memory_space<vmem>>, vector<1x512x4xf32>
    %get3A_3 = vector.shape_cast %get3A_2 : vector<1x512x4xf32> to vector<512x4xf32>
    %mul3A = arith.mulf %get3A_3, %get3A_3 : vector<512x4xf32>
    %reduce_sum3A = arith.constant dense<0.000000e+00> : vector<512xf32>
    %reduce_sum3A_4 = vector.multi_reduction <add>, %mul3A, %reduce_sum3A [1] : vector<512x4xf32> to vector<512xf32>
    %broadcast_in_dim3A = vector.shape_cast %reduce_sum3A_4 : vector<512xf32> to vector<512x1xf32>
    %get3A_5 = arith.constant 0 : index
    %get3A_6 = arith.constant 0 : index
    %get3A_7 = arith.constant 0 : index
    %get3A_8 = vector.load %arg4[%get3A_5, %get3A_6, %get3A_7] : memref<1x1x2048xf32, #tpu.memory_space<vmem>>, vector<1x1x2048xf32>
    %get3A_9 = vector.shape_cast %get3A_8 : vector<1x1x2048xf32> to vector<1x2048xf32>
    %add3A = vector.broadcast %broadcast_in_dim3A : vector<512x1xf32> to vector<512x2048xf32>
    %add3A_10 = vector.broadcast %get3A_9 : vector<1x2048xf32> to vector<512x2048xf32>
    %add3A_11 = arith.addf %add3A, %add3A_10 : vector<512x2048xf32>
    %get3A_12 = arith.constant 0 : index
    %get3A_13 = arith.constant 0 : index
    %get3A_14 = arith.constant 0 : index
    %get3A_15 = vector.load %arg3[%get3A_12, %get3A_13, %get3A_14] : memref<1x2048x4xf32, #tpu.memory_space<vmem>>, vector<1x2048x4xf32>
    %get3A_16 = vector.shape_cast %get3A_15 : vector<1x2048x4xf32> to vector<2048x4xf32>
    %dot_general3A = arith.constant dense<0.000000e+00> : vector<512x2048xf32>
    %dot_general3A_17 = tpu.matmul %get3A_3, %get3A_16, %dot_general3A {dimension_numbers = #tpu.dot_dimension_numbers<[1], [1], [0], [0], [0, 0, 1, 0], [], []>, transpose_lhs_hint = false} : vector<512x4xf32>, vector<2048x4xf32>, vector<512x2048xf32> -> vector<512x2048xf32>
    %mul3A_18 = arith.constant 2.000000e+00 : f32
    %mul3A_19 = vector.broadcast %mul3A_18 : f32 to vector<512x2048xf32>
    %mul3A_20 = arith.mulf %mul3A_19, %dot_general3A_17 : vector<512x2048xf32>
    %sub3A = arith.subf %add3A_11, %mul3A_20 : vector<512x2048xf32>
    %iota3A = tpu.iota {dimensions = array<i32: 1>} : vector<512x2048xi32>
    %iota3A_21 = tpu.iota {dimensions = array<i32: 1>} : vector<512x16xi32>
    %broadcast_in_dim3A_22 = arith.constant 0 : i32
    %broadcast_in_dim3A_23 = vector.broadcast %broadcast_in_dim3A_22 : i32 to vector<512x16xi32>
    %reduce_min3A = arith.constant dense<0x7F800000> : vector<512xf32>
    %reduce_min3A_24 = vector.multi_reduction <minimumf>, %sub3A, %reduce_min3A [1] : vector<512x2048xf32> to vector<512xf32>
    %broadcast_in_dim3A_25 = vector.shape_cast %reduce_min3A_24 : vector<512xf32> to vector<512x1xf32>
    %eq3A = vector.broadcast %broadcast_in_dim3A_25 : vector<512x1xf32> to vector<512x2048xf32>
    %eq3A_26 = arith.cmpf oeq, %sub3A, %eq3A : vector<512x2048xf32>
    %jit3A = arith.constant 2048 : i32
    %broadcast_in_dim3A_27 = vector.broadcast %jit3A : i32 to vector<512x2048xi32>
    %select_n3A = arith.select %eq3A_26, %iota3A, %broadcast_in_dim3A_27 : vector<512x2048xi1>, vector<512x2048xi32>
    %reduce_min3A_28 = arith.constant dense<2147483647> : vector<512xi32>
    %reduce_min3A_29 = vector.multi_reduction <minsi>, %select_n3A, %reduce_min3A_28 [1] : vector<512x2048xi32> to vector<512xi32>
    %broadcast_in_dim3A_30 = vector.shape_cast %reduce_min3A_29 : vector<512xi32> to vector<512x1xi32>
    %eq3A_31 = arith.constant 0 : i32
    %eq3A_32 = vector.broadcast %eq3A_31 : i32 to vector<512x16xi32>
    %eq3A_33 = arith.cmpi eq, %iota3A_21, %eq3A_32 : vector<512x16xi32>
    %mul3A_34 = arith.constant 2048 : i32
    %mul3A_35 = arith.muli %arg0, %mul3A_34 : i32
    %add3A_36 = vector.broadcast %mul3A_35 : i32 to vector<512x1xi32>
    %add3A_37 = arith.addi %broadcast_in_dim3A_30, %add3A_36 : vector<512x1xi32>
    %broadcast_in_dim3A_38 = vector.shape_cast %add3A_37 : vector<512x1xi32> to vector<512x1xi32>
    %broadcast_in_dim3A_39 = vector.broadcast %broadcast_in_dim3A_38 : vector<512x1xi32> to vector<512x16xi32>
    %select_n3A_40 = arith.select %eq3A_33, %broadcast_in_dim3A_39, %broadcast_in_dim3A_23 : vector<512x16xi1>, vector<512x16xi32>
    %eq3A_41 = vector.broadcast %broadcast_in_dim3A_30 : vector<512x1xi32> to vector<512x2048xi32>
    %eq3A_42 = arith.cmpi eq, %iota3A, %eq3A_41 : vector<512x2048xi32>
    %jit3A_43 = arith.constant 0x7F800000 : f32
    %broadcast_in_dim3A_44 = vector.broadcast %jit3A_43 : f32 to vector<512x2048xf32>
    %select_n3A_45 = arith.select %eq3A_42, %broadcast_in_dim3A_44, %sub3A : vector<512x2048xi1>, vector<512x2048xf32>
    %reduce_min3A_46 = arith.constant dense<0x7F800000> : vector<512xf32>
    %reduce_min3A_47 = vector.multi_reduction <minimumf>, %select_n3A_45, %reduce_min3A_46 [1] : vector<512x2048xf32> to vector<512xf32>
    %broadcast_in_dim3A_48 = vector.shape_cast %reduce_min3A_47 : vector<512xf32> to vector<512x1xf32>
    %eq3A_49 = vector.broadcast %broadcast_in_dim3A_48 : vector<512x1xf32> to vector<512x2048xf32>
    %eq3A_50 = arith.cmpf oeq, %select_n3A_45, %eq3A_49 : vector<512x2048xf32>
    %jit3A_51 = arith.constant 2048 : i32
    %broadcast_in_dim3A_52 = vector.broadcast %jit3A_51 : i32 to vector<512x2048xi32>
    %select_n3A_53 = arith.select %eq3A_50, %iota3A, %broadcast_in_dim3A_52 : vector<512x2048xi1>, vector<512x2048xi32>
    %reduce_min3A_54 = arith.constant dense<2147483647> : vector<512xi32>
    %reduce_min3A_55 = vector.multi_reduction <minsi>, %select_n3A_53, %reduce_min3A_54 [1] : vector<512x2048xi32> to vector<512xi32>
    %broadcast_in_dim3A_56 = vector.shape_cast %reduce_min3A_55 : vector<512xi32> to vector<512x1xi32>
    %eq3A_57 = arith.constant 1 : i32
    %eq3A_58 = vector.broadcast %eq3A_57 : i32 to vector<512x16xi32>
    %eq3A_59 = arith.cmpi eq, %iota3A_21, %eq3A_58 : vector<512x16xi32>
    %mul3A_60 = arith.constant 2048 : i32
    %mul3A_61 = arith.muli %arg0, %mul3A_60 : i32
    %add3A_62 = vector.broadcast %mul3A_61 : i32 to vector<512x1xi32>
    %add3A_63 = arith.addi %broadcast_in_dim3A_56, %add3A_62 : vector<512x1xi32>
    %broadcast_in_dim3A_64 = vector.shape_cast %add3A_63 : vector<512x1xi32> to vector<512x1xi32>
    %broadcast_in_dim3A_65 = vector.broadcast %broadcast_in_dim3A_64 : vector<512x1xi32> to vector<512x16xi32>
    %select_n3A_66 = arith.select %eq3A_59, %broadcast_in_dim3A_65, %select_n3A_40 : vector<512x16xi1>, vector<512x16xi32>
    %eq3A_67 = vector.broadcast %broadcast_in_dim3A_56 : vector<512x1xi32> to vector<512x2048xi32>
    %eq3A_68 = arith.cmpi eq, %iota3A, %eq3A_67 : vector<512x2048xi32>
    %jit3A_69 = arith.constant 0x7F800000 : f32
    %broadcast_in_dim3A_70 = vector.broadcast %jit3A_69 : f32 to vector<512x2048xf32>
    %select_n3A_71 = arith.select %eq3A_68, %broadcast_in_dim3A_70, %select_n3A_45 : vector<512x2048xi1>, vector<512x2048xf32>
    %reduce_min3A_72 = arith.constant dense<0x7F800000> : vector<512xf32>
    %reduce_min3A_73 = vector.multi_reduction <minimumf>, %select_n3A_71, %reduce_min3A_72 [1] : vector<512x2048xf32> to vector<512xf32>
    %broadcast_in_dim3A_74 = vector.shape_cast %reduce_min3A_73 : vector<512xf32> to vector<512x1xf32>
    %eq3A_75 = vector.broadcast %broadcast_in_dim3A_74 : vector<512x1xf32> to vector<512x2048xf32>
    %eq3A_76 = arith.cmpf oeq, %select_n3A_71, %eq3A_75 : vector<512x2048xf32>
    %jit3A_77 = arith.constant 2048 : i32
    %broadcast_in_dim3A_78 = vector.broadcast %jit3A_77 : i32 to vector<512x2048xi32>
    %select_n3A_79 = arith.select %eq3A_76, %iota3A, %broadcast_in_dim3A_78 : vector<512x2048xi1>, vector<512x2048xi32>
    %reduce_min3A_80 = arith.constant dense<2147483647> : vector<512xi32>
    %reduce_min3A_81 = vector.multi_reduction <minsi>, %select_n3A_79, %reduce_min3A_80 [1] : vector<512x2048xi32> to vector<512xi32>
    %broadcast_in_dim3A_82 = vector.shape_cast %reduce_min3A_81 : vector<512xi32> to vector<512x1xi32>
    %eq3A_83 = arith.constant 2 : i32
    %eq3A_84 = vector.broadcast %eq3A_83 : i32 to vector<512x16xi32>
    %eq3A_85 = arith.cmpi eq, %iota3A_21, %eq3A_84 : vector<512x16xi32>
    %mul3A_86 = arith.constant 2048 : i32
    %mul3A_87 = arith.muli %arg0, %mul3A_86 : i32
    %add3A_88 = vector.broadcast %mul3A_87 : i32 to vector<512x1xi32>
    %add3A_89 = arith.addi %broadcast_in_dim3A_82, %add3A_88 : vector<512x1xi32>
    %broadcast_in_dim3A_90 = vector.shape_cast %add3A_89 : vector<512x1xi32> to vector<512x1xi32>
    %broadcast_in_dim3A_91 = vector.broadcast %broadcast_in_dim3A_90 : vector<512x1xi32> to vector<512x16xi32>
    %select_n3A_92 = arith.select %eq3A_85, %broadcast_in_dim3A_91, %select_n3A_66 : vector<512x16xi1>, vector<512x16xi32>
    %eq3A_93 = vector.broadcast %broadcast_in_dim3A_82 : vector<512x1xi32> to vector<512x2048xi32>
    %eq3A_94 = arith.cmpi eq, %iota3A, %eq3A_93 : vector<512x2048xi32>
    %jit3A_95 = arith.constant 0x7F800000 : f32
    %broadcast_in_dim3A_96 = vector.broadcast %jit3A_95 : f32 to vector<512x2048xf32>
    %select_n3A_97 = arith.select %eq3A_94, %broadcast_in_dim3A_96, %select_n3A_71 : vector<512x2048xi1>, vector<512x2048xf32>
    %reduce_min3A_98 = arith.constant dense<0x7F800000> : vector<512xf32>
    %reduce_min3A_99 = vector.multi_reduction <minimumf>, %select_n3A_97, %reduce_min3A_98 [1] : vector<512x2048xf32> to vector<512xf32>
    %broadcast_in_dim3A_100 = vector.shape_cast %reduce_min3A_99 : vector<512xf32> to vector<512x1xf32>
    %eq3A_101 = vector.broadcast %broadcast_in_dim3A_100 : vector<512x1xf32> to vector<512x2048xf32>
    %eq3A_102 = arith.cmpf oeq, %select_n3A_97, %eq3A_101 : vector<512x2048xf32>
    %jit3A_103 = arith.constant 2048 : i32
    %broadcast_in_dim3A_104 = vector.broadcast %jit3A_103 : i32 to vector<512x2048xi32>
    %select_n3A_105 = arith.select %eq3A_102, %iota3A, %broadcast_in_dim3A_104 : vector<512x2048xi1>, vector<512x2048xi32>
    %reduce_min3A_106 = arith.constant dense<2147483647> : vector<512xi32>
    %reduce_min3A_107 = vector.multi_reduction <minsi>, %select_n3A_105, %reduce_min3A_106 [1] : vector<512x2048xi32> to vector<512xi32>
    %broadcast_in_dim3A_108 = vector.shape_cast %reduce_min3A_107 : vector<512xi32> to vector<512x1xi32>
    %eq3A_109 = arith.constant 3 : i32
    %eq3A_110 = vector.broadcast %eq3A_109 : i32 to vector<512x16xi32>
    %eq3A_111 = arith.cmpi eq, %iota3A_21, %eq3A_110 : vector<512x16xi32>
    %mul3A_112 = arith.constant 2048 : i32
    %mul3A_113 = arith.muli %arg0, %mul3A_112 : i32
    %add3A_114 = vector.broadcast %mul3A_113 : i32 to vector<512x1xi32>
    %add3A_115 = arith.addi %broadcast_in_dim3A_108, %add3A_114 : vector<512x1xi32>
    %broadcast_in_dim3A_116 = vector.shape_cast %add3A_115 : vector<512x1xi32> to vector<512x1xi32>
    %broadcast_in_dim3A_117 = vector.broadcast %broadcast_in_dim3A_116 : vector<512x1xi32> to vector<512x16xi32>
    %select_n3A_118 = arith.select %eq3A_111, %broadcast_in_dim3A_117, %select_n3A_92 : vector<512x16xi1>, vector<512x16xi32>
    %eq3A_119 = vector.broadcast %broadcast_in_dim3A_108 : vector<512x1xi32> to vector<512x2048xi32>
    %eq3A_120 = arith.cmpi eq, %iota3A, %eq3A_119 : vector<512x2048xi32>
    %jit3A_121 = arith.constant 0x7F800000 : f32
    %broadcast_in_dim3A_122 = vector.broadcast %jit3A_121 : f32 to vector<512x2048xf32>
    %select_n3A_123 = arith.select %eq3A_120, %broadcast_in_dim3A_122, %select_n3A_97 : vector<512x2048xi1>, vector<512x2048xf32>
    %reduce_min3A_124 = arith.constant dense<0x7F800000> : vector<512xf32>
    %reduce_min3A_125 = vector.multi_reduction <minimumf>, %select_n3A_123, %reduce_min3A_124 [1] : vector<512x2048xf32> to vector<512xf32>
    %broadcast_in_dim3A_126 = vector.shape_cast %reduce_min3A_125 : vector<512xf32> to vector<512x1xf32>
    %eq3A_127 = vector.broadcast %broadcast_in_dim3A_126 : vector<512x1xf32> to vector<512x2048xf32>
    %eq3A_128 = arith.cmpf oeq, %select_n3A_123, %eq3A_127 : vector<512x2048xf32>
    %jit3A_129 = arith.constant 2048 : i32
    %broadcast_in_dim3A_130 = vector.broadcast %jit3A_129 : i32 to vector<512x2048xi32>
    %select_n3A_131 = arith.select %eq3A_128, %iota3A, %broadcast_in_dim3A_130 : vector<512x2048xi1>, vector<512x2048xi32>
    %reduce_min3A_132 = arith.constant dense<2147483647> : vector<512xi32>
    %reduce_min3A_133 = vector.multi_reduction <minsi>, %select_n3A_131, %reduce_min3A_132 [1] : vector<512x2048xi32> to vector<512xi32>
    %broadcast_in_dim3A_134 = vector.shape_cast %reduce_min3A_133 : vector<512xi32> to vector<512x1xi32>
    %eq3A_135 = arith.constant 4 : i32
    %eq3A_136 = vector.broadcast %eq3A_135 : i32 to vector<512x16xi32>
    %eq3A_137 = arith.cmpi eq, %iota3A_21, %eq3A_136 : vector<512x16xi32>
    %mul3A_138 = arith.constant 2048 : i32
    %mul3A_139 = arith.muli %arg0, %mul3A_138 : i32
    %add3A_140 = vector.broadcast %mul3A_139 : i32 to vector<512x1xi32>
    %add3A_141 = arith.addi %broadcast_in_dim3A_134, %add3A_140 : vector<512x1xi32>
    %broadcast_in_dim3A_142 = vector.shape_cast %add3A_141 : vector<512x1xi32> to vector<512x1xi32>
    %broadcast_in_dim3A_143 = vector.broadcast %broadcast_in_dim3A_142 : vector<512x1xi32> to vector<512x16xi32>
    %select_n3A_144 = arith.select %eq3A_137, %broadcast_in_dim3A_143, %select_n3A_118 : vector<512x16xi1>, vector<512x16xi32>
    %eq3A_145 = vector.broadcast %broadcast_in_dim3A_134 : vector<512x1xi32> to vector<512x2048xi32>
    %eq3A_146 = arith.cmpi eq, %iota3A, %eq3A_145 : vector<512x2048xi32>
    %jit3A_147 = arith.constant 0x7F800000 : f32
    %broadcast_in_dim3A_148 = vector.broadcast %jit3A_147 : f32 to vector<512x2048xf32>
    %select_n3A_149 = arith.select %eq3A_146, %broadcast_in_dim3A_148, %select_n3A_123 : vector<512x2048xi1>, vector<512x2048xf32>
    %reduce_min3A_150 = arith.constant dense<0x7F800000> : vector<512xf32>
    %reduce_min3A_151 = vector.multi_reduction <minimumf>, %select_n3A_149, %reduce_min3A_150 [1] : vector<512x2048xf32> to vector<512xf32>
    %broadcast_in_dim3A_152 = vector.shape_cast %reduce_min3A_151 : vector<512xf32> to vector<512x1xf32>
    %eq3A_153 = vector.broadcast %broadcast_in_dim3A_152 : vector<512x1xf32> to vector<512x2048xf32>
    %eq3A_154 = arith.cmpf oeq, %select_n3A_149, %eq3A_153 : vector<512x2048xf32>
    %jit3A_155 = arith.constant 2048 : i32
    %broadcast_in_dim3A_156 = vector.broadcast %jit3A_155 : i32 to vector<512x2048xi32>
    %select_n3A_157 = arith.select %eq3A_154, %iota3A, %broadcast_in_dim3A_156 : vector<512x2048xi1>, vector<512x2048xi32>
    %reduce_min3A_158 = arith.constant dense<2147483647> : vector<512xi32>
    %reduce_min3A_159 = vector.multi_reduction <minsi>, %select_n3A_157, %reduce_min3A_158 [1] : vector<512x2048xi32> to vector<512xi32>
    %broadcast_in_dim3A_160 = vector.shape_cast %reduce_min3A_159 : vector<512xi32> to vector<512x1xi32>
    %eq3A_161 = arith.constant 5 : i32
    %eq3A_162 = vector.broadcast %eq3A_161 : i32 to vector<512x16xi32>
    %eq3A_163 = arith.cmpi eq, %iota3A_21, %eq3A_162 : vector<512x16xi32>
    %mul3A_164 = arith.constant 2048 : i32
    %mul3A_165 = arith.muli %arg0, %mul3A_164 : i32
    %add3A_166 = vector.broadcast %mul3A_165 : i32 to vector<512x1xi32>
    %add3A_167 = arith.addi %broadcast_in_dim3A_160, %add3A_166 : vector<512x1xi32>
    %broadcast_in_dim3A_168 = vector.shape_cast %add3A_167 : vector<512x1xi32> to vector<512x1xi32>
    %broadcast_in_dim3A_169 = vector.broadcast %broadcast_in_dim3A_168 : vector<512x1xi32> to vector<512x16xi32>
    %select_n3A_170 = arith.select %eq3A_163, %broadcast_in_dim3A_169, %select_n3A_144 : vector<512x16xi1>, vector<512x16xi32>
    %eq3A_171 = vector.broadcast %broadcast_in_dim3A_160 : vector<512x1xi32> to vector<512x2048xi32>
    %eq3A_172 = arith.cmpi eq, %iota3A, %eq3A_171 : vector<512x2048xi32>
    %jit3A_173 = arith.constant 0x7F800000 : f32
    %broadcast_in_dim3A_174 = vector.broadcast %jit3A_173 : f32 to vector<512x2048xf32>
    %select_n3A_175 = arith.select %eq3A_172, %broadcast_in_dim3A_174, %select_n3A_149 : vector<512x2048xi1>, vector<512x2048xf32>
    %reduce_min3A_176 = arith.constant dense<0x7F800000> : vector<512xf32>
    %reduce_min3A_177 = vector.multi_reduction <minimumf>, %select_n3A_175, %reduce_min3A_176 [1] : vector<512x2048xf32> to vector<512xf32>
    %broadcast_in_dim3A_178 = vector.shape_cast %reduce_min3A_177 : vector<512xf32> to vector<512x1xf32>
    %eq3A_179 = vector.broadcast %broadcast_in_dim3A_178 : vector<512x1xf32> to vector<512x2048xf32>
    %eq3A_180 = arith.cmpf oeq, %select_n3A_175, %eq3A_179 : vector<512x2048xf32>
    %jit3A_181 = arith.constant 2048 : i32
    %broadcast_in_dim3A_182 = vector.broadcast %jit3A_181 : i32 to vector<512x2048xi32>
    %select_n3A_183 = arith.select %eq3A_180, %iota3A, %broadcast_in_dim3A_182 : vector<512x2048xi1>, vector<512x2048xi32>
    %reduce_min3A_184 = arith.constant dense<2147483647> : vector<512xi32>
    %reduce_min3A_185 = vector.multi_reduction <minsi>, %select_n3A_183, %reduce_min3A_184 [1] : vector<512x2048xi32> to vector<512xi32>
    %broadcast_in_dim3A_186 = vector.shape_cast %reduce_min3A_185 : vector<512xi32> to vector<512x1xi32>
    %eq3A_187 = arith.constant 6 : i32
    %eq3A_188 = vector.broadcast %eq3A_187 : i32 to vector<512x16xi32>
    %eq3A_189 = arith.cmpi eq, %iota3A_21, %eq3A_188 : vector<512x16xi32>
    %mul3A_190 = arith.constant 2048 : i32
    %mul3A_191 = arith.muli %arg0, %mul3A_190 : i32
    %add3A_192 = vector.broadcast %mul3A_191 : i32 to vector<512x1xi32>
    %add3A_193 = arith.addi %broadcast_in_dim3A_186, %add3A_192 : vector<512x1xi32>
    %broadcast_in_dim3A_194 = vector.shape_cast %add3A_193 : vector<512x1xi32> to vector<512x1xi32>
    %broadcast_in_dim3A_195 = vector.broadcast %broadcast_in_dim3A_194 : vector<512x1xi32> to vector<512x16xi32>
    %select_n3A_196 = arith.select %eq3A_189, %broadcast_in_dim3A_195, %select_n3A_170 : vector<512x16xi1>, vector<512x16xi32>
    %eq3A_197 = vector.broadcast %broadcast_in_dim3A_186 : vector<512x1xi32> to vector<512x2048xi32>
    %eq3A_198 = arith.cmpi eq, %iota3A, %eq3A_197 : vector<512x2048xi32>
    %jit3A_199 = arith.constant 0x7F800000 : f32
    %broadcast_in_dim3A_200 = vector.broadcast %jit3A_199 : f32 to vector<512x2048xf32>
    %select_n3A_201 = arith.select %eq3A_198, %broadcast_in_dim3A_200, %select_n3A_175 : vector<512x2048xi1>, vector<512x2048xf32>
    %reduce_min3A_202 = arith.constant dense<0x7F800000> : vector<512xf32>
    %reduce_min3A_203 = vector.multi_reduction <minimumf>, %select_n3A_201, %reduce_min3A_202 [1] : vector<512x2048xf32> to vector<512xf32>
    %broadcast_in_dim3A_204 = vector.shape_cast %reduce_min3A_203 : vector<512xf32> to vector<512x1xf32>
    %eq3A_205 = vector.broadcast %broadcast_in_dim3A_204 : vector<512x1xf32> to vector<512x2048xf32>
    %eq3A_206 = arith.cmpf oeq, %select_n3A_201, %eq3A_205 : vector<512x2048xf32>
    %jit3A_207 = arith.constant 2048 : i32
    %broadcast_in_dim3A_208 = vector.broadcast %jit3A_207 : i32 to vector<512x2048xi32>
    %select_n3A_209 = arith.select %eq3A_206, %iota3A, %broadcast_in_dim3A_208 : vector<512x2048xi1>, vector<512x2048xi32>
    %reduce_min3A_210 = arith.constant dense<2147483647> : vector<512xi32>
    %reduce_min3A_211 = vector.multi_reduction <minsi>, %select_n3A_209, %reduce_min3A_210 [1] : vector<512x2048xi32> to vector<512xi32>
    %broadcast_in_dim3A_212 = vector.shape_cast %reduce_min3A_211 : vector<512xi32> to vector<512x1xi32>
    %eq3A_213 = arith.constant 7 : i32
    %eq3A_214 = vector.broadcast %eq3A_213 : i32 to vector<512x16xi32>
    %eq3A_215 = arith.cmpi eq, %iota3A_21, %eq3A_214 : vector<512x16xi32>
    %mul3A_216 = arith.constant 2048 : i32
    %mul3A_217 = arith.muli %arg0, %mul3A_216 : i32
    %add3A_218 = vector.broadcast %mul3A_217 : i32 to vector<512x1xi32>
    %add3A_219 = arith.addi %broadcast_in_dim3A_212, %add3A_218 : vector<512x1xi32>
    %broadcast_in_dim3A_220 = vector.shape_cast %add3A_219 : vector<512x1xi32> to vector<512x1xi32>
    %broadcast_in_dim3A_221 = vector.broadcast %broadcast_in_dim3A_220 : vector<512x1xi32> to vector<512x16xi32>
    %select_n3A_222 = arith.select %eq3A_215, %broadcast_in_dim3A_221, %select_n3A_196 : vector<512x16xi1>, vector<512x16xi32>
    %eq3A_223 = vector.broadcast %broadcast_in_dim3A_212 : vector<512x1xi32> to vector<512x2048xi32>
    %eq3A_224 = arith.cmpi eq, %iota3A, %eq3A_223 : vector<512x2048xi32>
    %jit3A_225 = arith.constant 0x7F800000 : f32
    %broadcast_in_dim3A_226 = vector.broadcast %jit3A_225 : f32 to vector<512x2048xf32>
    %select_n3A_227 = arith.select %eq3A_224, %broadcast_in_dim3A_226, %select_n3A_201 : vector<512x2048xi1>, vector<512x2048xf32>
    %reduce_min3A_228 = arith.constant dense<0x7F800000> : vector<512xf32>
    %reduce_min3A_229 = vector.multi_reduction <minimumf>, %select_n3A_227, %reduce_min3A_228 [1] : vector<512x2048xf32> to vector<512xf32>
    %broadcast_in_dim3A_230 = vector.shape_cast %reduce_min3A_229 : vector<512xf32> to vector<512x1xf32>
    %eq3A_231 = vector.broadcast %broadcast_in_dim3A_230 : vector<512x1xf32> to vector<512x2048xf32>
    %eq3A_232 = arith.cmpf oeq, %select_n3A_227, %eq3A_231 : vector<512x2048xf32>
    %jit3A_233 = arith.constant 2048 : i32
    %broadcast_in_dim3A_234 = vector.broadcast %jit3A_233 : i32 to vector<512x2048xi32>
    %select_n3A_235 = arith.select %eq3A_232, %iota3A, %broadcast_in_dim3A_234 : vector<512x2048xi1>, vector<512x2048xi32>
    %reduce_min3A_236 = arith.constant dense<2147483647> : vector<512xi32>
    %reduce_min3A_237 = vector.multi_reduction <minsi>, %select_n3A_235, %reduce_min3A_236 [1] : vector<512x2048xi32> to vector<512xi32>
    %broadcast_in_dim3A_238 = vector.shape_cast %reduce_min3A_237 : vector<512xi32> to vector<512x1xi32>
    %eq3A_239 = arith.constant 8 : i32
    %eq3A_240 = vector.broadcast %eq3A_239 : i32 to vector<512x16xi32>
    %eq3A_241 = arith.cmpi eq, %iota3A_21, %eq3A_240 : vector<512x16xi32>
    %mul3A_242 = arith.constant 2048 : i32
    %mul3A_243 = arith.muli %arg0, %mul3A_242 : i32
    %add3A_244 = vector.broadcast %mul3A_243 : i32 to vector<512x1xi32>
    %add3A_245 = arith.addi %broadcast_in_dim3A_238, %add3A_244 : vector<512x1xi32>
    %broadcast_in_dim3A_246 = vector.shape_cast %add3A_245 : vector<512x1xi32> to vector<512x1xi32>
    %broadcast_in_dim3A_247 = vector.broadcast %broadcast_in_dim3A_246 : vector<512x1xi32> to vector<512x16xi32>
    %select_n3A_248 = arith.select %eq3A_241, %broadcast_in_dim3A_247, %select_n3A_222 : vector<512x16xi1>, vector<512x16xi32>
    %eq3A_249 = vector.broadcast %broadcast_in_dim3A_238 : vector<512x1xi32> to vector<512x2048xi32>
    %eq3A_250 = arith.cmpi eq, %iota3A, %eq3A_249 : vector<512x2048xi32>
    %jit3A_251 = arith.constant 0x7F800000 : f32
    %broadcast_in_dim3A_252 = vector.broadcast %jit3A_251 : f32 to vector<512x2048xf32>
    %select_n3A_253 = arith.select %eq3A_250, %broadcast_in_dim3A_252, %select_n3A_227 : vector<512x2048xi1>, vector<512x2048xf32>
    %reduce_min3A_254 = arith.constant dense<0x7F800000> : vector<512xf32>
    %reduce_min3A_255 = vector.multi_reduction <minimumf>, %select_n3A_253, %reduce_min3A_254 [1] : vector<512x2048xf32> to vector<512xf32>
    %broadcast_in_dim3A_256 = vector.shape_cast %reduce_min3A_255 : vector<512xf32> to vector<512x1xf32>
    %eq3A_257 = vector.broadcast %broadcast_in_dim3A_256 : vector<512x1xf32> to vector<512x2048xf32>
    %eq3A_258 = arith.cmpf oeq, %select_n3A_253, %eq3A_257 : vector<512x2048xf32>
    %jit3A_259 = arith.constant 2048 : i32
    %broadcast_in_dim3A_260 = vector.broadcast %jit3A_259 : i32 to vector<512x2048xi32>
    %select_n3A_261 = arith.select %eq3A_258, %iota3A, %broadcast_in_dim3A_260 : vector<512x2048xi1>, vector<512x2048xi32>
    %reduce_min3A_262 = arith.constant dense<2147483647> : vector<512xi32>
    %reduce_min3A_263 = vector.multi_reduction <minsi>, %select_n3A_261, %reduce_min3A_262 [1] : vector<512x2048xi32> to vector<512xi32>
    %broadcast_in_dim3A_264 = vector.shape_cast %reduce_min3A_263 : vector<512xi32> to vector<512x1xi32>
    %eq3A_265 = arith.constant 9 : i32
    %eq3A_266 = vector.broadcast %eq3A_265 : i32 to vector<512x16xi32>
    %eq3A_267 = arith.cmpi eq, %iota3A_21, %eq3A_266 : vector<512x16xi32>
    %mul3A_268 = arith.constant 2048 : i32
    %mul3A_269 = arith.muli %arg0, %mul3A_268 : i32
    %add3A_270 = vector.broadcast %mul3A_269 : i32 to vector<512x1xi32>
    %add3A_271 = arith.addi %broadcast_in_dim3A_264, %add3A_270 : vector<512x1xi32>
    %broadcast_in_dim3A_272 = vector.shape_cast %add3A_271 : vector<512x1xi32> to vector<512x1xi32>
    %broadcast_in_dim3A_273 = vector.broadcast %broadcast_in_dim3A_272 : vector<512x1xi32> to vector<512x16xi32>
    %select_n3A_274 = arith.select %eq3A_267, %broadcast_in_dim3A_273, %select_n3A_248 : vector<512x16xi1>, vector<512x16xi32>
    %eq3A_275 = vector.broadcast %broadcast_in_dim3A_264 : vector<512x1xi32> to vector<512x2048xi32>
    %eq3A_276 = arith.cmpi eq, %iota3A, %eq3A_275 : vector<512x2048xi32>
    %jit3A_277 = arith.constant 0x7F800000 : f32
    %broadcast_in_dim3A_278 = vector.broadcast %jit3A_277 : f32 to vector<512x2048xf32>
    %select_n3A_279 = arith.select %eq3A_276, %broadcast_in_dim3A_278, %select_n3A_253 : vector<512x2048xi1>, vector<512x2048xf32>
    %reduce_min3A_280 = arith.constant dense<0x7F800000> : vector<512xf32>
    %reduce_min3A_281 = vector.multi_reduction <minimumf>, %select_n3A_279, %reduce_min3A_280 [1] : vector<512x2048xf32> to vector<512xf32>
    %broadcast_in_dim3A_282 = vector.shape_cast %reduce_min3A_281 : vector<512xf32> to vector<512x1xf32>
    %eq3A_283 = vector.broadcast %broadcast_in_dim3A_282 : vector<512x1xf32> to vector<512x2048xf32>
    %eq3A_284 = arith.cmpf oeq, %select_n3A_279, %eq3A_283 : vector<512x2048xf32>
    %jit3A_285 = arith.constant 2048 : i32
    %broadcast_in_dim3A_286 = vector.broadcast %jit3A_285 : i32 to vector<512x2048xi32>
    %select_n3A_287 = arith.select %eq3A_284, %iota3A, %broadcast_in_dim3A_286 : vector<512x2048xi1>, vector<512x2048xi32>
    %reduce_min3A_288 = arith.constant dense<2147483647> : vector<512xi32>
    %reduce_min3A_289 = vector.multi_reduction <minsi>, %select_n3A_287, %reduce_min3A_288 [1] : vector<512x2048xi32> to vector<512xi32>
    %broadcast_in_dim3A_290 = vector.shape_cast %reduce_min3A_289 : vector<512xi32> to vector<512x1xi32>
    %eq3A_291 = arith.constant 10 : i32
    %eq3A_292 = vector.broadcast %eq3A_291 : i32 to vector<512x16xi32>
    %eq3A_293 = arith.cmpi eq, %iota3A_21, %eq3A_292 : vector<512x16xi32>
    %mul3A_294 = arith.constant 2048 : i32
    %mul3A_295 = arith.muli %arg0, %mul3A_294 : i32
    %add3A_296 = vector.broadcast %mul3A_295 : i32 to vector<512x1xi32>
    %add3A_297 = arith.addi %broadcast_in_dim3A_290, %add3A_296 : vector<512x1xi32>
    %broadcast_in_dim3A_298 = vector.shape_cast %add3A_297 : vector<512x1xi32> to vector<512x1xi32>
    %broadcast_in_dim3A_299 = vector.broadcast %broadcast_in_dim3A_298 : vector<512x1xi32> to vector<512x16xi32>
    %select_n3A_300 = arith.select %eq3A_293, %broadcast_in_dim3A_299, %select_n3A_274 : vector<512x16xi1>, vector<512x16xi32>
    %eq3A_301 = vector.broadcast %broadcast_in_dim3A_290 : vector<512x1xi32> to vector<512x2048xi32>
    %eq3A_302 = arith.cmpi eq, %iota3A, %eq3A_301 : vector<512x2048xi32>
    %jit3A_303 = arith.constant 0x7F800000 : f32
    %broadcast_in_dim3A_304 = vector.broadcast %jit3A_303 : f32 to vector<512x2048xf32>
    %select_n3A_305 = arith.select %eq3A_302, %broadcast_in_dim3A_304, %select_n3A_279 : vector<512x2048xi1>, vector<512x2048xf32>
    %reduce_min3A_306 = arith.constant dense<0x7F800000> : vector<512xf32>
    %reduce_min3A_307 = vector.multi_reduction <minimumf>, %select_n3A_305, %reduce_min3A_306 [1] : vector<512x2048xf32> to vector<512xf32>
    %broadcast_in_dim3A_308 = vector.shape_cast %reduce_min3A_307 : vector<512xf32> to vector<512x1xf32>
    %eq3A_309 = vector.broadcast %broadcast_in_dim3A_308 : vector<512x1xf32> to vector<512x2048xf32>
    %eq3A_310 = arith.cmpf oeq, %select_n3A_305, %eq3A_309 : vector<512x2048xf32>
    %jit3A_311 = arith.constant 2048 : i32
    %broadcast_in_dim3A_312 = vector.broadcast %jit3A_311 : i32 to vector<512x2048xi32>
    %select_n3A_313 = arith.select %eq3A_310, %iota3A, %broadcast_in_dim3A_312 : vector<512x2048xi1>, vector<512x2048xi32>
    %reduce_min3A_314 = arith.constant dense<2147483647> : vector<512xi32>
    %reduce_min3A_315 = vector.multi_reduction <minsi>, %select_n3A_313, %reduce_min3A_314 [1] : vector<512x2048xi32> to vector<512xi32>
    %broadcast_in_dim3A_316 = vector.shape_cast %reduce_min3A_315 : vector<512xi32> to vector<512x1xi32>
    %eq3A_317 = arith.constant 11 : i32
    %eq3A_318 = vector.broadcast %eq3A_317 : i32 to vector<512x16xi32>
    %eq3A_319 = arith.cmpi eq, %iota3A_21, %eq3A_318 : vector<512x16xi32>
    %mul3A_320 = arith.constant 2048 : i32
    %mul3A_321 = arith.muli %arg0, %mul3A_320 : i32
    %add3A_322 = vector.broadcast %mul3A_321 : i32 to vector<512x1xi32>
    %add3A_323 = arith.addi %broadcast_in_dim3A_316, %add3A_322 : vector<512x1xi32>
    %broadcast_in_dim3A_324 = vector.shape_cast %add3A_323 : vector<512x1xi32> to vector<512x1xi32>
    %broadcast_in_dim3A_325 = vector.broadcast %broadcast_in_dim3A_324 : vector<512x1xi32> to vector<512x16xi32>
    %select_n3A_326 = arith.select %eq3A_319, %broadcast_in_dim3A_325, %select_n3A_300 : vector<512x16xi1>, vector<512x16xi32>
    %eq3A_327 = vector.broadcast %broadcast_in_dim3A_316 : vector<512x1xi32> to vector<512x2048xi32>
    %eq3A_328 = arith.cmpi eq, %iota3A, %eq3A_327 : vector<512x2048xi32>
    %jit3A_329 = arith.constant 0x7F800000 : f32
    %broadcast_in_dim3A_330 = vector.broadcast %jit3A_329 : f32 to vector<512x2048xf32>
    %select_n3A_331 = arith.select %eq3A_328, %broadcast_in_dim3A_330, %select_n3A_305 : vector<512x2048xi1>, vector<512x2048xf32>
    %reduce_min3A_332 = arith.constant dense<0x7F800000> : vector<512xf32>
    %reduce_min3A_333 = vector.multi_reduction <minimumf>, %select_n3A_331, %reduce_min3A_332 [1] : vector<512x2048xf32> to vector<512xf32>
    %broadcast_in_dim3A_334 = vector.shape_cast %reduce_min3A_333 : vector<512xf32> to vector<512x1xf32>
    %eq3A_335 = vector.broadcast %broadcast_in_dim3A_334 : vector<512x1xf32> to vector<512x2048xf32>
    %eq3A_336 = arith.cmpf oeq, %select_n3A_331, %eq3A_335 : vector<512x2048xf32>
    %jit3A_337 = arith.constant 2048 : i32
    %broadcast_in_dim3A_338 = vector.broadcast %jit3A_337 : i32 to vector<512x2048xi32>
    %select_n3A_339 = arith.select %eq3A_336, %iota3A, %broadcast_in_dim3A_338 : vector<512x2048xi1>, vector<512x2048xi32>
    %reduce_min3A_340 = arith.constant dense<2147483647> : vector<512xi32>
    %reduce_min3A_341 = vector.multi_reduction <minsi>, %select_n3A_339, %reduce_min3A_340 [1] : vector<512x2048xi32> to vector<512xi32>
    %broadcast_in_dim3A_342 = vector.shape_cast %reduce_min3A_341 : vector<512xi32> to vector<512x1xi32>
    %eq3A_343 = arith.constant 12 : i32
    %eq3A_344 = vector.broadcast %eq3A_343 : i32 to vector<512x16xi32>
    %eq3A_345 = arith.cmpi eq, %iota3A_21, %eq3A_344 : vector<512x16xi32>
    %mul3A_346 = arith.constant 2048 : i32
    %mul3A_347 = arith.muli %arg0, %mul3A_346 : i32
    %add3A_348 = vector.broadcast %mul3A_347 : i32 to vector<512x1xi32>
    %add3A_349 = arith.addi %broadcast_in_dim3A_342, %add3A_348 : vector<512x1xi32>
    %broadcast_in_dim3A_350 = vector.shape_cast %add3A_349 : vector<512x1xi32> to vector<512x1xi32>
    %broadcast_in_dim3A_351 = vector.broadcast %broadcast_in_dim3A_350 : vector<512x1xi32> to vector<512x16xi32>
    %select_n3A_352 = arith.select %eq3A_345, %broadcast_in_dim3A_351, %select_n3A_326 : vector<512x16xi1>, vector<512x16xi32>
    %eq3A_353 = vector.broadcast %broadcast_in_dim3A_342 : vector<512x1xi32> to vector<512x2048xi32>
    %eq3A_354 = arith.cmpi eq, %iota3A, %eq3A_353 : vector<512x2048xi32>
    %jit3A_355 = arith.constant 0x7F800000 : f32
    %broadcast_in_dim3A_356 = vector.broadcast %jit3A_355 : f32 to vector<512x2048xf32>
    %select_n3A_357 = arith.select %eq3A_354, %broadcast_in_dim3A_356, %select_n3A_331 : vector<512x2048xi1>, vector<512x2048xf32>
    %reduce_min3A_358 = arith.constant dense<0x7F800000> : vector<512xf32>
    %reduce_min3A_359 = vector.multi_reduction <minimumf>, %select_n3A_357, %reduce_min3A_358 [1] : vector<512x2048xf32> to vector<512xf32>
    %broadcast_in_dim3A_360 = vector.shape_cast %reduce_min3A_359 : vector<512xf32> to vector<512x1xf32>
    %eq3A_361 = vector.broadcast %broadcast_in_dim3A_360 : vector<512x1xf32> to vector<512x2048xf32>
    %eq3A_362 = arith.cmpf oeq, %select_n3A_357, %eq3A_361 : vector<512x2048xf32>
    %jit3A_363 = arith.constant 2048 : i32
    %broadcast_in_dim3A_364 = vector.broadcast %jit3A_363 : i32 to vector<512x2048xi32>
    %select_n3A_365 = arith.select %eq3A_362, %iota3A, %broadcast_in_dim3A_364 : vector<512x2048xi1>, vector<512x2048xi32>
    %reduce_min3A_366 = arith.constant dense<2147483647> : vector<512xi32>
    %reduce_min3A_367 = vector.multi_reduction <minsi>, %select_n3A_365, %reduce_min3A_366 [1] : vector<512x2048xi32> to vector<512xi32>
    %broadcast_in_dim3A_368 = vector.shape_cast %reduce_min3A_367 : vector<512xi32> to vector<512x1xi32>
    %eq3A_369 = arith.constant 13 : i32
    %eq3A_370 = vector.broadcast %eq3A_369 : i32 to vector<512x16xi32>
    %eq3A_371 = arith.cmpi eq, %iota3A_21, %eq3A_370 : vector<512x16xi32>
    %mul3A_372 = arith.constant 2048 : i32
    %mul3A_373 = arith.muli %arg0, %mul3A_372 : i32
    %add3A_374 = vector.broadcast %mul3A_373 : i32 to vector<512x1xi32>
    %add3A_375 = arith.addi %broadcast_in_dim3A_368, %add3A_374 : vector<512x1xi32>
    %broadcast_in_dim3A_376 = vector.shape_cast %add3A_375 : vector<512x1xi32> to vector<512x1xi32>
    %broadcast_in_dim3A_377 = vector.broadcast %broadcast_in_dim3A_376 : vector<512x1xi32> to vector<512x16xi32>
    %select_n3A_378 = arith.select %eq3A_371, %broadcast_in_dim3A_377, %select_n3A_352 : vector<512x16xi1>, vector<512x16xi32>
    %eq3A_379 = vector.broadcast %broadcast_in_dim3A_368 : vector<512x1xi32> to vector<512x2048xi32>
    %eq3A_380 = arith.cmpi eq, %iota3A, %eq3A_379 : vector<512x2048xi32>
    %jit3A_381 = arith.constant 0x7F800000 : f32
    %broadcast_in_dim3A_382 = vector.broadcast %jit3A_381 : f32 to vector<512x2048xf32>
    %select_n3A_383 = arith.select %eq3A_380, %broadcast_in_dim3A_382, %select_n3A_357 : vector<512x2048xi1>, vector<512x2048xf32>
    %reduce_min3A_384 = arith.constant dense<0x7F800000> : vector<512xf32>
    %reduce_min3A_385 = vector.multi_reduction <minimumf>, %select_n3A_383, %reduce_min3A_384 [1] : vector<512x2048xf32> to vector<512xf32>
    %broadcast_in_dim3A_386 = vector.shape_cast %reduce_min3A_385 : vector<512xf32> to vector<512x1xf32>
    %eq3A_387 = vector.broadcast %broadcast_in_dim3A_386 : vector<512x1xf32> to vector<512x2048xf32>
    %eq3A_388 = arith.cmpf oeq, %select_n3A_383, %eq3A_387 : vector<512x2048xf32>
    %jit3A_389 = arith.constant 2048 : i32
    %broadcast_in_dim3A_390 = vector.broadcast %jit3A_389 : i32 to vector<512x2048xi32>
    %select_n3A_391 = arith.select %eq3A_388, %iota3A, %broadcast_in_dim3A_390 : vector<512x2048xi1>, vector<512x2048xi32>
    %reduce_min3A_392 = arith.constant dense<2147483647> : vector<512xi32>
    %reduce_min3A_393 = vector.multi_reduction <minsi>, %select_n3A_391, %reduce_min3A_392 [1] : vector<512x2048xi32> to vector<512xi32>
    %broadcast_in_dim3A_394 = vector.shape_cast %reduce_min3A_393 : vector<512xi32> to vector<512x1xi32>
    %eq3A_395 = arith.constant 14 : i32
    %eq3A_396 = vector.broadcast %eq3A_395 : i32 to vector<512x16xi32>
    %eq3A_397 = arith.cmpi eq, %iota3A_21, %eq3A_396 : vector<512x16xi32>
    %mul3A_398 = arith.constant 2048 : i32
    %mul3A_399 = arith.muli %arg0, %mul3A_398 : i32
    %add3A_400 = vector.broadcast %mul3A_399 : i32 to vector<512x1xi32>
    %add3A_401 = arith.addi %broadcast_in_dim3A_394, %add3A_400 : vector<512x1xi32>
    %broadcast_in_dim3A_402 = vector.shape_cast %add3A_401 : vector<512x1xi32> to vector<512x1xi32>
    %broadcast_in_dim3A_403 = vector.broadcast %broadcast_in_dim3A_402 : vector<512x1xi32> to vector<512x16xi32>
    %select_n3A_404 = arith.select %eq3A_397, %broadcast_in_dim3A_403, %select_n3A_378 : vector<512x16xi1>, vector<512x16xi32>
    %eq3A_405 = vector.broadcast %broadcast_in_dim3A_394 : vector<512x1xi32> to vector<512x2048xi32>
    %eq3A_406 = arith.cmpi eq, %iota3A, %eq3A_405 : vector<512x2048xi32>
    %jit3A_407 = arith.constant 0x7F800000 : f32
    %broadcast_in_dim3A_408 = vector.broadcast %jit3A_407 : f32 to vector<512x2048xf32>
    %select_n3A_409 = arith.select %eq3A_406, %broadcast_in_dim3A_408, %select_n3A_383 : vector<512x2048xi1>, vector<512x2048xf32>
    %reduce_min3A_410 = arith.constant dense<0x7F800000> : vector<512xf32>
    %reduce_min3A_411 = vector.multi_reduction <minimumf>, %select_n3A_409, %reduce_min3A_410 [1] : vector<512x2048xf32> to vector<512xf32>
    %broadcast_in_dim3A_412 = vector.shape_cast %reduce_min3A_411 : vector<512xf32> to vector<512x1xf32>
    %eq3A_413 = vector.broadcast %broadcast_in_dim3A_412 : vector<512x1xf32> to vector<512x2048xf32>
    %eq3A_414 = arith.cmpf oeq, %select_n3A_409, %eq3A_413 : vector<512x2048xf32>
    %jit3A_415 = arith.constant 2048 : i32
    %broadcast_in_dim3A_416 = vector.broadcast %jit3A_415 : i32 to vector<512x2048xi32>
    %select_n3A_417 = arith.select %eq3A_414, %iota3A, %broadcast_in_dim3A_416 : vector<512x2048xi1>, vector<512x2048xi32>
    %reduce_min3A_418 = arith.constant dense<2147483647> : vector<512xi32>
    %reduce_min3A_419 = vector.multi_reduction <minsi>, %select_n3A_417, %reduce_min3A_418 [1] : vector<512x2048xi32> to vector<512xi32>
    %broadcast_in_dim3A_420 = vector.shape_cast %reduce_min3A_419 : vector<512xi32> to vector<512x1xi32>
    %eq3A_421 = arith.constant 15 : i32
    %eq3A_422 = vector.broadcast %eq3A_421 : i32 to vector<512x16xi32>
    %eq3A_423 = arith.cmpi eq, %iota3A_21, %eq3A_422 : vector<512x16xi32>
    %mul3A_424 = arith.constant 2048 : i32
    %mul3A_425 = arith.muli %arg0, %mul3A_424 : i32
    %add3A_426 = vector.broadcast %mul3A_425 : i32 to vector<512x1xi32>
    %add3A_427 = arith.addi %broadcast_in_dim3A_420, %add3A_426 : vector<512x1xi32>
    %broadcast_in_dim3A_428 = vector.shape_cast %add3A_427 : vector<512x1xi32> to vector<512x1xi32>
    %broadcast_in_dim3A_429 = vector.broadcast %broadcast_in_dim3A_428 : vector<512x1xi32> to vector<512x16xi32>
    %select_n3A_430 = arith.select %eq3A_423, %broadcast_in_dim3A_429, %select_n3A_404 : vector<512x16xi1>, vector<512x16xi32>
    %swap3A = arith.constant 0 : index
    %swap3A_431 = arith.constant 0 : index
    %swap3A_432 = arith.constant 0 : index
    %swap3A_433 = vector.load %arg5[%swap3A, %swap3A_431, %swap3A_432] : memref<1x512x16xi32, #tpu.memory_space<vmem>>, vector<1x512x16xi32>
    %swap3A_434 = vector.shape_cast %swap3A_433 : vector<1x512x16xi32> to vector<512x16xi32>
    %swap3A_435 = vector.shape_cast %select_n3A_430 : vector<512x16xi32> to vector<1x512x16xi32>
    tpu.vector_store %arg5[%swap3A, %swap3A_431, %swap3A_432], %swap3A_435 {strides = array<i32>} : memref<1x512x16xi32, #tpu.memory_space<vmem>>, vector<1x512x16xi32>,
    return
  }
  func.func @transform_0(%arg0: i32, %arg1: i32) -> (i32, i32, i32) {
    %c0_i32 = arith.constant 0 : i32
    %c0_i32_0 = arith.constant 0 : i32
    return %arg0, %arg1, %c0_i32 : i32, i32, i32
  }
  func.func @transform_1(%arg0: i32, %arg1: i32) -> (i32, i32, i32) {
    %c0_i32 = arith.constant 0 : i32
    %c0_i32_0 = arith.constant 0 : i32
    %c0_i32_1 = arith.constant 0 : i32
    return %arg0, %c0_i32, %c0_i32_0 : i32, i32, i32
  }
  func.func @transform_2(%arg0: i32, %arg1: i32) -> (i32, i32, i32) {
    %c0_i32 = arith.constant 0 : i32
    %c0_i32_0 = arith.constant 0 : i32
    %c0_i32_1 = arith.constant 0 : i32
    return %arg0, %c0_i32, %c0_i32_0 : i32, i32, i32
  }
  func.func @transform_3(%arg0: i32, %arg1: i32) -> (i32, i32, i32) {
    %c0_i32 = arith.constant 0 : i32
    %c0_i32_0 = arith.constant 0 : i32
    return %arg0, %arg1, %c0_i32 : i32, i32, i32
  }
}

module attributes {stable_mosaic.version = 14 : i64} {
  func.func @_local_body(%arg0: i32, %arg1: i32, %arg2: memref<1x256x384xf32, #tpu.memory_space<vmem>>, %arg3: memref<1x16x256x512xf32, #tpu.memory_space<vmem>>, %arg4: memref<1x256x4xf32, #tpu.memory_space<vmem>>, %arg5: memref<384x384xf32, #tpu.memory_space<vmem>>, %arg6: memref<384x384xf32, #tpu.memory_space<vmem>>, %arg7: memref<1x384xf32, #tpu.memory_space<vmem>>, %arg8: memref<384x8xf32, #tpu.memory_space<vmem>>, %arg9: memref<1x8xf32, #tpu.memory_space<vmem>>, %arg10: memref<4x384xf32, #tpu.memory_space<vmem>>, %arg11: memref<1x384xf32, #tpu.memory_space<vmem>>, %arg12: memref<384x384xf32, #tpu.memory_space<vmem>>, %arg13: memref<1x384xf32, #tpu.memory_space<vmem>>, %arg14: memref<384x384xf32, #tpu.memory_space<vmem>>, %arg15: memref<384x384xf32, #tpu.memory_space<vmem>>, %arg16: memref<384x384xf32, #tpu.memory_space<vmem>>, %arg17: memref<1x256x384xf32, #tpu.memory_space<vmem>>, %arg18: memref<1x256x384xf32, #tpu.memory_space<vmem>>, %arg19: memref<1x256x384xf32, #tpu.memory_space<vmem>>, %arg20: memref<1x256x384xf32, #tpu.memory_space<vmem>>) attributes {dimension_semantics = [#tpu.dimension_semantics<arbitrary>, #tpu.dimension_semantics<arbitrary>], iteration_bounds = array<i64: 1, 8>, scalar_prefetch = 0 : i64, scratch_operands = 0 : i64, tpu.core_type = #tpu.core_type<tc>, window_params = [{transform_indices = @transform_0, window_bounds = array<i64: 1, 256, 384>}, {transform_indices = @transform_1, window_bounds = array<i64: 1, 16, 256, 512>}, {transform_indices = @transform_2, window_bounds = array<i64: 1, 256, 4>}, {pipeline_mode = #tpu.pipeline_mode<synchronous>, transform_indices = @transform_3, window_bounds = array<i64: 384, 384>}, {pipeline_mode = #tpu.pipeline_mode<synchronous>, transform_indices = @transform_4, window_bounds = array<i64: 384, 384>}, {pipeline_mode = #tpu.pipeline_mode<synchronous>, transform_indices = @transform_5, window_bounds = array<i64: 1, 384>}, {pipeline_mode = #tpu.pipeline_mode<synchronous>, transform_indices = @transform_6, window_bounds = array<i64: 384, 8>}, {pipeline_mode = #tpu.pipeline_mode<synchronous>, transform_indices = @transform_7, window_bounds = array<i64: 1, 8>}, {pipeline_mode = #tpu.pipeline_mode<synchronous>, transform_indices = @transform_8, window_bounds = array<i64: 4, 384>}, {pipeline_mode = #tpu.pipeline_mode<synchronous>, transform_indices = @transform_9, window_bounds = array<i64: 1, 384>}, {pipeline_mode = #tpu.pipeline_mode<synchronous>, transform_indices = @transform_10, window_bounds = array<i64: 384, 384>}, {pipeline_mode = #tpu.pipeline_mode<synchronous>, transform_indices = @transform_11, window_bounds = array<i64: 1, 384>}, {pipeline_mode = #tpu.pipeline_mode<synchronous>, transform_indices = @transform_12, window_bounds = array<i64: 384, 384>}, {pipeline_mode = #tpu.pipeline_mode<synchronous>, transform_indices = @transform_13, window_bounds = array<i64: 384, 384>}, {pipeline_mode = #tpu.pipeline_mode<synchronous>, transform_indices = @transform_14, window_bounds = array<i64: 384, 384>}, {transform_indices = @transform_15, window_bounds = array<i64: 1, 256, 384>}, {transform_indices = @transform_16, window_bounds = array<i64: 1, 256, 384>}, {transform_indices = @transform_17, window_bounds = array<i64: 1, 256, 384>}, {transform_indices = @transform_18, window_bounds = array<i64: 1, 256, 384>}]} {
    %get3A = arith.constant 0 : index
    %get3A_0 = arith.constant 0 : index
    %get3A_1 = arith.constant 0 : index
    %get3A_2 = vector.load %arg2[%get3A, %get3A_0, %get3A_1] : memref<1x256x384xf32, #tpu.memory_space<vmem>>, vector<1x256x384xf32>
    %get3A_3 = vector.shape_cast %get3A_2 : vector<1x256x384xf32> to vector<256x384xf32>
    %get3A_4 = arith.constant 0 : index
    %get3A_5 = arith.constant 0 : index
    %get3A_6 = arith.constant 0 : index
    %get3A_7 = arith.constant 0 : index
    %get3A_8 = vector.load %arg3[%get3A_4, %get3A_5, %get3A_6, %get3A_7] : memref<1x16x256x512xf32, #tpu.memory_space<vmem>>, vector<1x16x256x512xf32>
    %get3A_9 = vector.shape_cast %get3A_8 : vector<1x16x256x512xf32> to vector<16x256x512xf32>
    %slice3A = vector.extract_strided_slice %get3A_9 {offsets = [0, 0, 0], sizes = [16, 256, 384], strides = [1, 1, 1]} : vector<16x256x512xf32> to vector<16x256x384xf32>
    %reshape3A = vector.shape_cast %slice3A : vector<16x256x384xf32> to vector<4096x384xf32>
    %slice3A_10 = vector.extract_strided_slice %get3A_9 {offsets = [0, 0, 384], sizes = [16, 256, 4], strides = [1, 1, 1]} : vector<16x256x512xf32> to vector<16x256x4xf32>
    %slice3A_11 = vector.extract_strided_slice %slice3A_10 {offsets = [0, 0, 0], sizes = [1, 256, 4], strides = [1, 1, 1]} : vector<16x256x4xf32> to vector<1x256x4xf32>
    %sub3A = vector.broadcast %slice3A_11 : vector<1x256x4xf32> to vector<16x256x4xf32>
    %sub3A_12 = arith.subf %slice3A_10, %sub3A : vector<16x256x4xf32>
    %mul3A = arith.mulf %sub3A_12, %sub3A_12 : vector<16x256x4xf32>
    %reduce_sum3A = arith.constant dense<0.000000e+00> : vector<16x256xf32>
    %reduce_sum3A_13 = vector.multi_reduction <add>, %mul3A, %reduce_sum3A [2] : vector<16x256x4xf32> to vector<16x256xf32>
    %broadcast_in_dim3A = vector.shape_cast %reduce_sum3A_13 : vector<16x256xf32> to vector<16x256x1xf32>
    %iota3A = tpu.iota {dimensions = array<i32: 2>} : vector<16x256x4xi32>
    %eq3A = arith.constant 3 : i32
    %eq3A_14 = vector.broadcast %eq3A : i32 to vector<16x256x4xi32>
    %eq3A_15 = arith.cmpi eq, %iota3A, %eq3A_14 : vector<16x256x4xi32>
    %broadcast_in_dim3A_16 = vector.shape_cast %broadcast_in_dim3A : vector<16x256x1xf32> to vector<16x256x1xf32>
    %broadcast_in_dim3A_17 = vector.broadcast %broadcast_in_dim3A_16 : vector<16x256x1xf32> to vector<16x256x4xf32>
    %select_n3A = arith.select %eq3A_15, %broadcast_in_dim3A_17, %sub3A_12 : vector<16x256x4xi1>, vector<16x256x4xf32>
    %reshape3A_18 = vector.shape_cast %select_n3A : vector<16x256x4xf32> to vector<4096x4xf32>
    %get3A_19 = arith.constant 0 : index
    %get3A_20 = arith.constant 0 : index
    %get3A_21 = vector.load %arg10[%get3A_19, %get3A_20] : memref<4x384xf32, #tpu.memory_space<vmem>>, vector<4x384xf32>
    %dot_general3A = arith.constant dense<0.000000e+00> : vector<4096x384xf32>
    %dot_general3A_22 = tpu.matmul %reshape3A_18, %get3A_21, %dot_general3A {dimension_numbers = #tpu.dot_dimension_numbers<[1], [0], [0], [1], [0, 0, 1, 1], [], []>, transpose_lhs_hint = false} : vector<4096x4xf32>, vector<4x384xf32>, vector<4096x384xf32> -> vector<4096x384xf32>
    %get3A_23 = arith.constant 0 : index
    %get3A_24 = arith.constant 0 : index
    %get3A_25 = vector.load %arg11[%get3A_23, %get3A_24] : memref<1x384xf32, #tpu.memory_space<vmem>>, vector<1x384xf32>
    %add3A = vector.broadcast %get3A_25 : vector<1x384xf32> to vector<4096x384xf32>
    %add3A_26 = arith.addf %dot_general3A_22, %add3A : vector<4096x384xf32>
    %add3A_27 = arith.addf %reshape3A, %add3A_26 : vector<4096x384xf32>
    %mul3A_28 = arith.constant 0.999994993 : f32
    %mul3A_29 = vector.broadcast %mul3A_28 : f32 to vector<4096x384xf32>
    %mul3A_30 = arith.mulf %add3A_27, %mul3A_29 : vector<4096x384xf32>
    %max3A = arith.constant 0.000000e+00 : f32
    %max3A_31 = vector.broadcast %max3A : f32 to vector<4096x384xf32>
    %max3A_32 = arith.maximumf %mul3A_30, %max3A_31 : vector<4096x384xf32>
    %convert_element_type3A = arith.truncf %max3A_32 : vector<4096x384xf32> to vector<4096x384xbf16>
    %get3A_33 = arith.constant 0 : index
    %get3A_34 = arith.constant 0 : index
    %get3A_35 = vector.load %arg6[%get3A_33, %get3A_34] : memref<384x384xf32, #tpu.memory_space<vmem>>, vector<384x384xf32>
    %convert_element_type3A_36 = arith.truncf %get3A_35 : vector<384x384xf32> to vector<384x384xbf16>
    %dot_general3A_37 = arith.constant dense<0.000000e+00> : vector<4096x384xf32>
    %dot_general3A_38 = tpu.matmul %convert_element_type3A, %convert_element_type3A_36, %dot_general3A_37 {dimension_numbers = #tpu.dot_dimension_numbers<[1], [0], [0], [1], [0, 0, 1, 1], [], []>, transpose_lhs_hint = false} : vector<4096x384xbf16>, vector<384x384xbf16>, vector<4096x384xf32> -> vector<4096x384xf32>
    %mul3A_39 = arith.constant 0.999994993 : f32
    %mul3A_40 = vector.broadcast %mul3A_39 : f32 to vector<256x384xf32>
    %mul3A_41 = arith.mulf %get3A_3, %mul3A_40 : vector<256x384xf32>
    %max3A_42 = arith.constant 0.000000e+00 : f32
    %max3A_43 = vector.broadcast %max3A_42 : f32 to vector<256x384xf32>
    %max3A_44 = arith.maximumf %mul3A_41, %max3A_43 : vector<256x384xf32>
    %get3A_45 = arith.constant 0 : index
    %get3A_46 = arith.constant 0 : index
    %get3A_47 = vector.load %arg5[%get3A_45, %get3A_46] : memref<384x384xf32, #tpu.memory_space<vmem>>, vector<384x384xf32>
    %dot_general3A_48 = arith.constant dense<0.000000e+00> : vector<256x384xf32>
    %dot_general3A_49 = tpu.matmul %max3A_44, %get3A_47, %dot_general3A_48 {dimension_numbers = #tpu.dot_dimension_numbers<[1], [0], [0], [1], [0, 0, 1, 1], [], []>, transpose_lhs_hint = false} : vector<256x384xf32>, vector<384x384xf32>, vector<256x384xf32> -> vector<256x384xf32>
    %reshape3A_50 = vector.shape_cast %dot_general3A_38 : vector<4096x384xf32> to vector<16x256x384xf32>
    %broadcast_in_dim3A_51 = vector.shape_cast %dot_general3A_49 : vector<256x384xf32> to vector<1x256x384xf32>
    %add3A_52 = vector.broadcast %broadcast_in_dim3A_51 : vector<1x256x384xf32> to vector<16x256x384xf32>
    %add3A_53 = arith.addf %reshape3A_50, %add3A_52 : vector<16x256x384xf32>
    %get3A_54 = arith.constant 0 : index
    %get3A_55 = arith.constant 0 : index
    %get3A_56 = vector.load %arg7[%get3A_54, %get3A_55] : memref<1x384xf32, #tpu.memory_space<vmem>>, vector<1x384xf32>
    %broadcast_in_dim3A_57 = vector.shape_cast %get3A_56 : vector<1x384xf32> to vector<1x1x384xf32>
    %add3A_58 = vector.broadcast %broadcast_in_dim3A_57 : vector<1x1x384xf32> to vector<16x256x384xf32>
    %add3A_59 = arith.addf %add3A_53, %add3A_58 : vector<16x256x384xf32>
    %reshape3A_60 = vector.shape_cast %add3A_59 : vector<16x256x384xf32> to vector<4096x384xf32>
    %mul3A_61 = arith.constant 0.999994993 : f32
    %mul3A_62 = vector.broadcast %mul3A_61 : f32 to vector<4096x384xf32>
    %mul3A_63 = arith.mulf %reshape3A_60, %mul3A_62 : vector<4096x384xf32>
    %max3A_64 = arith.constant 0.000000e+00 : f32
    %max3A_65 = vector.broadcast %max3A_64 : f32 to vector<4096x384xf32>
    %max3A_66 = arith.maximumf %mul3A_63, %max3A_65 : vector<4096x384xf32>
    %get3A_67 = arith.constant 0 : index
    %get3A_68 = arith.constant 0 : index
    %get3A_69 = vector.load %arg8[%get3A_67, %get3A_68] : memref<384x8xf32, #tpu.memory_space<vmem>>, vector<384x8xf32>
    %dot_general3A_70 = arith.constant dense<0.000000e+00> : vector<4096x8xf32>
    %dot_general3A_71 = tpu.matmul %max3A_66, %get3A_69, %dot_general3A_70 {dimension_numbers = #tpu.dot_dimension_numbers<[1], [0], [0], [1], [0, 0, 1, 1], [], []>, transpose_lhs_hint = false} : vector<4096x384xf32>, vector<384x8xf32>, vector<4096x8xf32> -> vector<4096x8xf32>
    %get3A_72 = arith.constant 0 : index
    %get3A_73 = arith.constant 0 : index
    %get3A_74 = vector.load %arg9[%get3A_72, %get3A_73] : memref<1x8xf32, #tpu.memory_space<vmem>>, vector<1x8xf32>
    %add3A_75 = vector.broadcast %get3A_74 : vector<1x8xf32> to vector<4096x8xf32>
    %add3A_76 = arith.addf %dot_general3A_71, %add3A_75 : vector<4096x8xf32>
    %mul3A_77 = arith.constant 0.144337565 : f32
    %mul3A_78 = vector.broadcast %mul3A_77 : f32 to vector<4096x8xf32>
    %mul3A_79 = arith.mulf %add3A_76, %mul3A_78 : vector<4096x8xf32>
    %iota3A_80 = tpu.iota {dimensions = array<i32: 1>} : vector<8x384xi32>
    %iota3A_81 = tpu.iota {dimensions = array<i32: 0>} : vector<8x384xi32>
    %jit3A = arith.constant 48 : i32
    %div3A = vector.broadcast %jit3A : i32 to vector<8x384xi32>
    %div3A_82 = arith.divsi %iota3A_80, %div3A : vector<8x384xi32>
    %sign3A = arith.constant 0 : i32
    %sign3A_83 = vector.broadcast %sign3A : i32 to vector<8x384xi32>
    %sign3A_84 = arith.cmpi sgt, %iota3A_80, %sign3A_83 : vector<8x384xi32>
    %sign3A_85 = arith.extui %sign3A_84 : vector<8x384xi1> to vector<8x384xi32>
    %sign3A_86 = arith.constant 0 : i32
    %sign3A_87 = vector.broadcast %sign3A_86 : i32 to vector<8x384xi32>
    %sign3A_88 = arith.cmpi slt, %iota3A_80, %sign3A_87 : vector<8x384xi32>
    %sign3A_89 = arith.extui %sign3A_88 : vector<8x384xi1> to vector<8x384xi32>
    %sign3A_90 = arith.subi %sign3A_85, %sign3A_89 : vector<8x384xi32>
    %sign3A_91 = arith.constant 0 : i32
    %sign3A_92 = arith.cmpi sgt, %jit3A, %sign3A_91 : i32
    %sign3A_93 = arith.extui %sign3A_92 : i1 to i32
    %sign3A_94 = arith.constant 0 : i32
    %sign3A_95 = arith.cmpi slt, %jit3A, %sign3A_94 : i32
    %sign3A_96 = arith.extui %sign3A_95 : i1 to i32
    %sign3A_97 = arith.subi %sign3A_93, %sign3A_96 : i32
    %ne3A = vector.broadcast %sign3A_97 : i32 to vector<8x384xi32>
    %ne3A_98 = arith.cmpi ne, %sign3A_90, %ne3A : vector<8x384xi32>
    %rem3A = vector.broadcast %jit3A : i32 to vector<8x384xi32>
    %rem3A_99 = arith.remsi %iota3A_80, %rem3A : vector<8x384xi32>
    %ne3A_100 = arith.constant 0 : i32
    %ne3A_101 = vector.broadcast %ne3A_100 : i32 to vector<8x384xi32>
    %ne3A_102 = arith.cmpi ne, %rem3A_99, %ne3A_101 : vector<8x384xi32>
    %and3A = arith.andi %ne3A_98, %ne3A_102 : vector<8x384xi1>
    %sub3A_103 = arith.constant 1 : i32
    %sub3A_104 = vector.broadcast %sub3A_103 : i32 to vector<8x384xi32>
    %sub3A_105 = arith.subi %div3A_82, %sub3A_104 : vector<8x384xi32>
    %select_n3A_106 = arith.select %and3A, %sub3A_105, %div3A_82 : vector<8x384xi1>, vector<8x384xi32>
    %eq3A_107 = arith.cmpi eq, %select_n3A_106, %iota3A_81 : vector<8x384xi32>
    %convert_element_type3A_108 = arith.extui %eq3A_107 : vector<8x384xi1> to vector<8x384xi32>
    %convert_element_type3A_109 = arith.sitofp %convert_element_type3A_108 : vector<8x384xi32> to vector<8x384xf32>
    %slice3A_110 = vector.extract_strided_slice %mul3A_79 {offsets = [0, 0], sizes = [256, 8], strides = [1, 1]} : vector<4096x8xf32> to vector<256x8xf32>
    %slice3A_111 = vector.extract_strided_slice %mul3A_79 {offsets = [256, 0], sizes = [256, 8], strides = [1, 1]} : vector<4096x8xf32> to vector<256x8xf32>
    %max3A_112 = arith.maximumf %slice3A_110, %slice3A_111 : vector<256x8xf32>
    %slice3A_113 = vector.extract_strided_slice %mul3A_79 {offsets = [512, 0], sizes = [256, 8], strides = [1, 1]} : vector<4096x8xf32> to vector<256x8xf32>
    %max3A_114 = arith.maximumf %max3A_112, %slice3A_113 : vector<256x8xf32>
    %slice3A_115 = vector.extract_strided_slice %mul3A_79 {offsets = [768, 0], sizes = [256, 8], strides = [1, 1]} : vector<4096x8xf32> to vector<256x8xf32>
    %max3A_116 = arith.maximumf %max3A_114, %slice3A_115 : vector<256x8xf32>
    %slice3A_117 = vector.extract_strided_slice %mul3A_79 {offsets = [1024, 0], sizes = [256, 8], strides = [1, 1]} : vector<4096x8xf32> to vector<256x8xf32>
    %max3A_118 = arith.maximumf %max3A_116, %slice3A_117 : vector<256x8xf32>
    %slice3A_119 = vector.extract_strided_slice %mul3A_79 {offsets = [1280, 0], sizes = [256, 8], strides = [1, 1]} : vector<4096x8xf32> to vector<256x8xf32>
    %max3A_120 = arith.maximumf %max3A_118, %slice3A_119 : vector<256x8xf32>
    %slice3A_121 = vector.extract_strided_slice %mul3A_79 {offsets = [1536, 0], sizes = [256, 8], strides = [1, 1]} : vector<4096x8xf32> to vector<256x8xf32>
    %max3A_122 = arith.maximumf %max3A_120, %slice3A_121 : vector<256x8xf32>
    %slice3A_123 = vector.extract_strided_slice %mul3A_79 {offsets = [1792, 0], sizes = [256, 8], strides = [1, 1]} : vector<4096x8xf32> to vector<256x8xf32>
    %max3A_124 = arith.maximumf %max3A_122, %slice3A_123 : vector<256x8xf32>
    %slice3A_125 = vector.extract_strided_slice %mul3A_79 {offsets = [2048, 0], sizes = [256, 8], strides = [1, 1]} : vector<4096x8xf32> to vector<256x8xf32>
    %max3A_126 = arith.maximumf %max3A_124, %slice3A_125 : vector<256x8xf32>
    %slice3A_127 = vector.extract_strided_slice %mul3A_79 {offsets = [2304, 0], sizes = [256, 8], strides = [1, 1]} : vector<4096x8xf32> to vector<256x8xf32>
    %max3A_128 = arith.maximumf %max3A_126, %slice3A_127 : vector<256x8xf32>
    %slice3A_129 = vector.extract_strided_slice %mul3A_79 {offsets = [2560, 0], sizes = [256, 8], strides = [1, 1]} : vector<4096x8xf32> to vector<256x8xf32>
    %max3A_130 = arith.maximumf %max3A_128, %slice3A_129 : vector<256x8xf32>
    %slice3A_131 = vector.extract_strided_slice %mul3A_79 {offsets = [2816, 0], sizes = [256, 8], strides = [1, 1]} : vector<4096x8xf32> to vector<256x8xf32>
    %max3A_132 = arith.maximumf %max3A_130, %slice3A_131 : vector<256x8xf32>
    %slice3A_133 = vector.extract_strided_slice %mul3A_79 {offsets = [3072, 0], sizes = [256, 8], strides = [1, 1]} : vector<4096x8xf32> to vector<256x8xf32>
    %max3A_134 = arith.maximumf %max3A_132, %slice3A_133 : vector<256x8xf32>
    %slice3A_135 = vector.extract_strided_slice %mul3A_79 {offsets = [3328, 0], sizes = [256, 8], strides = [1, 1]} : vector<4096x8xf32> to vector<256x8xf32>
    %max3A_136 = arith.maximumf %max3A_134, %slice3A_135 : vector<256x8xf32>
    %slice3A_137 = vector.extract_strided_slice %mul3A_79 {offsets = [3584, 0], sizes = [256, 8], strides = [1, 1]} : vector<4096x8xf32> to vector<256x8xf32>
    %max3A_138 = arith.maximumf %max3A_136, %slice3A_137 : vector<256x8xf32>
    %slice3A_139 = vector.extract_strided_slice %mul3A_79 {offsets = [3840, 0], sizes = [256, 8], strides = [1, 1]} : vector<4096x8xf32> to vector<256x8xf32>
    %max3A_140 = arith.maximumf %max3A_138, %slice3A_139 : vector<256x8xf32>
    %broadcast_in_dim3A_141 = arith.constant 0.000000e+00 : f32
    %broadcast_in_dim3A_142 = vector.broadcast %broadcast_in_dim3A_141 : f32 to vector<256x8xf32>
    %broadcast_in_dim3A_143 = arith.constant 0.000000e+00 : f32
    %broadcast_in_dim3A_144 = vector.broadcast %broadcast_in_dim3A_143 : f32 to vector<256x384xf32>
    %slice3A_145 = vector.extract_strided_slice %mul3A_79 {offsets = [0, 0], sizes = [256, 8], strides = [1, 1]} : vector<4096x8xf32> to vector<256x8xf32>
    %sub3A_146 = arith.subf %slice3A_145, %max3A_140 : vector<256x8xf32>
    %exp3A = math.exp %sub3A_146 : vector<256x8xf32>
    %add3A_147 = arith.addf %broadcast_in_dim3A_142, %exp3A : vector<256x8xf32>
    %dot_general3A_148 = arith.constant dense<0.000000e+00> : vector<256x384xf32>
    %dot_general3A_149 = tpu.matmul %exp3A, %convert_element_type3A_109, %dot_general3A_148 {dimension_numbers = #tpu.dot_dimension_numbers<[1], [0], [0], [1], [0, 0, 1, 1], [], []>, transpose_lhs_hint = false} : vector<256x8xf32>, vector<8x384xf32>, vector<256x384xf32> -> vector<256x384xf32>
    %slice3A_150 = vector.extract_strided_slice %add3A_27 {offsets = [0, 0], sizes = [256, 384], strides = [1, 1]} : vector<4096x384xf32> to vector<256x384xf32>
    %mul3A_151 = arith.mulf %dot_general3A_149, %slice3A_150 : vector<256x384xf32>
    %add3A_152 = arith.addf %broadcast_in_dim3A_144, %mul3A_151 : vector<256x384xf32>
    %slice3A_153 = vector.extract_strided_slice %mul3A_79 {offsets = [256, 0], sizes = [256, 8], strides = [1, 1]} : vector<4096x8xf32> to vector<256x8xf32>
    %sub3A_154 = arith.subf %slice3A_153, %max3A_140 : vector<256x8xf32>
    %exp3A_155 = math.exp %sub3A_154 : vector<256x8xf32>
    %add3A_156 = arith.addf %add3A_147, %exp3A_155 : vector<256x8xf32>
    %dot_general3A_157 = arith.constant dense<0.000000e+00> : vector<256x384xf32>
    %dot_general3A_158 = tpu.matmul %exp3A_155, %convert_element_type3A_109, %dot_general3A_157 {dimension_numbers = #tpu.dot_dimension_numbers<[1], [0], [0], [1], [0, 0, 1, 1], [], []>, transpose_lhs_hint = false} : vector<256x8xf32>, vector<8x384xf32>, vector<256x384xf32> -> vector<256x384xf32>
    %slice3A_159 = vector.extract_strided_slice %add3A_27 {offsets = [256, 0], sizes = [256, 384], strides = [1, 1]} : vector<4096x384xf32> to vector<256x384xf32>
    %mul3A_160 = arith.mulf %dot_general3A_158, %slice3A_159 : vector<256x384xf32>
    %add3A_161 = arith.addf %add3A_152, %mul3A_160 : vector<256x384xf32>
    %slice3A_162 = vector.extract_strided_slice %mul3A_79 {offsets = [512, 0], sizes = [256, 8], strides = [1, 1]} : vector<4096x8xf32> to vector<256x8xf32>
    %sub3A_163 = arith.subf %slice3A_162, %max3A_140 : vector<256x8xf32>
    %exp3A_164 = math.exp %sub3A_163 : vector<256x8xf32>
    %add3A_165 = arith.addf %add3A_156, %exp3A_164 : vector<256x8xf32>
    %dot_general3A_166 = arith.constant dense<0.000000e+00> : vector<256x384xf32>
    %dot_general3A_167 = tpu.matmul %exp3A_164, %convert_element_type3A_109, %dot_general3A_166 {dimension_numbers = #tpu.dot_dimension_numbers<[1], [0], [0], [1], [0, 0, 1, 1], [], []>, transpose_lhs_hint = false} : vector<256x8xf32>, vector<8x384xf32>, vector<256x384xf32> -> vector<256x384xf32>
    %slice3A_168 = vector.extract_strided_slice %add3A_27 {offsets = [512, 0], sizes = [256, 384], strides = [1, 1]} : vector<4096x384xf32> to vector<256x384xf32>
    %mul3A_169 = arith.mulf %dot_general3A_167, %slice3A_168 : vector<256x384xf32>
    %add3A_170 = arith.addf %add3A_161, %mul3A_169 : vector<256x384xf32>
    %slice3A_171 = vector.extract_strided_slice %mul3A_79 {offsets = [768, 0], sizes = [256, 8], strides = [1, 1]} : vector<4096x8xf32> to vector<256x8xf32>
    %sub3A_172 = arith.subf %slice3A_171, %max3A_140 : vector<256x8xf32>
    %exp3A_173 = math.exp %sub3A_172 : vector<256x8xf32>
    %add3A_174 = arith.addf %add3A_165, %exp3A_173 : vector<256x8xf32>
    %dot_general3A_175 = arith.constant dense<0.000000e+00> : vector<256x384xf32>
    %dot_general3A_176 = tpu.matmul %exp3A_173, %convert_element_type3A_109, %dot_general3A_175 {dimension_numbers = #tpu.dot_dimension_numbers<[1], [0], [0], [1], [0, 0, 1, 1], [], []>, transpose_lhs_hint = false} : vector<256x8xf32>, vector<8x384xf32>, vector<256x384xf32> -> vector<256x384xf32>
    %slice3A_177 = vector.extract_strided_slice %add3A_27 {offsets = [768, 0], sizes = [256, 384], strides = [1, 1]} : vector<4096x384xf32> to vector<256x384xf32>
    %mul3A_178 = arith.mulf %dot_general3A_176, %slice3A_177 : vector<256x384xf32>
    %add3A_179 = arith.addf %add3A_170, %mul3A_178 : vector<256x384xf32>
    %slice3A_180 = vector.extract_strided_slice %mul3A_79 {offsets = [1024, 0], sizes = [256, 8], strides = [1, 1]} : vector<4096x8xf32> to vector<256x8xf32>
    %sub3A_181 = arith.subf %slice3A_180, %max3A_140 : vector<256x8xf32>
    %exp3A_182 = math.exp %sub3A_181 : vector<256x8xf32>
    %add3A_183 = arith.addf %add3A_174, %exp3A_182 : vector<256x8xf32>
    %dot_general3A_184 = arith.constant dense<0.000000e+00> : vector<256x384xf32>
    %dot_general3A_185 = tpu.matmul %exp3A_182, %convert_element_type3A_109, %dot_general3A_184 {dimension_numbers = #tpu.dot_dimension_numbers<[1], [0], [0], [1], [0, 0, 1, 1], [], []>, transpose_lhs_hint = false} : vector<256x8xf32>, vector<8x384xf32>, vector<256x384xf32> -> vector<256x384xf32>
    %slice3A_186 = vector.extract_strided_slice %add3A_27 {offsets = [1024, 0], sizes = [256, 384], strides = [1, 1]} : vector<4096x384xf32> to vector<256x384xf32>
    %mul3A_187 = arith.mulf %dot_general3A_185, %slice3A_186 : vector<256x384xf32>
    %add3A_188 = arith.addf %add3A_179, %mul3A_187 : vector<256x384xf32>
    %slice3A_189 = vector.extract_strided_slice %mul3A_79 {offsets = [1280, 0], sizes = [256, 8], strides = [1, 1]} : vector<4096x8xf32> to vector<256x8xf32>
    %sub3A_190 = arith.subf %slice3A_189, %max3A_140 : vector<256x8xf32>
    %exp3A_191 = math.exp %sub3A_190 : vector<256x8xf32>
    %add3A_192 = arith.addf %add3A_183, %exp3A_191 : vector<256x8xf32>
    %dot_general3A_193 = arith.constant dense<0.000000e+00> : vector<256x384xf32>
    %dot_general3A_194 = tpu.matmul %exp3A_191, %convert_element_type3A_109, %dot_general3A_193 {dimension_numbers = #tpu.dot_dimension_numbers<[1], [0], [0], [1], [0, 0, 1, 1], [], []>, transpose_lhs_hint = false} : vector<256x8xf32>, vector<8x384xf32>, vector<256x384xf32> -> vector<256x384xf32>
    %slice3A_195 = vector.extract_strided_slice %add3A_27 {offsets = [1280, 0], sizes = [256, 384], strides = [1, 1]} : vector<4096x384xf32> to vector<256x384xf32>
    %mul3A_196 = arith.mulf %dot_general3A_194, %slice3A_195 : vector<256x384xf32>
    %add3A_197 = arith.addf %add3A_188, %mul3A_196 : vector<256x384xf32>
    %slice3A_198 = vector.extract_strided_slice %mul3A_79 {offsets = [1536, 0], sizes = [256, 8], strides = [1, 1]} : vector<4096x8xf32> to vector<256x8xf32>
    %sub3A_199 = arith.subf %slice3A_198, %max3A_140 : vector<256x8xf32>
    %exp3A_200 = math.exp %sub3A_199 : vector<256x8xf32>
    %add3A_201 = arith.addf %add3A_192, %exp3A_200 : vector<256x8xf32>
    %dot_general3A_202 = arith.constant dense<0.000000e+00> : vector<256x384xf32>
    %dot_general3A_203 = tpu.matmul %exp3A_200, %convert_element_type3A_109, %dot_general3A_202 {dimension_numbers = #tpu.dot_dimension_numbers<[1], [0], [0], [1], [0, 0, 1, 1], [], []>, transpose_lhs_hint = false} : vector<256x8xf32>, vector<8x384xf32>, vector<256x384xf32> -> vector<256x384xf32>
    %slice3A_204 = vector.extract_strided_slice %add3A_27 {offsets = [1536, 0], sizes = [256, 384], strides = [1, 1]} : vector<4096x384xf32> to vector<256x384xf32>
    %mul3A_205 = arith.mulf %dot_general3A_203, %slice3A_204 : vector<256x384xf32>
    %add3A_206 = arith.addf %add3A_197, %mul3A_205 : vector<256x384xf32>
    %slice3A_207 = vector.extract_strided_slice %mul3A_79 {offsets = [1792, 0], sizes = [256, 8], strides = [1, 1]} : vector<4096x8xf32> to vector<256x8xf32>
    %sub3A_208 = arith.subf %slice3A_207, %max3A_140 : vector<256x8xf32>
    %exp3A_209 = math.exp %sub3A_208 : vector<256x8xf32>
    %add3A_210 = arith.addf %add3A_201, %exp3A_209 : vector<256x8xf32>
    %dot_general3A_211 = arith.constant dense<0.000000e+00> : vector<256x384xf32>
    %dot_general3A_212 = tpu.matmul %exp3A_209, %convert_element_type3A_109, %dot_general3A_211 {dimension_numbers = #tpu.dot_dimension_numbers<[1], [0], [0], [1], [0, 0, 1, 1], [], []>, transpose_lhs_hint = false} : vector<256x8xf32>, vector<8x384xf32>, vector<256x384xf32> -> vector<256x384xf32>
    %slice3A_213 = vector.extract_strided_slice %add3A_27 {offsets = [1792, 0], sizes = [256, 384], strides = [1, 1]} : vector<4096x384xf32> to vector<256x384xf32>
    %mul3A_214 = arith.mulf %dot_general3A_212, %slice3A_213 : vector<256x384xf32>
    %add3A_215 = arith.addf %add3A_206, %mul3A_214 : vector<256x384xf32>
    %slice3A_216 = vector.extract_strided_slice %mul3A_79 {offsets = [2048, 0], sizes = [256, 8], strides = [1, 1]} : vector<4096x8xf32> to vector<256x8xf32>
    %sub3A_217 = arith.subf %slice3A_216, %max3A_140 : vector<256x8xf32>
    %exp3A_218 = math.exp %sub3A_217 : vector<256x8xf32>
    %add3A_219 = arith.addf %add3A_210, %exp3A_218 : vector<256x8xf32>
    %dot_general3A_220 = arith.constant dense<0.000000e+00> : vector<256x384xf32>
    %dot_general3A_221 = tpu.matmul %exp3A_218, %convert_element_type3A_109, %dot_general3A_220 {dimension_numbers = #tpu.dot_dimension_numbers<[1], [0], [0], [1], [0, 0, 1, 1], [], []>, transpose_lhs_hint = false} : vector<256x8xf32>, vector<8x384xf32>, vector<256x384xf32> -> vector<256x384xf32>
    %slice3A_222 = vector.extract_strided_slice %add3A_27 {offsets = [2048, 0], sizes = [256, 384], strides = [1, 1]} : vector<4096x384xf32> to vector<256x384xf32>
    %mul3A_223 = arith.mulf %dot_general3A_221, %slice3A_222 : vector<256x384xf32>
    %add3A_224 = arith.addf %add3A_215, %mul3A_223 : vector<256x384xf32>
    %slice3A_225 = vector.extract_strided_slice %mul3A_79 {offsets = [2304, 0], sizes = [256, 8], strides = [1, 1]} : vector<4096x8xf32> to vector<256x8xf32>
    %sub3A_226 = arith.subf %slice3A_225, %max3A_140 : vector<256x8xf32>
    %exp3A_227 = math.exp %sub3A_226 : vector<256x8xf32>
    %add3A_228 = arith.addf %add3A_219, %exp3A_227 : vector<256x8xf32>
    %dot_general3A_229 = arith.constant dense<0.000000e+00> : vector<256x384xf32>
    %dot_general3A_230 = tpu.matmul %exp3A_227, %convert_element_type3A_109, %dot_general3A_229 {dimension_numbers = #tpu.dot_dimension_numbers<[1], [0], [0], [1], [0, 0, 1, 1], [], []>, transpose_lhs_hint = false} : vector<256x8xf32>, vector<8x384xf32>, vector<256x384xf32> -> vector<256x384xf32>
    %slice3A_231 = vector.extract_strided_slice %add3A_27 {offsets = [2304, 0], sizes = [256, 384], strides = [1, 1]} : vector<4096x384xf32> to vector<256x384xf32>
    %mul3A_232 = arith.mulf %dot_general3A_230, %slice3A_231 : vector<256x384xf32>
    %add3A_233 = arith.addf %add3A_224, %mul3A_232 : vector<256x384xf32>
    %slice3A_234 = vector.extract_strided_slice %mul3A_79 {offsets = [2560, 0], sizes = [256, 8], strides = [1, 1]} : vector<4096x8xf32> to vector<256x8xf32>
    %sub3A_235 = arith.subf %slice3A_234, %max3A_140 : vector<256x8xf32>
    %exp3A_236 = math.exp %sub3A_235 : vector<256x8xf32>
    %add3A_237 = arith.addf %add3A_228, %exp3A_236 : vector<256x8xf32>
    %dot_general3A_238 = arith.constant dense<0.000000e+00> : vector<256x384xf32>
    %dot_general3A_239 = tpu.matmul %exp3A_236, %convert_element_type3A_109, %dot_general3A_238 {dimension_numbers = #tpu.dot_dimension_numbers<[1], [0], [0], [1], [0, 0, 1, 1], [], []>, transpose_lhs_hint = false} : vector<256x8xf32>, vector<8x384xf32>, vector<256x384xf32> -> vector<256x384xf32>
    %slice3A_240 = vector.extract_strided_slice %add3A_27 {offsets = [2560, 0], sizes = [256, 384], strides = [1, 1]} : vector<4096x384xf32> to vector<256x384xf32>
    %mul3A_241 = arith.mulf %dot_general3A_239, %slice3A_240 : vector<256x384xf32>
    %add3A_242 = arith.addf %add3A_233, %mul3A_241 : vector<256x384xf32>
    %slice3A_243 = vector.extract_strided_slice %mul3A_79 {offsets = [2816, 0], sizes = [256, 8], strides = [1, 1]} : vector<4096x8xf32> to vector<256x8xf32>
    %sub3A_244 = arith.subf %slice3A_243, %max3A_140 : vector<256x8xf32>
    %exp3A_245 = math.exp %sub3A_244 : vector<256x8xf32>
    %add3A_246 = arith.addf %add3A_237, %exp3A_245 : vector<256x8xf32>
    %dot_general3A_247 = arith.constant dense<0.000000e+00> : vector<256x384xf32>
    %dot_general3A_248 = tpu.matmul %exp3A_245, %convert_element_type3A_109, %dot_general3A_247 {dimension_numbers = #tpu.dot_dimension_numbers<[1], [0], [0], [1], [0, 0, 1, 1], [], []>, transpose_lhs_hint = false} : vector<256x8xf32>, vector<8x384xf32>, vector<256x384xf32> -> vector<256x384xf32>
    %slice3A_249 = vector.extract_strided_slice %add3A_27 {offsets = [2816, 0], sizes = [256, 384], strides = [1, 1]} : vector<4096x384xf32> to vector<256x384xf32>
    %mul3A_250 = arith.mulf %dot_general3A_248, %slice3A_249 : vector<256x384xf32>
    %add3A_251 = arith.addf %add3A_242, %mul3A_250 : vector<256x384xf32>
    %slice3A_252 = vector.extract_strided_slice %mul3A_79 {offsets = [3072, 0], sizes = [256, 8], strides = [1, 1]} : vector<4096x8xf32> to vector<256x8xf32>
    %sub3A_253 = arith.subf %slice3A_252, %max3A_140 : vector<256x8xf32>
    %exp3A_254 = math.exp %sub3A_253 : vector<256x8xf32>
    %add3A_255 = arith.addf %add3A_246, %exp3A_254 : vector<256x8xf32>
    %dot_general3A_256 = arith.constant dense<0.000000e+00> : vector<256x384xf32>
    %dot_general3A_257 = tpu.matmul %exp3A_254, %convert_element_type3A_109, %dot_general3A_256 {dimension_numbers = #tpu.dot_dimension_numbers<[1], [0], [0], [1], [0, 0, 1, 1], [], []>, transpose_lhs_hint = false} : vector<256x8xf32>, vector<8x384xf32>, vector<256x384xf32> -> vector<256x384xf32>
    %slice3A_258 = vector.extract_strided_slice %add3A_27 {offsets = [3072, 0], sizes = [256, 384], strides = [1, 1]} : vector<4096x384xf32> to vector<256x384xf32>
    %mul3A_259 = arith.mulf %dot_general3A_257, %slice3A_258 : vector<256x384xf32>
    %add3A_260 = arith.addf %add3A_251, %mul3A_259 : vector<256x384xf32>
    %slice3A_261 = vector.extract_strided_slice %mul3A_79 {offsets = [3328, 0], sizes = [256, 8], strides = [1, 1]} : vector<4096x8xf32> to vector<256x8xf32>
    %sub3A_262 = arith.subf %slice3A_261, %max3A_140 : vector<256x8xf32>
    %exp3A_263 = math.exp %sub3A_262 : vector<256x8xf32>
    %add3A_264 = arith.addf %add3A_255, %exp3A_263 : vector<256x8xf32>
    %dot_general3A_265 = arith.constant dense<0.000000e+00> : vector<256x384xf32>
    %dot_general3A_266 = tpu.matmul %exp3A_263, %convert_element_type3A_109, %dot_general3A_265 {dimension_numbers = #tpu.dot_dimension_numbers<[1], [0], [0], [1], [0, 0, 1, 1], [], []>, transpose_lhs_hint = false} : vector<256x8xf32>, vector<8x384xf32>, vector<256x384xf32> -> vector<256x384xf32>
    %slice3A_267 = vector.extract_strided_slice %add3A_27 {offsets = [3328, 0], sizes = [256, 384], strides = [1, 1]} : vector<4096x384xf32> to vector<256x384xf32>
    %mul3A_268 = arith.mulf %dot_general3A_266, %slice3A_267 : vector<256x384xf32>
    %add3A_269 = arith.addf %add3A_260, %mul3A_268 : vector<256x384xf32>
    %slice3A_270 = vector.extract_strided_slice %mul3A_79 {offsets = [3584, 0], sizes = [256, 8], strides = [1, 1]} : vector<4096x8xf32> to vector<256x8xf32>
    %sub3A_271 = arith.subf %slice3A_270, %max3A_140 : vector<256x8xf32>
    %exp3A_272 = math.exp %sub3A_271 : vector<256x8xf32>
    %add3A_273 = arith.addf %add3A_264, %exp3A_272 : vector<256x8xf32>
    %dot_general3A_274 = arith.constant dense<0.000000e+00> : vector<256x384xf32>
    %dot_general3A_275 = tpu.matmul %exp3A_272, %convert_element_type3A_109, %dot_general3A_274 {dimension_numbers = #tpu.dot_dimension_numbers<[1], [0], [0], [1], [0, 0, 1, 1], [], []>, transpose_lhs_hint = false} : vector<256x8xf32>, vector<8x384xf32>, vector<256x384xf32> -> vector<256x384xf32>
    %slice3A_276 = vector.extract_strided_slice %add3A_27 {offsets = [3584, 0], sizes = [256, 384], strides = [1, 1]} : vector<4096x384xf32> to vector<256x384xf32>
    %mul3A_277 = arith.mulf %dot_general3A_275, %slice3A_276 : vector<256x384xf32>
    %add3A_278 = arith.addf %add3A_269, %mul3A_277 : vector<256x384xf32>
    %slice3A_279 = vector.extract_strided_slice %mul3A_79 {offsets = [3840, 0], sizes = [256, 8], strides = [1, 1]} : vector<4096x8xf32> to vector<256x8xf32>
    %sub3A_280 = arith.subf %slice3A_279, %max3A_140 : vector<256x8xf32>
    %exp3A_281 = math.exp %sub3A_280 : vector<256x8xf32>
    %add3A_282 = arith.addf %add3A_273, %exp3A_281 : vector<256x8xf32>
    %dot_general3A_283 = arith.constant dense<0.000000e+00> : vector<256x384xf32>
    %dot_general3A_284 = tpu.matmul %exp3A_281, %convert_element_type3A_109, %dot_general3A_283 {dimension_numbers = #tpu.dot_dimension_numbers<[1], [0], [0], [1], [0, 0, 1, 1], [], []>, transpose_lhs_hint = false} : vector<256x8xf32>, vector<8x384xf32>, vector<256x384xf32> -> vector<256x384xf32>
    %slice3A_285 = vector.extract_strided_slice %add3A_27 {offsets = [3840, 0], sizes = [256, 384], strides = [1, 1]} : vector<4096x384xf32> to vector<256x384xf32>
    %mul3A_286 = arith.mulf %dot_general3A_284, %slice3A_285 : vector<256x384xf32>
    %add3A_287 = arith.addf %add3A_278, %mul3A_286 : vector<256x384xf32>
    %dot_general3A_288 = arith.constant dense<0.000000e+00> : vector<256x384xf32>
    %dot_general3A_289 = tpu.matmul %add3A_282, %convert_element_type3A_109, %dot_general3A_288 {dimension_numbers = #tpu.dot_dimension_numbers<[1], [0], [0], [1], [0, 0, 1, 1], [], []>, transpose_lhs_hint = false} : vector<256x8xf32>, vector<8x384xf32>, vector<256x384xf32> -> vector<256x384xf32>
    %div3A_290 = arith.divf %add3A_287, %dot_general3A_289 : vector<256x384xf32>
    %mul3A_291 = arith.constant 0.999994993 : f32
    %mul3A_292 = vector.broadcast %mul3A_291 : f32 to vector<256x384xf32>
    %mul3A_293 = arith.mulf %div3A_290, %mul3A_292 : vector<256x384xf32>
    %max3A_294 = arith.constant 0.000000e+00 : f32
    %max3A_295 = vector.broadcast %max3A_294 : f32 to vector<256x384xf32>
    %max3A_296 = arith.maximumf %mul3A_293, %max3A_295 : vector<256x384xf32>
    %get3A_297 = arith.constant 0 : index
    %get3A_298 = arith.constant 0 : index
    %get3A_299 = vector.load %arg12[%get3A_297, %get3A_298] : memref<384x384xf32, #tpu.memory_space<vmem>>, vector<384x384xf32>
    %dot_general3A_300 = arith.constant dense<0.000000e+00> : vector<256x384xf32>
    %dot_general3A_301 = tpu.matmul %max3A_296, %get3A_299, %dot_general3A_300 {dimension_numbers = #tpu.dot_dimension_numbers<[1], [0], [0], [1], [0, 0, 1, 1], [], []>, transpose_lhs_hint = false} : vector<256x384xf32>, vector<384x384xf32>, vector<256x384xf32> -> vector<256x384xf32>
    %get3A_302 = arith.constant 0 : index
    %get3A_303 = arith.constant 0 : index
    %get3A_304 = vector.load %arg13[%get3A_302, %get3A_303] : memref<1x384xf32, #tpu.memory_space<vmem>>, vector<1x384xf32>
    %add3A_305 = vector.broadcast %get3A_304 : vector<1x384xf32> to vector<256x384xf32>
    %add3A_306 = arith.addf %dot_general3A_301, %add3A_305 : vector<256x384xf32>
    %add3A_307 = arith.addf %get3A_3, %add3A_306 : vector<256x384xf32>
    %swap3A = arith.constant 0 : index
    %swap3A_308 = arith.constant 0 : index
    %swap3A_309 = arith.constant 0 : index
    %swap3A_310 = vector.load %arg17[%swap3A, %swap3A_308, %swap3A_309] : memref<1x256x384xf32, #tpu.memory_space<vmem>>, vector<1x256x384xf32>
    %swap3A_311 = vector.shape_cast %swap3A_310 : vector<1x256x384xf32> to vector<256x384xf32>
    %swap3A_312 = vector.shape_cast %add3A_307 : vector<256x384xf32> to vector<1x256x384xf32>
    tpu.vector_store %arg17[%swap3A, %swap3A_308, %swap3A_309], %swap3A_312 {strides = array<i32>} : memref<1x256x384xf32, #tpu.memory_space<vmem>>, vector<1x256x384xf32>,
    %get3A_313 = arith.constant 0 : index
    %get3A_314 = arith.constant 0 : index
    %get3A_315 = vector.load %arg14[%get3A_313, %get3A_314] : memref<384x384xf32, #tpu.memory_space<vmem>>, vector<384x384xf32>
    %dot_general3A_316 = arith.constant dense<0.000000e+00> : vector<256x384xf32>
    %dot_general3A_317 = tpu.matmul %add3A_307, %get3A_315, %dot_general3A_316 {dimension_numbers = #tpu.dot_dimension_numbers<[1], [0], [0], [1], [0, 0, 1, 1], [], []>, transpose_lhs_hint = false} : vector<256x384xf32>, vector<384x384xf32>, vector<256x384xf32> -> vector<256x384xf32>
    %mul3A_318 = arith.constant 0.144337565 : f32
    %mul3A_319 = vector.broadcast %mul3A_318 : f32 to vector<256x384xf32>
    %mul3A_320 = arith.mulf %dot_general3A_317, %mul3A_319 : vector<256x384xf32>
    %swap3A_321 = arith.constant 0 : index
    %swap3A_322 = arith.constant 0 : index
    %swap3A_323 = arith.constant 0 : index
    %swap3A_324 = vector.load %arg18[%swap3A_321, %swap3A_322, %swap3A_323] : memref<1x256x384xf32, #tpu.memory_space<vmem>>, vector<1x256x384xf32>
    %swap3A_325 = vector.shape_cast %swap3A_324 : vector<1x256x384xf32> to vector<256x384xf32>
    %swap3A_326 = vector.shape_cast %mul3A_320 : vector<256x384xf32> to vector<1x256x384xf32>
    tpu.vector_store %arg18[%swap3A_321, %swap3A_322, %swap3A_323], %swap3A_326 {strides = array<i32>} : memref<1x256x384xf32, #tpu.memory_space<vmem>>, vector<1x256x384xf32>,
    %get3A_327 = arith.constant 0 : index
    %get3A_328 = arith.constant 0 : index
    %get3A_329 = vector.load %arg15[%get3A_327, %get3A_328] : memref<384x384xf32, #tpu.memory_space<vmem>>, vector<384x384xf32>
    %dot_general3A_330 = arith.constant dense<0.000000e+00> : vector<256x384xf32>
    %dot_general3A_331 = tpu.matmul %add3A_307, %get3A_329, %dot_general3A_330 {dimension_numbers = #tpu.dot_dimension_numbers<[1], [0], [0], [1], [0, 0, 1, 1], [], []>, transpose_lhs_hint = false} : vector<256x384xf32>, vector<384x384xf32>, vector<256x384xf32> -> vector<256x384xf32>
    %swap3A_332 = arith.constant 0 : index
    %swap3A_333 = arith.constant 0 : index
    %swap3A_334 = arith.constant 0 : index
    %swap3A_335 = vector.load %arg19[%swap3A_332, %swap3A_333, %swap3A_334] : memref<1x256x384xf32, #tpu.memory_space<vmem>>, vector<1x256x384xf32>
    %swap3A_336 = vector.shape_cast %swap3A_335 : vector<1x256x384xf32> to vector<256x384xf32>
    %swap3A_337 = vector.shape_cast %dot_general3A_331 : vector<256x384xf32> to vector<1x256x384xf32>
    tpu.vector_store %arg19[%swap3A_332, %swap3A_333, %swap3A_334], %swap3A_337 {strides = array<i32>} : memref<1x256x384xf32, #tpu.memory_space<vmem>>, vector<1x256x384xf32>,
    %get3A_338 = arith.constant 0 : index
    %get3A_339 = arith.constant 0 : index
    %get3A_340 = vector.load %arg16[%get3A_338, %get3A_339] : memref<384x384xf32, #tpu.memory_space<vmem>>, vector<384x384xf32>
    %dot_general3A_341 = arith.constant dense<0.000000e+00> : vector<256x384xf32>
    %dot_general3A_342 = tpu.matmul %add3A_307, %get3A_340, %dot_general3A_341 {dimension_numbers = #tpu.dot_dimension_numbers<[1], [0], [0], [1], [0, 0, 1, 1], [], []>, transpose_lhs_hint = false} : vector<256x384xf32>, vector<384x384xf32>, vector<256x384xf32> -> vector<256x384xf32>
    %swap3A_343 = arith.constant 0 : index
    %swap3A_344 = arith.constant 0 : index
    %swap3A_345 = arith.constant 0 : index
    %swap3A_346 = vector.load %arg20[%swap3A_343, %swap3A_344, %swap3A_345] : memref<1x256x384xf32, #tpu.memory_space<vmem>>, vector<1x256x384xf32>
    %swap3A_347 = vector.shape_cast %swap3A_346 : vector<1x256x384xf32> to vector<256x384xf32>
    %swap3A_348 = vector.shape_cast %dot_general3A_342 : vector<256x384xf32> to vector<1x256x384xf32>
    tpu.vector_store %arg20[%swap3A_343, %swap3A_344, %swap3A_345], %swap3A_348 {strides = array<i32>} : memref<1x256x384xf32, #tpu.memory_space<vmem>>, vector<1x256x384xf32>,
    return
  }
  func.func @transform_0(%arg0: i32, %arg1: i32) -> (i32, i32, i32) {
    %c0_i32 = arith.constant 0 : i32
    %c0_i32_0 = arith.constant 0 : i32
    return %arg0, %arg1, %c0_i32 : i32, i32, i32
  }
  func.func @transform_1(%arg0: i32, %arg1: i32) -> (i32, i32, i32, i32) {
    %c0_i32 = arith.constant 0 : i32
    %c0_i32_0 = arith.constant 0 : i32
    %c0_i32_1 = arith.constant 0 : i32
    return %arg0, %c0_i32, %arg1, %c0_i32_0 : i32, i32, i32, i32
  }
  func.func @transform_2(%arg0: i32, %arg1: i32) -> (i32, i32, i32) {
    %c0_i32 = arith.constant 0 : i32
    %c0_i32_0 = arith.constant 0 : i32
    return %arg0, %arg1, %c0_i32 : i32, i32, i32
  }
  func.func @transform_3(%arg0: i32, %arg1: i32) -> (i32, i32) {
    %c0_i32 = arith.constant 0 : i32
    %c0_i32_0 = arith.constant 0 : i32
    %c0_i32_1 = arith.constant 0 : i32
    return %c0_i32, %c0_i32_0 : i32, i32
  }
  func.func @transform_4(%arg0: i32, %arg1: i32) -> (i32, i32) {
    %c0_i32 = arith.constant 0 : i32
    %c0_i32_0 = arith.constant 0 : i32
    %c0_i32_1 = arith.constant 0 : i32
    return %c0_i32, %c0_i32_0 : i32, i32
  }
  func.func @transform_5(%arg0: i32, %arg1: i32) -> (i32, i32) {
    %c0_i32 = arith.constant 0 : i32
    %c0_i32_0 = arith.constant 0 : i32
    %c0_i32_1 = arith.constant 0 : i32
    return %c0_i32, %c0_i32_0 : i32, i32
  }
  func.func @transform_6(%arg0: i32, %arg1: i32) -> (i32, i32) {
    %c0_i32 = arith.constant 0 : i32
    %c0_i32_0 = arith.constant 0 : i32
    %c0_i32_1 = arith.constant 0 : i32
    return %c0_i32, %c0_i32_0 : i32, i32
  }
  func.func @transform_7(%arg0: i32, %arg1: i32) -> (i32, i32) {
    %c0_i32 = arith.constant 0 : i32
    %c0_i32_0 = arith.constant 0 : i32
    %c0_i32_1 = arith.constant 0 : i32
    return %c0_i32, %c0_i32_0 : i32, i32
  }
  func.func @transform_8(%arg0: i32, %arg1: i32) -> (i32, i32) {
    %c0_i32 = arith.constant 0 : i32
    %c0_i32_0 = arith.constant 0 : i32
    %c0_i32_1 = arith.constant 0 : i32
    return %c0_i32, %c0_i32_0 : i32, i32
  }
  func.func @transform_9(%arg0: i32, %arg1: i32) -> (i32, i32) {
    %c0_i32 = arith.constant 0 : i32
    %c0_i32_0 = arith.constant 0 : i32
    %c0_i32_1 = arith.constant 0 : i32
    return %c0_i32, %c0_i32_0 : i32, i32
  }
  func.func @transform_10(%arg0: i32, %arg1: i32) -> (i32, i32) {
    %c0_i32 = arith.constant 0 : i32
    %c0_i32_0 = arith.constant 0 : i32
    %c0_i32_1 = arith.constant 0 : i32
    return %c0_i32, %c0_i32_0 : i32, i32
  }
  func.func @transform_11(%arg0: i32, %arg1: i32) -> (i32, i32) {
    %c0_i32 = arith.constant 0 : i32
    %c0_i32_0 = arith.constant 0 : i32
    %c0_i32_1 = arith.constant 0 : i32
    return %c0_i32, %c0_i32_0 : i32, i32
  }
  func.func @transform_12(%arg0: i32, %arg1: i32) -> (i32, i32) {
    %c0_i32 = arith.constant 0 : i32
    %c0_i32_0 = arith.constant 0 : i32
    %c0_i32_1 = arith.constant 0 : i32
    return %c0_i32, %c0_i32_0 : i32, i32
  }
  func.func @transform_13(%arg0: i32, %arg1: i32) -> (i32, i32) {
    %c0_i32 = arith.constant 0 : i32
    %c0_i32_0 = arith.constant 0 : i32
    %c0_i32_1 = arith.constant 0 : i32
    return %c0_i32, %c0_i32_0 : i32, i32
  }
  func.func @transform_14(%arg0: i32, %arg1: i32) -> (i32, i32) {
    %c0_i32 = arith.constant 0 : i32
    %c0_i32_0 = arith.constant 0 : i32
    %c0_i32_1 = arith.constant 0 : i32
    return %c0_i32, %c0_i32_0 : i32, i32
  }
  func.func @transform_15(%arg0: i32, %arg1: i32) -> (i32, i32, i32) {
    %c0_i32 = arith.constant 0 : i32
    %c0_i32_0 = arith.constant 0 : i32
    return %arg0, %arg1, %c0_i32 : i32, i32, i32
  }
  func.func @transform_16(%arg0: i32, %arg1: i32) -> (i32, i32, i32) {
    %c0_i32 = arith.constant 0 : i32
    %c0_i32_0 = arith.constant 0 : i32
    return %arg0, %arg1, %c0_i32 : i32, i32, i32
  }
  func.func @transform_17(%arg0: i32, %arg1: i32) -> (i32, i32, i32) {
    %c0_i32 = arith.constant 0 : i32
    %c0_i32_0 = arith.constant 0 : i32
    return %arg0, %arg1, %c0_i32 : i32, i32, i32
  }
  func.func @transform_18(%arg0: i32, %arg1: i32) -> (i32, i32, i32) {
    %c0_i32 = arith.constant 0 : i32
    %c0_i32_0 = arith.constant 0 : i32
    return %arg0, %arg1, %c0_i32 : i32, i32, i32
  }
}

module attributes {stable_mosaic.version = 14 : i64} {
  func.func @_global_body(%arg0: i32, %arg1: i32, %arg2: memref<1x512x384xf32, #tpu.memory_space<vmem>>, %arg3: memref<1x512x384xf32, #tpu.memory_space<vmem>>, %arg4: memref<1x2048x384xf32, #tpu.memory_space<vmem>>, %arg5: memref<1x2048x384xf32, #tpu.memory_space<vmem>>, %arg6: memref<384x384xf32, #tpu.memory_space<vmem>>, %arg7: memref<1x384xf32, #tpu.memory_space<vmem>>, %arg8: memref<1x512x384xf32, #tpu.memory_space<vmem>>) attributes {dimension_semantics = [#tpu.dimension_semantics<arbitrary>, #tpu.dimension_semantics<arbitrary>], iteration_bounds = array<i64: 1, 4>, scalar_prefetch = 0 : i64, scratch_operands = 0 : i64, tpu.core_type = #tpu.core_type<tc>, window_params = [{transform_indices = @transform_0, window_bounds = array<i64: 1, 512, 384>}, {transform_indices = @transform_1, window_bounds = array<i64: 1, 512, 384>}, {transform_indices = @transform_2, window_bounds = array<i64: 1, 2048, 384>}, {transform_indices = @transform_3, window_bounds = array<i64: 1, 2048, 384>}, {pipeline_mode = #tpu.pipeline_mode<synchronous>, transform_indices = @transform_4, window_bounds = array<i64: 384, 384>}, {pipeline_mode = #tpu.pipeline_mode<synchronous>, transform_indices = @transform_5, window_bounds = array<i64: 1, 384>}, {transform_indices = @transform_6, window_bounds = array<i64: 1, 512, 384>}]} {
    %get3A = arith.constant 0 : index
    %get3A_0 = arith.constant 0 : index
    %get3A_1 = arith.constant 0 : index
    %get3A_2 = vector.load %arg3[%get3A, %get3A_0, %get3A_1] : memref<1x512x384xf32, #tpu.memory_space<vmem>>, vector<1x512x384xf32>
    %get3A_3 = vector.shape_cast %get3A_2 : vector<1x512x384xf32> to vector<512x384xf32>
    %get3A_4 = arith.constant 0 : index
    %get3A_5 = arith.constant 0 : index
    %get3A_6 = arith.constant 0 : index
    %get3A_7 = vector.load %arg4[%get3A_4, %get3A_5, %get3A_6] : memref<1x2048x384xf32, #tpu.memory_space<vmem>>, vector<1x2048x384xf32>
    %get3A_8 = vector.shape_cast %get3A_7 : vector<1x2048x384xf32> to vector<2048x384xf32>
    %get3A_9 = arith.constant 0 : index
    %get3A_10 = arith.constant 0 : index
    %get3A_11 = arith.constant 0 : index
    %get3A_12 = vector.load %arg5[%get3A_9, %get3A_10, %get3A_11] : memref<1x2048x384xf32, #tpu.memory_space<vmem>>, vector<1x2048x384xf32>
    %get3A_13 = vector.shape_cast %get3A_12 : vector<1x2048x384xf32> to vector<2048x384xf32>
    %broadcast_in_dim3A = arith.constant 0.000000e+00 : f32
    %broadcast_in_dim3A_14 = vector.broadcast %broadcast_in_dim3A : f32 to vector<512x384xf32>
    %slice3A = vector.extract_strided_slice %get3A_3 {offsets = [0, 0], sizes = [512, 48], strides = [1, 1]} : vector<512x384xf32> to vector<512x48xf32>
    %slice3A_15 = vector.extract_strided_slice %get3A_8 {offsets = [0, 0], sizes = [2048, 48], strides = [1, 1]} : vector<2048x384xf32> to vector<2048x48xf32>
    %dot_general3A = arith.constant dense<0.000000e+00> : vector<512x2048xf32>
    %dot_general3A_16 = tpu.matmul %slice3A, %slice3A_15, %dot_general3A {dimension_numbers = #tpu.dot_dimension_numbers<[1], [1], [0], [0], [0, 0, 1, 0], [], []>, transpose_lhs_hint = false} : vector<512x48xf32>, vector<2048x48xf32>, vector<512x2048xf32> -> vector<512x2048xf32>
    %reduce_max3A = arith.constant dense<0xFF800000> : vector<512xf32>
    %reduce_max3A_17 = vector.multi_reduction <maximumf>, %dot_general3A_16, %reduce_max3A [1] : vector<512x2048xf32> to vector<512xf32>
    %broadcast_in_dim3A_18 = vector.shape_cast %reduce_max3A_17 : vector<512xf32> to vector<512x1xf32>
    %sub3A = vector.broadcast %broadcast_in_dim3A_18 : vector<512x1xf32> to vector<512x2048xf32>
    %sub3A_19 = arith.subf %dot_general3A_16, %sub3A : vector<512x2048xf32>
    %exp3A = math.exp %sub3A_19 : vector<512x2048xf32>
    %reduce_sum3A = arith.constant dense<0.000000e+00> : vector<512xf32>
    %reduce_sum3A_20 = vector.multi_reduction <add>, %exp3A, %reduce_sum3A [1] : vector<512x2048xf32> to vector<512xf32>
    %broadcast_in_dim3A_21 = vector.shape_cast %reduce_sum3A_20 : vector<512xf32> to vector<512x1xf32>
    %slice3A_22 = vector.extract_strided_slice %get3A_13 {offsets = [0, 0], sizes = [2048, 48], strides = [1, 1]} : vector<2048x384xf32> to vector<2048x48xf32>
    %dot_general3A_23 = arith.constant dense<0.000000e+00> : vector<512x48xf32>
    %dot_general3A_24 = tpu.matmul %exp3A, %slice3A_22, %dot_general3A_23 {dimension_numbers = #tpu.dot_dimension_numbers<[1], [0], [0], [1], [0, 0, 1, 1], [], []>, transpose_lhs_hint = false} : vector<512x2048xf32>, vector<2048x48xf32>, vector<512x48xf32> -> vector<512x48xf32>
    %div3A = vector.broadcast %broadcast_in_dim3A_21 : vector<512x1xf32> to vector<512x48xf32>
    %div3A_25 = arith.divf %dot_general3A_24, %div3A : vector<512x48xf32>
    %get3A_26 = arith.constant 0 : index
    %get3A_27 = arith.constant 0 : index
    %get3A_28 = vector.load %arg6[%get3A_26, %get3A_27] : memref<384x384xf32, #tpu.memory_space<vmem>>, vector<48x384xf32>
    %dot_general3A_29 = arith.constant dense<0.000000e+00> : vector<512x384xf32>
    %dot_general3A_30 = tpu.matmul %div3A_25, %get3A_28, %dot_general3A_29 {dimension_numbers = #tpu.dot_dimension_numbers<[1], [0], [0], [1], [0, 0, 1, 1], [], []>, transpose_lhs_hint = false} : vector<512x48xf32>, vector<48x384xf32>, vector<512x384xf32> -> vector<512x384xf32>
    %add3A = arith.addf %broadcast_in_dim3A_14, %dot_general3A_30 : vector<512x384xf32>
    %slice3A_31 = vector.extract_strided_slice %get3A_3 {offsets = [0, 48], sizes = [512, 48], strides = [1, 1]} : vector<512x384xf32> to vector<512x48xf32>
    %slice3A_32 = vector.extract_strided_slice %get3A_8 {offsets = [0, 48], sizes = [2048, 48], strides = [1, 1]} : vector<2048x384xf32> to vector<2048x48xf32>
    %dot_general3A_33 = arith.constant dense<0.000000e+00> : vector<512x2048xf32>
    %dot_general3A_34 = tpu.matmul %slice3A_31, %slice3A_32, %dot_general3A_33 {dimension_numbers = #tpu.dot_dimension_numbers<[1], [1], [0], [0], [0, 0, 1, 0], [], []>, transpose_lhs_hint = false} : vector<512x48xf32>, vector<2048x48xf32>, vector<512x2048xf32> -> vector<512x2048xf32>
    %reduce_max3A_35 = arith.constant dense<0xFF800000> : vector<512xf32>
    %reduce_max3A_36 = vector.multi_reduction <maximumf>, %dot_general3A_34, %reduce_max3A_35 [1] : vector<512x2048xf32> to vector<512xf32>
    %broadcast_in_dim3A_37 = vector.shape_cast %reduce_max3A_36 : vector<512xf32> to vector<512x1xf32>
    %sub3A_38 = vector.broadcast %broadcast_in_dim3A_37 : vector<512x1xf32> to vector<512x2048xf32>
    %sub3A_39 = arith.subf %dot_general3A_34, %sub3A_38 : vector<512x2048xf32>
    %exp3A_40 = math.exp %sub3A_39 : vector<512x2048xf32>
    %reduce_sum3A_41 = arith.constant dense<0.000000e+00> : vector<512xf32>
    %reduce_sum3A_42 = vector.multi_reduction <add>, %exp3A_40, %reduce_sum3A_41 [1] : vector<512x2048xf32> to vector<512xf32>
    %broadcast_in_dim3A_43 = vector.shape_cast %reduce_sum3A_42 : vector<512xf32> to vector<512x1xf32>
    %slice3A_44 = vector.extract_strided_slice %get3A_13 {offsets = [0, 48], sizes = [2048, 48], strides = [1, 1]} : vector<2048x384xf32> to vector<2048x48xf32>
    %dot_general3A_45 = arith.constant dense<0.000000e+00> : vector<512x48xf32>
    %dot_general3A_46 = tpu.matmul %exp3A_40, %slice3A_44, %dot_general3A_45 {dimension_numbers = #tpu.dot_dimension_numbers<[1], [0], [0], [1], [0, 0, 1, 1], [], []>, transpose_lhs_hint = false} : vector<512x2048xf32>, vector<2048x48xf32>, vector<512x48xf32> -> vector<512x48xf32>
    %div3A_47 = vector.broadcast %broadcast_in_dim3A_43 : vector<512x1xf32> to vector<512x48xf32>
    %div3A_48 = arith.divf %dot_general3A_46, %div3A_47 : vector<512x48xf32>
    %get3A_49 = arith.constant 48 : index
    %get3A_50 = arith.constant 0 : index
    %get3A_51 = vector.load %arg6[%get3A_49, %get3A_50] : memref<384x384xf32, #tpu.memory_space<vmem>>, vector<48x384xf32>
    %dot_general3A_52 = arith.constant dense<0.000000e+00> : vector<512x384xf32>
    %dot_general3A_53 = tpu.matmul %div3A_48, %get3A_51, %dot_general3A_52 {dimension_numbers = #tpu.dot_dimension_numbers<[1], [0], [0], [1], [0, 0, 1, 1], [], []>, transpose_lhs_hint = false} : vector<512x48xf32>, vector<48x384xf32>, vector<512x384xf32> -> vector<512x384xf32>
    %add3A_54 = arith.addf %add3A, %dot_general3A_53 : vector<512x384xf32>
    %slice3A_55 = vector.extract_strided_slice %get3A_3 {offsets = [0, 96], sizes = [512, 48], strides = [1, 1]} : vector<512x384xf32> to vector<512x48xf32>
    %slice3A_56 = vector.extract_strided_slice %get3A_8 {offsets = [0, 96], sizes = [2048, 48], strides = [1, 1]} : vector<2048x384xf32> to vector<2048x48xf32>
    %dot_general3A_57 = arith.constant dense<0.000000e+00> : vector<512x2048xf32>
    %dot_general3A_58 = tpu.matmul %slice3A_55, %slice3A_56, %dot_general3A_57 {dimension_numbers = #tpu.dot_dimension_numbers<[1], [1], [0], [0], [0, 0, 1, 0], [], []>, transpose_lhs_hint = false} : vector<512x48xf32>, vector<2048x48xf32>, vector<512x2048xf32> -> vector<512x2048xf32>
    %reduce_max3A_59 = arith.constant dense<0xFF800000> : vector<512xf32>
    %reduce_max3A_60 = vector.multi_reduction <maximumf>, %dot_general3A_58, %reduce_max3A_59 [1] : vector<512x2048xf32> to vector<512xf32>
    %broadcast_in_dim3A_61 = vector.shape_cast %reduce_max3A_60 : vector<512xf32> to vector<512x1xf32>
    %sub3A_62 = vector.broadcast %broadcast_in_dim3A_61 : vector<512x1xf32> to vector<512x2048xf32>
    %sub3A_63 = arith.subf %dot_general3A_58, %sub3A_62 : vector<512x2048xf32>
    %exp3A_64 = math.exp %sub3A_63 : vector<512x2048xf32>
    %reduce_sum3A_65 = arith.constant dense<0.000000e+00> : vector<512xf32>
    %reduce_sum3A_66 = vector.multi_reduction <add>, %exp3A_64, %reduce_sum3A_65 [1] : vector<512x2048xf32> to vector<512xf32>
    %broadcast_in_dim3A_67 = vector.shape_cast %reduce_sum3A_66 : vector<512xf32> to vector<512x1xf32>
    %slice3A_68 = vector.extract_strided_slice %get3A_13 {offsets = [0, 96], sizes = [2048, 48], strides = [1, 1]} : vector<2048x384xf32> to vector<2048x48xf32>
    %dot_general3A_69 = arith.constant dense<0.000000e+00> : vector<512x48xf32>
    %dot_general3A_70 = tpu.matmul %exp3A_64, %slice3A_68, %dot_general3A_69 {dimension_numbers = #tpu.dot_dimension_numbers<[1], [0], [0], [1], [0, 0, 1, 1], [], []>, transpose_lhs_hint = false} : vector<512x2048xf32>, vector<2048x48xf32>, vector<512x48xf32> -> vector<512x48xf32>
    %div3A_71 = vector.broadcast %broadcast_in_dim3A_67 : vector<512x1xf32> to vector<512x48xf32>
    %div3A_72 = arith.divf %dot_general3A_70, %div3A_71 : vector<512x48xf32>
    %get3A_73 = arith.constant 96 : index
    %get3A_74 = arith.constant 0 : index
    %get3A_75 = vector.load %arg6[%get3A_73, %get3A_74] : memref<384x384xf32, #tpu.memory_space<vmem>>, vector<48x384xf32>
    %dot_general3A_76 = arith.constant dense<0.000000e+00> : vector<512x384xf32>
    %dot_general3A_77 = tpu.matmul %div3A_72, %get3A_75, %dot_general3A_76 {dimension_numbers = #tpu.dot_dimension_numbers<[1], [0], [0], [1], [0, 0, 1, 1], [], []>, transpose_lhs_hint = false} : vector<512x48xf32>, vector<48x384xf32>, vector<512x384xf32> -> vector<512x384xf32>
    %add3A_78 = arith.addf %add3A_54, %dot_general3A_77 : vector<512x384xf32>
    %slice3A_79 = vector.extract_strided_slice %get3A_3 {offsets = [0, 144], sizes = [512, 48], strides = [1, 1]} : vector<512x384xf32> to vector<512x48xf32>
    %slice3A_80 = vector.extract_strided_slice %get3A_8 {offsets = [0, 144], sizes = [2048, 48], strides = [1, 1]} : vector<2048x384xf32> to vector<2048x48xf32>
    %dot_general3A_81 = arith.constant dense<0.000000e+00> : vector<512x2048xf32>
    %dot_general3A_82 = tpu.matmul %slice3A_79, %slice3A_80, %dot_general3A_81 {dimension_numbers = #tpu.dot_dimension_numbers<[1], [1], [0], [0], [0, 0, 1, 0], [], []>, transpose_lhs_hint = false} : vector<512x48xf32>, vector<2048x48xf32>, vector<512x2048xf32> -> vector<512x2048xf32>
    %reduce_max3A_83 = arith.constant dense<0xFF800000> : vector<512xf32>
    %reduce_max3A_84 = vector.multi_reduction <maximumf>, %dot_general3A_82, %reduce_max3A_83 [1] : vector<512x2048xf32> to vector<512xf32>
    %broadcast_in_dim3A_85 = vector.shape_cast %reduce_max3A_84 : vector<512xf32> to vector<512x1xf32>
    %sub3A_86 = vector.broadcast %broadcast_in_dim3A_85 : vector<512x1xf32> to vector<512x2048xf32>
    %sub3A_87 = arith.subf %dot_general3A_82, %sub3A_86 : vector<512x2048xf32>
    %exp3A_88 = math.exp %sub3A_87 : vector<512x2048xf32>
    %reduce_sum3A_89 = arith.constant dense<0.000000e+00> : vector<512xf32>
    %reduce_sum3A_90 = vector.multi_reduction <add>, %exp3A_88, %reduce_sum3A_89 [1] : vector<512x2048xf32> to vector<512xf32>
    %broadcast_in_dim3A_91 = vector.shape_cast %reduce_sum3A_90 : vector<512xf32> to vector<512x1xf32>
    %slice3A_92 = vector.extract_strided_slice %get3A_13 {offsets = [0, 144], sizes = [2048, 48], strides = [1, 1]} : vector<2048x384xf32> to vector<2048x48xf32>
    %dot_general3A_93 = arith.constant dense<0.000000e+00> : vector<512x48xf32>
    %dot_general3A_94 = tpu.matmul %exp3A_88, %slice3A_92, %dot_general3A_93 {dimension_numbers = #tpu.dot_dimension_numbers<[1], [0], [0], [1], [0, 0, 1, 1], [], []>, transpose_lhs_hint = false} : vector<512x2048xf32>, vector<2048x48xf32>, vector<512x48xf32> -> vector<512x48xf32>
    %div3A_95 = vector.broadcast %broadcast_in_dim3A_91 : vector<512x1xf32> to vector<512x48xf32>
    %div3A_96 = arith.divf %dot_general3A_94, %div3A_95 : vector<512x48xf32>
    %get3A_97 = arith.constant 144 : index
    %get3A_98 = arith.constant 0 : index
    %get3A_99 = vector.load %arg6[%get3A_97, %get3A_98] : memref<384x384xf32, #tpu.memory_space<vmem>>, vector<48x384xf32>
    %dot_general3A_100 = arith.constant dense<0.000000e+00> : vector<512x384xf32>
    %dot_general3A_101 = tpu.matmul %div3A_96, %get3A_99, %dot_general3A_100 {dimension_numbers = #tpu.dot_dimension_numbers<[1], [0], [0], [1], [0, 0, 1, 1], [], []>, transpose_lhs_hint = false} : vector<512x48xf32>, vector<48x384xf32>, vector<512x384xf32> -> vector<512x384xf32>
    %add3A_102 = arith.addf %add3A_78, %dot_general3A_101 : vector<512x384xf32>
    %slice3A_103 = vector.extract_strided_slice %get3A_3 {offsets = [0, 192], sizes = [512, 48], strides = [1, 1]} : vector<512x384xf32> to vector<512x48xf32>
    %slice3A_104 = vector.extract_strided_slice %get3A_8 {offsets = [0, 192], sizes = [2048, 48], strides = [1, 1]} : vector<2048x384xf32> to vector<2048x48xf32>
    %dot_general3A_105 = arith.constant dense<0.000000e+00> : vector<512x2048xf32>
    %dot_general3A_106 = tpu.matmul %slice3A_103, %slice3A_104, %dot_general3A_105 {dimension_numbers = #tpu.dot_dimension_numbers<[1], [1], [0], [0], [0, 0, 1, 0], [], []>, transpose_lhs_hint = false} : vector<512x48xf32>, vector<2048x48xf32>, vector<512x2048xf32> -> vector<512x2048xf32>
    %reduce_max3A_107 = arith.constant dense<0xFF800000> : vector<512xf32>
    %reduce_max3A_108 = vector.multi_reduction <maximumf>, %dot_general3A_106, %reduce_max3A_107 [1] : vector<512x2048xf32> to vector<512xf32>
    %broadcast_in_dim3A_109 = vector.shape_cast %reduce_max3A_108 : vector<512xf32> to vector<512x1xf32>
    %sub3A_110 = vector.broadcast %broadcast_in_dim3A_109 : vector<512x1xf32> to vector<512x2048xf32>
    %sub3A_111 = arith.subf %dot_general3A_106, %sub3A_110 : vector<512x2048xf32>
    %exp3A_112 = math.exp %sub3A_111 : vector<512x2048xf32>
    %reduce_sum3A_113 = arith.constant dense<0.000000e+00> : vector<512xf32>
    %reduce_sum3A_114 = vector.multi_reduction <add>, %exp3A_112, %reduce_sum3A_113 [1] : vector<512x2048xf32> to vector<512xf32>
    %broadcast_in_dim3A_115 = vector.shape_cast %reduce_sum3A_114 : vector<512xf32> to vector<512x1xf32>
    %slice3A_116 = vector.extract_strided_slice %get3A_13 {offsets = [0, 192], sizes = [2048, 48], strides = [1, 1]} : vector<2048x384xf32> to vector<2048x48xf32>
    %dot_general3A_117 = arith.constant dense<0.000000e+00> : vector<512x48xf32>
    %dot_general3A_118 = tpu.matmul %exp3A_112, %slice3A_116, %dot_general3A_117 {dimension_numbers = #tpu.dot_dimension_numbers<[1], [0], [0], [1], [0, 0, 1, 1], [], []>, transpose_lhs_hint = false} : vector<512x2048xf32>, vector<2048x48xf32>, vector<512x48xf32> -> vector<512x48xf32>
    %div3A_119 = vector.broadcast %broadcast_in_dim3A_115 : vector<512x1xf32> to vector<512x48xf32>
    %div3A_120 = arith.divf %dot_general3A_118, %div3A_119 : vector<512x48xf32>
    %get3A_121 = arith.constant 192 : index
    %get3A_122 = arith.constant 0 : index
    %get3A_123 = vector.load %arg6[%get3A_121, %get3A_122] : memref<384x384xf32, #tpu.memory_space<vmem>>, vector<48x384xf32>
    %dot_general3A_124 = arith.constant dense<0.000000e+00> : vector<512x384xf32>
    %dot_general3A_125 = tpu.matmul %div3A_120, %get3A_123, %dot_general3A_124 {dimension_numbers = #tpu.dot_dimension_numbers<[1], [0], [0], [1], [0, 0, 1, 1], [], []>, transpose_lhs_hint = false} : vector<512x48xf32>, vector<48x384xf32>, vector<512x384xf32> -> vector<512x384xf32>
    %add3A_126 = arith.addf %add3A_102, %dot_general3A_125 : vector<512x384xf32>
    %slice3A_127 = vector.extract_strided_slice %get3A_3 {offsets = [0, 240], sizes = [512, 48], strides = [1, 1]} : vector<512x384xf32> to vector<512x48xf32>
    %slice3A_128 = vector.extract_strided_slice %get3A_8 {offsets = [0, 240], sizes = [2048, 48], strides = [1, 1]} : vector<2048x384xf32> to vector<2048x48xf32>
    %dot_general3A_129 = arith.constant dense<0.000000e+00> : vector<512x2048xf32>
    %dot_general3A_130 = tpu.matmul %slice3A_127, %slice3A_128, %dot_general3A_129 {dimension_numbers = #tpu.dot_dimension_numbers<[1], [1], [0], [0], [0, 0, 1, 0], [], []>, transpose_lhs_hint = false} : vector<512x48xf32>, vector<2048x48xf32>, vector<512x2048xf32> -> vector<512x2048xf32>
    %reduce_max3A_131 = arith.constant dense<0xFF800000> : vector<512xf32>
    %reduce_max3A_132 = vector.multi_reduction <maximumf>, %dot_general3A_130, %reduce_max3A_131 [1] : vector<512x2048xf32> to vector<512xf32>
    %broadcast_in_dim3A_133 = vector.shape_cast %reduce_max3A_132 : vector<512xf32> to vector<512x1xf32>
    %sub3A_134 = vector.broadcast %broadcast_in_dim3A_133 : vector<512x1xf32> to vector<512x2048xf32>
    %sub3A_135 = arith.subf %dot_general3A_130, %sub3A_134 : vector<512x2048xf32>
    %exp3A_136 = math.exp %sub3A_135 : vector<512x2048xf32>
    %reduce_sum3A_137 = arith.constant dense<0.000000e+00> : vector<512xf32>
    %reduce_sum3A_138 = vector.multi_reduction <add>, %exp3A_136, %reduce_sum3A_137 [1] : vector<512x2048xf32> to vector<512xf32>
    %broadcast_in_dim3A_139 = vector.shape_cast %reduce_sum3A_138 : vector<512xf32> to vector<512x1xf32>
    %slice3A_140 = vector.extract_strided_slice %get3A_13 {offsets = [0, 240], sizes = [2048, 48], strides = [1, 1]} : vector<2048x384xf32> to vector<2048x48xf32>
    %dot_general3A_141 = arith.constant dense<0.000000e+00> : vector<512x48xf32>
    %dot_general3A_142 = tpu.matmul %exp3A_136, %slice3A_140, %dot_general3A_141 {dimension_numbers = #tpu.dot_dimension_numbers<[1], [0], [0], [1], [0, 0, 1, 1], [], []>, transpose_lhs_hint = false} : vector<512x2048xf32>, vector<2048x48xf32>, vector<512x48xf32> -> vector<512x48xf32>
    %div3A_143 = vector.broadcast %broadcast_in_dim3A_139 : vector<512x1xf32> to vector<512x48xf32>
    %div3A_144 = arith.divf %dot_general3A_142, %div3A_143 : vector<512x48xf32>
    %get3A_145 = arith.constant 240 : index
    %get3A_146 = arith.constant 0 : index
    %get3A_147 = vector.load %arg6[%get3A_145, %get3A_146] : memref<384x384xf32, #tpu.memory_space<vmem>>, vector<48x384xf32>
    %dot_general3A_148 = arith.constant dense<0.000000e+00> : vector<512x384xf32>
    %dot_general3A_149 = tpu.matmul %div3A_144, %get3A_147, %dot_general3A_148 {dimension_numbers = #tpu.dot_dimension_numbers<[1], [0], [0], [1], [0, 0, 1, 1], [], []>, transpose_lhs_hint = false} : vector<512x48xf32>, vector<48x384xf32>, vector<512x384xf32> -> vector<512x384xf32>
    %add3A_150 = arith.addf %add3A_126, %dot_general3A_149 : vector<512x384xf32>
    %slice3A_151 = vector.extract_strided_slice %get3A_3 {offsets = [0, 288], sizes = [512, 48], strides = [1, 1]} : vector<512x384xf32> to vector<512x48xf32>
    %slice3A_152 = vector.extract_strided_slice %get3A_8 {offsets = [0, 288], sizes = [2048, 48], strides = [1, 1]} : vector<2048x384xf32> to vector<2048x48xf32>
    %dot_general3A_153 = arith.constant dense<0.000000e+00> : vector<512x2048xf32>
    %dot_general3A_154 = tpu.matmul %slice3A_151, %slice3A_152, %dot_general3A_153 {dimension_numbers = #tpu.dot_dimension_numbers<[1], [1], [0], [0], [0, 0, 1, 0], [], []>, transpose_lhs_hint = false} : vector<512x48xf32>, vector<2048x48xf32>, vector<512x2048xf32> -> vector<512x2048xf32>
    %reduce_max3A_155 = arith.constant dense<0xFF800000> : vector<512xf32>
    %reduce_max3A_156 = vector.multi_reduction <maximumf>, %dot_general3A_154, %reduce_max3A_155 [1] : vector<512x2048xf32> to vector<512xf32>
    %broadcast_in_dim3A_157 = vector.shape_cast %reduce_max3A_156 : vector<512xf32> to vector<512x1xf32>
    %sub3A_158 = vector.broadcast %broadcast_in_dim3A_157 : vector<512x1xf32> to vector<512x2048xf32>
    %sub3A_159 = arith.subf %dot_general3A_154, %sub3A_158 : vector<512x2048xf32>
    %exp3A_160 = math.exp %sub3A_159 : vector<512x2048xf32>
    %reduce_sum3A_161 = arith.constant dense<0.000000e+00> : vector<512xf32>
    %reduce_sum3A_162 = vector.multi_reduction <add>, %exp3A_160, %reduce_sum3A_161 [1] : vector<512x2048xf32> to vector<512xf32>
    %broadcast_in_dim3A_163 = vector.shape_cast %reduce_sum3A_162 : vector<512xf32> to vector<512x1xf32>
    %slice3A_164 = vector.extract_strided_slice %get3A_13 {offsets = [0, 288], sizes = [2048, 48], strides = [1, 1]} : vector<2048x384xf32> to vector<2048x48xf32>
    %dot_general3A_165 = arith.constant dense<0.000000e+00> : vector<512x48xf32>
    %dot_general3A_166 = tpu.matmul %exp3A_160, %slice3A_164, %dot_general3A_165 {dimension_numbers = #tpu.dot_dimension_numbers<[1], [0], [0], [1], [0, 0, 1, 1], [], []>, transpose_lhs_hint = false} : vector<512x2048xf32>, vector<2048x48xf32>, vector<512x48xf32> -> vector<512x48xf32>
    %div3A_167 = vector.broadcast %broadcast_in_dim3A_163 : vector<512x1xf32> to vector<512x48xf32>
    %div3A_168 = arith.divf %dot_general3A_166, %div3A_167 : vector<512x48xf32>
    %get3A_169 = arith.constant 288 : index
    %get3A_170 = arith.constant 0 : index
    %get3A_171 = vector.load %arg6[%get3A_169, %get3A_170] : memref<384x384xf32, #tpu.memory_space<vmem>>, vector<48x384xf32>
    %dot_general3A_172 = arith.constant dense<0.000000e+00> : vector<512x384xf32>
    %dot_general3A_173 = tpu.matmul %div3A_168, %get3A_171, %dot_general3A_172 {dimension_numbers = #tpu.dot_dimension_numbers<[1], [0], [0], [1], [0, 0, 1, 1], [], []>, transpose_lhs_hint = false} : vector<512x48xf32>, vector<48x384xf32>, vector<512x384xf32> -> vector<512x384xf32>
    %add3A_174 = arith.addf %add3A_150, %dot_general3A_173 : vector<512x384xf32>
    %slice3A_175 = vector.extract_strided_slice %get3A_3 {offsets = [0, 336], sizes = [512, 48], strides = [1, 1]} : vector<512x384xf32> to vector<512x48xf32>
    %slice3A_176 = vector.extract_strided_slice %get3A_8 {offsets = [0, 336], sizes = [2048, 48], strides = [1, 1]} : vector<2048x384xf32> to vector<2048x48xf32>
    %dot_general3A_177 = arith.constant dense<0.000000e+00> : vector<512x2048xf32>
    %dot_general3A_178 = tpu.matmul %slice3A_175, %slice3A_176, %dot_general3A_177 {dimension_numbers = #tpu.dot_dimension_numbers<[1], [1], [0], [0], [0, 0, 1, 0], [], []>, transpose_lhs_hint = false} : vector<512x48xf32>, vector<2048x48xf32>, vector<512x2048xf32> -> vector<512x2048xf32>
    %reduce_max3A_179 = arith.constant dense<0xFF800000> : vector<512xf32>
    %reduce_max3A_180 = vector.multi_reduction <maximumf>, %dot_general3A_178, %reduce_max3A_179 [1] : vector<512x2048xf32> to vector<512xf32>
    %broadcast_in_dim3A_181 = vector.shape_cast %reduce_max3A_180 : vector<512xf32> to vector<512x1xf32>
    %sub3A_182 = vector.broadcast %broadcast_in_dim3A_181 : vector<512x1xf32> to vector<512x2048xf32>
    %sub3A_183 = arith.subf %dot_general3A_178, %sub3A_182 : vector<512x2048xf32>
    %exp3A_184 = math.exp %sub3A_183 : vector<512x2048xf32>
    %reduce_sum3A_185 = arith.constant dense<0.000000e+00> : vector<512xf32>
    %reduce_sum3A_186 = vector.multi_reduction <add>, %exp3A_184, %reduce_sum3A_185 [1] : vector<512x2048xf32> to vector<512xf32>
    %broadcast_in_dim3A_187 = vector.shape_cast %reduce_sum3A_186 : vector<512xf32> to vector<512x1xf32>
    %slice3A_188 = vector.extract_strided_slice %get3A_13 {offsets = [0, 336], sizes = [2048, 48], strides = [1, 1]} : vector<2048x384xf32> to vector<2048x48xf32>
    %dot_general3A_189 = arith.constant dense<0.000000e+00> : vector<512x48xf32>
    %dot_general3A_190 = tpu.matmul %exp3A_184, %slice3A_188, %dot_general3A_189 {dimension_numbers = #tpu.dot_dimension_numbers<[1], [0], [0], [1], [0, 0, 1, 1], [], []>, transpose_lhs_hint = false} : vector<512x2048xf32>, vector<2048x48xf32>, vector<512x48xf32> -> vector<512x48xf32>
    %div3A_191 = vector.broadcast %broadcast_in_dim3A_187 : vector<512x1xf32> to vector<512x48xf32>
    %div3A_192 = arith.divf %dot_general3A_190, %div3A_191 : vector<512x48xf32>
    %get3A_193 = arith.constant 336 : index
    %get3A_194 = arith.constant 0 : index
    %get3A_195 = vector.load %arg6[%get3A_193, %get3A_194] : memref<384x384xf32, #tpu.memory_space<vmem>>, vector<48x384xf32>
    %dot_general3A_196 = arith.constant dense<0.000000e+00> : vector<512x384xf32>
    %dot_general3A_197 = tpu.matmul %div3A_192, %get3A_195, %dot_general3A_196 {dimension_numbers = #tpu.dot_dimension_numbers<[1], [0], [0], [1], [0, 0, 1, 1], [], []>, transpose_lhs_hint = false} : vector<512x48xf32>, vector<48x384xf32>, vector<512x384xf32> -> vector<512x384xf32>
    %add3A_198 = arith.addf %add3A_174, %dot_general3A_197 : vector<512x384xf32>
    %get3A_199 = arith.constant 0 : index
    %get3A_200 = arith.constant 0 : index
    %get3A_201 = arith.constant 0 : index
    %get3A_202 = vector.load %arg2[%get3A_199, %get3A_200, %get3A_201] : memref<1x512x384xf32, #tpu.memory_space<vmem>>, vector<1x512x384xf32>
    %get3A_203 = vector.shape_cast %get3A_202 : vector<1x512x384xf32> to vector<512x384xf32>
    %add3A_204 = arith.addf %get3A_203, %add3A_198 : vector<512x384xf32>
    %get3A_205 = arith.constant 0 : index
    %get3A_206 = arith.constant 0 : index
    %get3A_207 = vector.load %arg7[%get3A_205, %get3A_206] : memref<1x384xf32, #tpu.memory_space<vmem>>, vector<1x384xf32>
    %add3A_208 = vector.broadcast %get3A_207 : vector<1x384xf32> to vector<512x384xf32>
    %add3A_209 = arith.addf %add3A_204, %add3A_208 : vector<512x384xf32>
    %swap3A = arith.constant 0 : index
    %swap3A_210 = arith.constant 0 : index
    %swap3A_211 = arith.constant 0 : index
    %swap3A_212 = vector.load %arg8[%swap3A, %swap3A_210, %swap3A_211] : memref<1x512x384xf32, #tpu.memory_space<vmem>>, vector<1x512x384xf32>
    %swap3A_213 = vector.shape_cast %swap3A_212 : vector<1x512x384xf32> to vector<512x384xf32>
    %swap3A_214 = vector.shape_cast %add3A_209 : vector<512x384xf32> to vector<1x512x384xf32>
    tpu.vector_store %arg8[%swap3A, %swap3A_210, %swap3A_211], %swap3A_214 {strides = array<i32>} : memref<1x512x384xf32, #tpu.memory_space<vmem>>, vector<1x512x384xf32>,
    return
  }
  func.func @transform_0(%arg0: i32, %arg1: i32) -> (i32, i32, i32) {
    %c0_i32 = arith.constant 0 : i32
    %c0_i32_0 = arith.constant 0 : i32
    return %arg0, %arg1, %c0_i32 : i32, i32, i32
  }
  func.func @transform_1(%arg0: i32, %arg1: i32) -> (i32, i32, i32) {
    %c0_i32 = arith.constant 0 : i32
    %c0_i32_0 = arith.constant 0 : i32
    return %arg0, %arg1, %c0_i32 : i32, i32, i32
  }
  func.func @transform_2(%arg0: i32, %arg1: i32) -> (i32, i32, i32) {
    %c0_i32 = arith.constant 0 : i32
    %c0_i32_0 = arith.constant 0 : i32
    %c0_i32_1 = arith.constant 0 : i32
    return %arg0, %c0_i32, %c0_i32_0 : i32, i32, i32
  }
  func.func @transform_3(%arg0: i32, %arg1: i32) -> (i32, i32, i32) {
    %c0_i32 = arith.constant 0 : i32
    %c0_i32_0 = arith.constant 0 : i32
    %c0_i32_1 = arith.constant 0 : i32
    return %arg0, %c0_i32, %c0_i32_0 : i32, i32, i32
  }
  func.func @transform_4(%arg0: i32, %arg1: i32) -> (i32, i32) {
    %c0_i32 = arith.constant 0 : i32
    %c0_i32_0 = arith.constant 0 : i32
    %c0_i32_1 = arith.constant 0 : i32
    return %c0_i32, %c0_i32_0 : i32, i32
  }
  func.func @transform_5(%arg0: i32, %arg1: i32) -> (i32, i32) {
    %c0_i32 = arith.constant 0 : i32
    %c0_i32_0 = arith.constant 0 : i32
    %c0_i32_1 = arith.constant 0 : i32
    return %c0_i32, %c0_i32_0 : i32, i32
  }
  func.func @transform_6(%arg0: i32, %arg1: i32) -> (i32, i32, i32) {
    %c0_i32 = arith.constant 0 : i32
    %c0_i32_0 = arith.constant 0 : i32
    return %arg0, %arg1, %c0_i32 : i32, i32, i32
  }
}

</mosaic_0001>

<sc_bundles>
// kernel: kernel.18.cloned.1.call-start
scs
__scs_entry_jumppad:
0x0: {  	(pc) =	sbr.rel $0x88, $3  }
0x1: {  	(tag) =	ssettag $0x0;
	lr =	simm.s32 $0x1  }
0x2: {  	[smem:$0x3F92] =	sst lr;
	_ =	strace $0xD0000000  }
0x3: {  	_ = 	snop  }
0x4: {  	_ = 	snop  }
0x5: {  	_ = 	snop  }
0x6: {  	_ = 	snop  }
0x7: {  	_ = 	snop  }
__scs_overlays_trampoline_lowered:
0x8: {  	[smem:$0x3FA1] =	sst s0  }
0x9: {  	[smem:$0x3FA2] =	sst s1  }
0xa: {  	[smem:$0x3FA3] =	sst s2  }
0xb: {  	[smem:$0x3FA4] =	sst s3  }
0xc: {  	[smem:$0x3FA5] =	sst s4  }
0xd: {  	[smem:$0x3FA6] =	sst s5  }
0xe: {  	[smem:$0x3FA7] =	sst s6  }
0xf: {  	[smem:$0x3FA8] =	sst s7  }
0x10: {  	[smem:$0x3FA9] =	sst s8  }
0x11: {  	[smem:$0x3FAA] =	sst s9;
	s0 =	simm.s32 @!p0 $0x0  }
0x12: {  	s1 =	sld [smem:$0x3F90];
	s0 =	simm.s32 @p0 $0x1  }
0x13: {  	[smem:$0x3FAB] =	sst s0;
	s0 =	simm.s32 @!p1 $0x0  }
0x14: {  	s2 =	sld [smem:$0x3F8F];
	s0 =	simm.s32 @p1 $0x1  }
0x15: {  	[smem:$0x3FAC] =	sst s0;
	s0 =	simm.s32 @!p2 $0x0  }
0x16: {  	s3 =	sld [smem:$0x3FDB];
	s0 =	simm.s32 @p2 $0x1  }
0x17: {  	s4 =	simm.s32 $0x1BF5;
	[smem:$0x3FAE] =	sst s0  }
0x18: {  	s0 =	sld [smem:$0x3F91];
	_ =	swait.ge [sflag:s4], $0x0  }
0x19: {  	s7 =	sld [smem:$0x3F92]  }
0x1a: {  	s8 =	sadd.s32 $0xFFFFE003, lr  }
0x1b: {  	s9 =	sadd.s32 $0xFFFFFEF7, lr;
	s5 =	simm.s32 $0xFFFFFFFF;
	p2 =	slt.u32 s8, $0xFFFFF086  }
0x1c: {  	p1 =	slt.u32 s9, $0xF7A;
	s5 =	simm.s32 @!p2 $0x0  }
0x1d: {  	s5 =	simm.s32 @p1 $0x1;
	p0 =	seq.s32 s7, s2  }
0x1e: {  	s7 =	smul.u32 @!p0 $0xF7A, s2;
	p2 =	seq.s32 @!p0 s5, $0x0  }
0x1f: {  	s9 =	smul.u32 $0xF7A, s1;
	s8 =	simm.s32 @!p0 $0x1BF5;
	p2 =	por !p2, p0  }
0x20: {  	[sflag:s8] =	ssyncset.s32 @!p0 $0xFFFFF086;
	s6 =	sadd.s32 @!p0 s3, s7;
	s7 =	simm.s32 @!p0 $0x108  }
0x21: {  	s3 =	sadd.s32 s3, s9;
	s6 =	sadd.s32 @!p0 $0x88, s6;
	s7 =	simm.s32 @p2 $0x1082  }
0x22: {  	[simem:s7], [sflag:s8] =	dma.local @!p0 [hbm:s6], $0xF7A  }
0x23: {  	s9 =	sor.u32 $0xD0000000, s2;
	s6 =	simm.s32 $0x108;
	_ =	swait.ge @!p0 [sflag:s8], $0x0  }
0x24: {  	s3 =	sadd.s32 $0x88, s3;
	s6 =	simm.s32 @!p1 $0x1082;
	[sflag:s4] =	ssyncset.s32 $0xFFFFF086  }
0x25: {  	[simem:s6], [sflag:s4] =	dma.local [hbm:s3], $0xF7A  }
0x26: {  	[smem:$0x3F92] =	sst s1;
	(tag) =	ssettag s2;
	_ =	strace s9  }
0x27: {  	s1 =	sld [smem:$0x3FA2]  }
0x28: {  	s2 =	sld [smem:$0x3FA3]  }
0x29: {  	s4 =	sld [smem:$0x3FA5]  }
0x2a: {  	p0 =	seq.s32 s5, $0x0;
	s5 =	sld [smem:$0x3FA6]  }
0x2b: {  	s6 =	sld [smem:$0x3FA7]  }
0x2c: {  	s7 =	sld [smem:$0x3FA8]  }
0x2d: {  	s3 =	simm.s32 $0x108;
	s8 =	sld [smem:$0x3FA9]  }
0x2e: {  	s3 =	simm.s32 @!p0 $0x1082;
	s9 =	sld [smem:$0x3FAA]  }
0x2f: {  	lr =	sadd.s32 s0, s3;
	s0 =	sld [smem:$0x3FA1]  }
0x30: {  	s3 =	sld [smem:$0x3FA4]  }
0x31: {  	[smem:$0x3FAD] =	sst s10  }
0x32: {  	s10 =	sld [smem:$0x3FAB];
	_ =	sdelay $0x3  }
0x33: {  	p0 =	seq.s32 s10, $0x1;
	s10 =	sld [smem:$0x3FAD];
	_ =	sdelay $0x3  }
0x34: {  	[smem:$0x3FAD] =	sst s10  }
0x35: {  	s10 =	sld [smem:$0x3FAC];
	_ =	sdelay $0x3  }
0x36: {  	p1 =	seq.s32 s10, $0x1;
	s10 =	sld [smem:$0x3FAD];
	_ =	sdelay $0x3  }
0x37: {  	[smem:$0x3FAD] =	sst s10  }
0x38: {  	s10 =	sld [smem:$0x3FAE]  }
0x39: {  	_ = 	snop;
	(pc) =	sbr.ind lr, $3  }
0x3a: {  	_ = 	snop  }
0x3b: {  	_ = 	snop  }
0x3c: {  	p2 =	seq.s32 s10, $0x1;
	s10 =	sld [smem:$0x3FAD]  }
0x3d: {  	_ =	shalt  }
0x3e: {  	_ =	shalt  }
0x3f: {  	_ =	shalt  }
0x40: {  	_ =	shalt  }
0x41: {  	_ =	shalt  }
0x42: {  	_ =	shalt  }
0x43: {  	_ =	shalt  }
0x44: {  	_ =	shalt  }
0x45: {  	_ =	shalt  }
0x46: {  	_ =	shalt  }
0x47: {  	_ =	shalt  }
0x48: {  	_ =	shalt  }
0x49: {  	_ =	shalt  }
0x4a: {  	_ =	shalt  }
0x4b: {  	_ =	shalt  }
0x4c: {  	_ =	shalt  }
0x4d: {  	_ =	shalt  }
0x4e: {  	_ =	shalt  }
0x4f: {  	_ =	shalt  }
0x50: {  	_ =	shalt  }
0x51: {  	_ =	shalt  }
0x52: {  	_ =	shalt  }
0x53: {  	_ =	shalt  }
0x54: {  	_ =	shalt  }
0x55: {  	_ =	shalt  }
0x56: {  	_ =	shalt  }
0x57: {  	_ =	shalt  }
0x58: {  	_ =	shalt  }
0x59: {  	_ =	shalt  }
0x5a: {  	_ =	shalt  }
0x5b: {  	_ =	shalt  }
0x5c: {  	_ =	shalt  }
0x5d: {  	_ =	shalt  }
0x5e: {  	_ =	shalt  }
0x5f: {  	_ =	shalt  }
0x60: {  	_ =	shalt  }
0x61: {  	_ =	shalt  }
0x62: {  	_ =	shalt  }
0x63: {  	_ =	shalt  }
0x64: {  	_ =	shalt  }
0x65: {  	_ =	shalt  }
0x66: {  	_ =	shalt  }
0x67: {  	_ =	shalt  }
0x68: {  	_ =	shalt  }
0x69: {  	_ =	shalt  }
0x6a: {  	_ =	shalt  }
0x6b: {  	_ =	shalt  }
0x6c: {  	_ =	shalt  }
0x6d: {  	_ =	shalt  }
0x6e: {  	_ =	shalt  }
0x6f: {  	_ =	shalt  }
0x70: {  	_ =	shalt  }
0x71: {  	_ =	shalt  }
0x72: {  	_ =	shalt  }
0x73: {  	_ =	shalt  }
0x74: {  	_ =	shalt  }
0x75: {  	_ =	shalt  }
0x76: {  	_ =	shalt  }
0x77: {  	_ =	shalt  }
0x78: {  	_ =	shalt  }
0x79: {  	_ =	shalt  }
0x7a: {  	_ =	shalt  }
0x7b: {  	_ =	shalt  }
0x7c: {  	_ =	shalt  }
0x7d: {  	_ =	shalt  }
0x7e: {  	_ =	shalt  }
0x7f: {  	_ =	shalt  }
0x80: {  	_ =	shalt  }
0x81: {  	_ =	shalt  }
0x82: {  	_ =	shalt  }
0x83: {  	_ =	shalt  }
0x84: {  	_ =	shalt  }
0x85: {  	_ =	shalt  }
0x86: {  	_ =	shalt  }
0x87: {  	_ =	shalt  }
.Lfunc_end0:
.L_simem_size_0:
called_computation_lowered:
.L_overlay_start_0:
0x88: {  	s2 =	sld [smem:$0x3FD9]  }
0x89: {  	s3 =	sld [smem:$0x3FFE];
	_ =	sdelay $0x1  }
0x8a: {  	s1 =	srdreg.scid  }
0x8b: {  	s0 =	sand.u32 $0x1, s1  }
0x8c: {  	s17 =	sshll.u32 s0, $0xA;
	s2 =	sadd.s32 s3, s2  }
0x8d: {  	s2 =	sadd.s32 s2, s17  }
0x8e: {  	[smem:$0x3FB9] =	sst s2  }
0x8f: {  	_ = 	snop  }
0x90: {  	s2 =	sld [smem:$0x3FD0];
	(tm) =	ssettm $0x1  }
0x91: {  	s18 =	sld [smem:$0x3FFB];
	_ =	sdelay $0x3  }
0x92: {  	_ =	strace s18  }
0x93: {  	s3 =	sld [smem:$0x3FFC];
	_ =	sdelay $0x3  }
0x94: {  	_ =	strace s3  }
0x95: {  	s3 =	sld [smem:$0x3FFD];
	_ =	sdelay $0x3  }
0x96: {  	_ =	strace s3  }
0x97: {  	_ =	strace $0x8FFFFFFF  }
0x98: {  	s19 =	sld [smem:$0x3FDB];
	_ =	sdelay $0x1  }
0x99: {  	s4 =	simm.s32 $_scs_section_size  }
0x9a: {  	s5 =	simm.s32 $_size__tile_overlayer_lowered;
	s6 =	simm.s32 $_tile_overlayer_lowered  }
0x9b: {  	s22 =	simm.s32 $0x1BFF;
	s21 =	sshll.u32 s6, $0x1;
	s3 =	sadd.s32 s4, s19  }
0x9c: {  	s7 =	simm.s32 $0x0;
	s20 =	sshll.u32 s5, $0x1;
	s5 =	sadd.s32 s21, s3  }
0x9d: {  	[timem:s7], [sflag:s22] =	dma.local [hbm:s5], s20  }
0x9e: {  	_ =	swait.ge [sflag:s22], s20  }
0x9f: {  	s4 =	ssub.s32 $0x0, s20;
	[sflag:s22] =	ssyncset.done $0x0  }
0xa0: {  	[sflag:s22] =	ssyncadd.s32 s4;
	_ =	sdelay $0x1  }
0xa1: {  	s23 =	simm.s32 $0x1B8B  }
0xa2: {  	_ =	swait.ge [sflag:s23], $0x1  }
0xa3: {  	[sflag:s23] =	ssyncset.done $0x0  }
0xa4: {  	s25 =	simm.s32 $0x1B8E;
	s24 =	sld [smem:$0x3FFE];
	[sflag:s23] =	ssyncadd.s32 $0xFFFFFFFF  }
0xa5: {  	s26 =	simm.s32 $execute0_lowered;
	[smem:$0x3FD2] =	sst s25  }
0xa6: {  	s5 =	sshll.u32 s26, $0x1;
	_ =	strace $0x80000046;
	[dreg:$0x1] =	wrdreg $0xFFFFFFFF  }
0xa7: {  	s28 =	simm.s32 $_size_execute0_lowered;
	s3 =	sadd.s32 s3, s5;
	[dreg:$0x0] =	wrdreg $0x0  }
0xa8: {  	s5 =	sshll.u32 s28, $0x1;
	[dreg:$0x2] =	wrdreg s3  }
0xa9: {  	[dreg:$0x3] =	wrdreg s5  }
0xaa: {  	[dreg:$0x4] =	wrdreg $0xC0  }
0xab: {  	_ =	task [dreg:s7], $0x5FFFF  }
0xac: {  	[dreg:$0x1] =	wrdreg $0xFFFFFFFF  }
0xad: {  	[dreg:$0x0] =	wrdreg $0x60  }
0xae: {  	[dreg:$0x2] =	wrdreg s2  }
0xaf: {  	[dreg:$0x3] =	wrdreg s24  }
0xb0: {  	[dreg:$0x4] =	wrdreg $0x9  }
0xb1: {  	_ =	task.clear_ibuf [dreg:s7], $0x5FFFF;
	_ =	strace $0x90000046  }
0xb2: {  	s29 =	simm.s32 $0x9;
	_ =	strace $0x80000048  }
0xb3: {  	_ =	swait.ge [sflag:s29], $0x1  }
0xb4: {  	[sflag:s29] =	ssyncadd.s32 $0xFFFFFFFF  }
0xb5: {  	_ =	strace $0x90000048  }
0xb6: {  	_ =	sfence  }
0xb7: {  	s30 =	sld [smem:$0x0];
	_ =	sdelay $0x2  }
0xb8: {  	s31 =	sshll.u32 s1, $0xD;
	s1 =	sshrl.u32 s1, $0x2  }
0xb9: {  	s3 =	sand.u32 $0x4000, s31;
	s1 =	sadd.s32 s1, s30  }
0xba: {  	s0 =	sor.u32 s3, s0;
	s1 =	sshll.u32 s1, $0x11  }
0xbb: {  	s0 =	sor.u32 s1, s0  }
0xbc: {  	s0 =	sadd.s32 $0x8F2B, s0  }
0xbd: {  	[sflag:s0] =	ssyncadd.remote.s32 $0x1  }
0xbe: {  	_ =	sfence.sel $0xFFFF  }
0xbf: {  	[dreg:$0x0] =	wrdreg $0xFFFFFFFF;
	(pc) =	sbr.abs _section_cstart, $3  }
0xc0: {  	[dreg:$0x1] =	wrdreg $0xFFFFFFFF  }
0xc1: {  	_ =	task.clear_ibuf [dreg:s7], $0x2FFFF;
	_ =	strace $0x9FFFFFFF  }
0xc2: {  	(tm) =	ssettm $0x7FFFFFFF  }
0xc3: {  	_ =	shalt  }
tec
execute0_lowered:
.L_overlay_start_1:
0x0: {  	(tag) =	ssettag $0x1  }
0x1: {  	s0 =	srdreg.scid;
	s2 =	rddreg [dreg:$0x0]  }
0x2: {  	s5 =	stileid.u32;
	s4 =	rddreg [dreg:$0x1]  }
0x3: {  	s14 =	simm.s32 $0x880;
	s15 =	simm.s32 $0x1080;
	s17 =	simm.s32 $0x1880  }
0x4: {  	s19 =	simm.s32 $0x2080;
	s20 =	simm.s32 $0x2880;
	s21 =	simm.s32 $0x3080  }
0x5: {  	s22 =	simm.s32 $0x3880;
	s23 =	simm.s32 $0x4080;
	s24 =	simm.s32 $0x4880  }
0x6: {  	s25 =	simm.s32 $0x5080;
	s7 =	simm.s32 $0x2;
	s0 =	sand.u32 $0x1, s0  }
0x7: {  	s26 =	simm.s32 $0x5880;
	s1 =	sshll.u32 s5, $0xB;
	s3 =	sshll.u32 s0, $0xA  }
0x8: {  	s8 =	simm.s32 $0x80;
	s1 =	sor.u32 s3, s1;
	s3 =	simm.s32 $0x0  }
0x9: {  	s9 =	simm.s32 $0x6080;
	s10 =	simm.s32 $0x6880;
	[smem:$0x7FF] =	sst s3  }
0xa: {  	s11 =	simm.s32 $0x7080;
	_ =	strace $0x80000047;
	[dreg:$0x4] =	wrdreg s14  }
0xb: {  	s12 =	simm.s32 $0x7880;
	s13 =	simm.s32 $0x8080;
	[dreg:$0x5] =	wrdreg s15  }
0xc: {  	s28 =	simm.s32 $0xF080;
	s29 =	simm.s32 $0xF880;
	[dreg:$0x6] =	wrdreg s17  }
0xd: {  	s30 =	simm.s32 $0x1;
	s5 =	sshll.u32 s5, $0x11;
	[dreg:$0x7] =	wrdreg s19  }
0xe: {  	s31 =	simm.s32 $0x0;
	s6 =	sadd.s32 s5, s4;
	[dreg:$0x8] =	wrdreg s20  }
0xf: {  	s16 =	ssub.s32 $0x2, s0;
	s0 =	sshll.u32 s0, $0x10;
	[dreg:$0x9] =	wrdreg s21  }
0x10: {  	s18 =	sshrl.u32 s16, $0x1;
	s0 =	sadd.s32 s0, s6;
	[dreg:$0xa] =	wrdreg s22  }
0x11: {  	s1 =	sshrl.u32 s1, $0x3;
	s0 =	sadd.s32 $0x8AC00, s0;
	[dreg:$0xb] =	wrdreg s23  }
0x12: {  	s5 =	ssub.s32 s16, s18;
	s16 =	simm.s32 $0x9880;
	[dreg:$0x10] =	wrdreg s0  }
0x13: {  	s18 =	simm.s32 $0xA880;
	s1 =	sadd.s32 s1, s4;
	[dreg:$0xc] =	wrdreg s24  }
0x14: {  	s4 =	sadd.s32 $0x100, s2;
	s5 =	smax.u32 s5, $0x1;
	[dreg:$0xd] =	wrdreg s25  }
0x15: {  	[dreg:$0xe] =	wrdreg s26;
	s14 =	simm.s32 $0x8880;
	s15 =	simm.s32 $0x9080  }
0x16: {  	s17 =	simm.s32 $0xA080;
	s19 =	simm.s32 $0xB080;
	s20 =	simm.s32 $0xB880  }
0x17: {  	v2 =	vlaneseq.u32;
	s21 =	simm.s32 $0xC080;
	s22 =	simm.s32 $0xC880;
	s23 =	simm.s32 $0xD080  }
0x18: {  	vm0 =	vmmov $0xffff;
	v1 =	vshrl.u32 v2, $0x3;
	s24 =	simm.s32 $0xD880;
	s1 =	sadd.s32 $0x29C00, s1;
	[dreg:$0xf] =	wrdreg s5  }
0x19: {  	v0 =	vand.u32 $0x7, v2;
	v2 =	vor.u32 $0x8, v2;
	v1 =	vmul.u32 $0x8, v1;
	s25 =	simm.s32 $0xE080;
	s26 =	simm.s32 $0xE880;
	[dreg:$0x3] =	wrdreg s1  }
.LBB2_1:
0x1a: {  	s6 =	rddreg [dreg:$0x10];
	s0 =	simm.s32 $0x0  }
.LBB2_2:
0x1b: {  	s5 =	rddreg [dreg:$0x3]  }
0x1c: {  	s5 =	sadd.s32 s0, s5  }
0x1d: {  	[tilespmem:s3], [sflag:$0x2] =	stream.linear.gather [hbm4b:s5+s3], $0x80, $0x38;
	[tilespmem:$0x10080] =	vst v63  }
0x1e: {  	_ =	swait.ge [sflag:s7], $0x80  }
0x1f: {  	[sflag:s7] =	ssyncset.done $0x0  }
0x20: {  	[sflag:s7] =	ssyncadd.s32 $0xFFFFFF80  }
0x21: {  	v3 =	vld [tilespmem:$0x0];
	_ =	sdelay $0x4  }
0x22: {  	v4 =	vshll.u32 v3, $0x2  }
0x23: {  	v3 =	vand.u32 $0x7, v3;
	v4 =	vand.u32 $0xFFFFFFE0, v4  }
0x24: {  	v3 =	vor.u32 v3, v4  }
0x25: {  	v4 =	vperm.xlane v3, v0;
	_ =	sdelay $0x1  }
0x26: {  	v4 =	vadd.s32 v1, v4;
	_ =	sdelay $0x1  }
0x27: {  	v3 =	vperm.xlane v3, v2;
	_ =	sdelay $0x1  }
0x28: {  	v3 =	vadd.s32 v1, v3  }
0x29: {  	[tilespmem:s8], [sflag:$0x1] =	stream.indirect_vreg.gather [hbm4b:s2+s3], $0x80, v4, vm0, $0xb8;
	[tilespmem:$0x10080] =	vst v63  }
0x2a: {  	s5 =	rddreg [dreg:$0x4]  }
0x2b: {  	[tilespmem:s5], [sflag:$0x1] =	stream.indirect_vreg.gather [hbm4b:s4+s3], $0x80, v4, vm0, $0xb8;
	[tilespmem:$0x10080] =	vst v63  }
0x2c: {  	s1 =	rddreg [dreg:$0x5]  }
0x2d: {  	[tilespmem:s1], [sflag:$0x1] =	stream.indirect_vreg.gather [hbm4b:s2+s3], $0x80, v3, vm0, $0xb8;
	[tilespmem:$0x10080] =	vst v63  }
0x2e: {  	s5 =	rddreg [dreg:$0x6]  }
0x2f: {  	[tilespmem:s5], [sflag:$0x1] =	stream.indirect_vreg.gather [hbm4b:s4+s3], $0x80, v3, vm0, $0xb8;
	[tilespmem:$0x10080] =	vst v63  }
0x30: {  	v3 =	vld [tilespmem:$0x10];
	_ =	sdelay $0x4  }
0x31: {  	v57 =	vshll.u32 v3, $0x2  }
0x32: {  	v3 =	vand.u32 $0x7, v3;
	v4 =	vand.u32 $0xFFFFFFE0, v57  }
0x33: {  	v3 =	vor.u32 v3, v4  }
0x34: {  	v4 =	vperm.xlane v3, v0;
	_ =	sdelay $0x1  }
0x35: {  	v4 =	vadd.s32 v1, v4;
	_ =	sdelay $0x1  }
0x36: {  	v3 =	vperm.xlane v3, v2;
	_ =	sdelay $0x1  }
0x37: {  	s1 =	rddreg [dreg:$0x7];
	v3 =	vadd.s32 v1, v3  }
0x38: {  	[tilespmem:s1], [sflag:$0x1] =	stream.indirect_vreg.gather [hbm4b:s2+s3], $0x80, v4, vm0, $0xb8;
	[tilespmem:$0x10080] =	vst v63  }
0x39: {  	s5 =	rddreg [dreg:$0x8]  }
0x3a: {  	[tilespmem:s5], [sflag:$0x1] =	stream.indirect_vreg.gather [hbm4b:s4+s3], $0x80, v4, vm0, $0xb8;
	[tilespmem:$0x10080] =	vst v63  }
0x3b: {  	s1 =	rddreg [dreg:$0x9]  }
0x3c: {  	[tilespmem:s1], [sflag:$0x1] =	stream.indirect_vreg.gather [hbm4b:s2+s3], $0x80, v3, vm0, $0xb8;
	[tilespmem:$0x10080] =	vst v63  }
0x3d: {  	s5 =	rddreg [dreg:$0xa]  }
0x3e: {  	[tilespmem:s5], [sflag:$0x1] =	stream.indirect_vreg.gather [hbm4b:s4+s3], $0x80, v3, vm0, $0xb8;
	[tilespmem:$0x10080] =	vst v63  }
0x3f: {  	v3 =	vld [tilespmem:$0x20];
	_ =	sdelay $0x4  }
0x40: {  	v58 =	vshll.u32 v3, $0x2  }
0x41: {  	v3 =	vand.u32 $0x7, v3;
	v4 =	vand.u32 $0xFFFFFFE0, v58  }
0x42: {  	v3 =	vor.u32 v3, v4  }
0x43: {  	v4 =	vperm.xlane v3, v0;
	_ =	sdelay $0x1  }
0x44: {  	v4 =	vadd.s32 v1, v4;
	_ =	sdelay $0x1  }
0x45: {  	v3 =	vperm.xlane v3, v2;
	_ =	sdelay $0x1  }
0x46: {  	s1 =	rddreg [dreg:$0xb];
	v3 =	vadd.s32 v1, v3  }
0x47: {  	[tilespmem:s1], [sflag:$0x1] =	stream.indirect_vreg.gather [hbm4b:s2+s3], $0x80, v4, vm0, $0xb8;
	[tilespmem:$0x10080] =	vst v63  }
0x48: {  	s5 =	rddreg [dreg:$0xc]  }
0x49: {  	[tilespmem:s5], [sflag:$0x1] =	stream.indirect_vreg.gather [hbm4b:s4+s3], $0x80, v4, vm0, $0xb8;
	[tilespmem:$0x10080] =	vst v63  }
0x4a: {  	s1 =	rddreg [dreg:$0xd]  }
0x4b: {  	[tilespmem:s1], [sflag:$0x1] =	stream.indirect_vreg.gather [hbm4b:s2+s3], $0x80, v3, vm0, $0xb8;
	[tilespmem:$0x10080] =	vst v63  }
0x4c: {  	s5 =	rddreg [dreg:$0xe]  }
0x4d: {  	[tilespmem:s5], [sflag:$0x1] =	stream.indirect_vreg.gather [hbm4b:s4+s3], $0x80, v3, vm0, $0xb8;
	[tilespmem:$0x10080] =	vst v63  }
0x4e: {  	v3 =	vld [tilespmem:$0x30];
	_ =	sdelay $0x4  }
0x4f: {  	v59 =	vshll.u32 v3, $0x2  }
0x50: {  	v3 =	vand.u32 $0x7, v3;
	v4 =	vand.u32 $0xFFFFFFE0, v59  }
0x51: {  	v3 =	vor.u32 v3, v4  }
0x52: {  	v4 =	vperm.xlane v3, v0;
	_ =	sdelay $0x1  }
0x53: {  	v4 =	vadd.s32 v1, v4;
	_ =	sdelay $0x1  }
0x54: {  	v3 =	vperm.xlane v3, v2;
	_ =	sdelay $0x1  }
0x55: {  	v3 =	vadd.s32 v1, v3  }
0x56: {  	[tilespmem:s9], [sflag:$0x1] =	stream.indirect_vreg.gather [hbm4b:s2+s3], $0x80, v4, vm0, $0xb8;
	[tilespmem:$0x10080] =	vst v63  }
0x57: {  	_ = 	snop  }
0x58: {  	[tilespmem:s10], [sflag:$0x1] =	stream.indirect_vreg.gather [hbm4b:s4+s3], $0x80, v4, vm0, $0xb8;
	[tilespmem:$0x10080] =	vst v63  }
0x59: {  	_ = 	snop  }
0x5a: {  	[tilespmem:s11], [sflag:$0x1] =	stream.indirect_vreg.gather [hbm4b:s2+s3], $0x80, v3, vm0, $0xb8;
	[tilespmem:$0x10080] =	vst v63  }
0x5b: {  	_ = 	snop  }
0x5c: {  	[tilespmem:s12], [sflag:$0x1] =	stream.indirect_vreg.gather [hbm4b:s4+s3], $0x80, v3, vm0, $0xb8;
	[tilespmem:$0x10080] =	vst v63  }
0x5d: {  	v3 =	vld [tilespmem:$0x40];
	_ =	sdelay $0x4  }
0x5e: {  	v60 =	vshll.u32 v3, $0x2  }
0x5f: {  	v3 =	vand.u32 $0x7, v3;
	v4 =	vand.u32 $0xFFFFFFE0, v60  }
0x60: {  	v3 =	vor.u32 v3, v4  }
0x61: {  	v4 =	vperm.xlane v3, v0;
	_ =	sdelay $0x1  }
0x62: {  	v4 =	vadd.s32 v1, v4;
	_ =	sdelay $0x1  }
0x63: {  	v3 =	vperm.xlane v3, v2;
	_ =	sdelay $0x1  }
0x64: {  	v3 =	vadd.s32 v1, v3  }
0x65: {  	[tilespmem:s13], [sflag:$0x1] =	stream.indirect_vreg.gather [hbm4b:s2+s3], $0x80, v4, vm0, $0xb8;
	[tilespmem:$0x10080] =	vst v63  }
0x66: {  	_ = 	snop  }
0x67: {  	[tilespmem:s14], [sflag:$0x1] =	stream.indirect_vreg.gather [hbm4b:s4+s3], $0x80, v4, vm0, $0xb8;
	[tilespmem:$0x10080] =	vst v63  }
0x68: {  	_ = 	snop  }
0x69: {  	[tilespmem:s15], [sflag:$0x1] =	stream.indirect_vreg.gather [hbm4b:s2+s3], $0x80, v3, vm0, $0xb8;
	[tilespmem:$0x10080] =	vst v63  }
0x6a: {  	_ = 	snop  }
0x6b: {  	[tilespmem:s16], [sflag:$0x1] =	stream.indirect_vreg.gather [hbm4b:s4+s3], $0x80, v3, vm0, $0xb8;
	[tilespmem:$0x10080] =	vst v63  }
0x6c: {  	v3 =	vld [tilespmem:$0x50];
	_ =	sdelay $0x4  }
0x6d: {  	v61 =	vshll.u32 v3, $0x2  }
0x6e: {  	v3 =	vand.u32 $0x7, v3;
	v4 =	vand.u32 $0xFFFFFFE0, v61  }
0x6f: {  	v3 =	vor.u32 v3, v4  }
0x70: {  	v4 =	vperm.xlane v3, v0;
	_ =	sdelay $0x1  }
0x71: {  	v4 =	vadd.s32 v1, v4;
	_ =	sdelay $0x1  }
0x72: {  	v3 =	vperm.xlane v3, v2;
	_ =	sdelay $0x1  }
0x73: {  	v3 =	vadd.s32 v1, v3  }
0x74: {  	[tilespmem:s17], [sflag:$0x1] =	stream.indirect_vreg.gather [hbm4b:s2+s3], $0x80, v4, vm0, $0xb8;
	[tilespmem:$0x10080] =	vst v63  }
0x75: {  	_ = 	snop  }
0x76: {  	[tilespmem:s18], [sflag:$0x1] =	stream.indirect_vreg.gather [hbm4b:s4+s3], $0x80, v4, vm0, $0xb8;
	[tilespmem:$0x10080] =	vst v63  }
0x77: {  	_ = 	snop  }
0x78: {  	[tilespmem:s19], [sflag:$0x1] =	stream.indirect_vreg.gather [hbm4b:s2+s3], $0x80, v3, vm0, $0xb8;
	[tilespmem:$0x10080] =	vst v63  }
0x79: {  	_ = 	snop  }
0x7a: {  	[tilespmem:s20], [sflag:$0x1] =	stream.indirect_vreg.gather [hbm4b:s4+s3], $0x80, v3, vm0, $0xb8;
	[tilespmem:$0x10080] =	vst v63  }
0x7b: {  	v3 =	vld [tilespmem:$0x60];
	_ =	sdelay $0x4  }
0x7c: {  	v62 =	vshll.u32 v3, $0x2  }
0x7d: {  	v3 =	vand.u32 $0x7, v3;
	v4 =	vand.u32 $0xFFFFFFE0, v62  }
0x7e: {  	v3 =	vor.u32 v3, v4  }
0x7f: {  	v4 =	vperm.xlane v3, v0;
	_ =	sdelay $0x1  }
0x80: {  	v4 =	vadd.s32 v1, v4;
	_ =	sdelay $0x1  }
0x81: {  	v3 =	vperm.xlane v3, v2;
	_ =	sdelay $0x1  }
0x82: {  	v3 =	vadd.s32 v1, v3  }
0x83: {  	[tilespmem:s21], [sflag:$0x1] =	stream.indirect_vreg.gather [hbm4b:s2+s3], $0x80, v4, vm0, $0xb8;
	[tilespmem:$0x10080] =	vst v63  }
0x84: {  	_ = 	snop  }
0x85: {  	[tilespmem:s22], [sflag:$0x1] =	stream.indirect_vreg.gather [hbm4b:s4+s3], $0x80, v4, vm0, $0xb8;
	[tilespmem:$0x10080] =	vst v63  }
0x86: {  	_ = 	snop  }
0x87: {  	[tilespmem:s23], [sflag:$0x1] =	stream.indirect_vreg.gather [hbm4b:s2+s3], $0x80, v3, vm0, $0xb8;
	[tilespmem:$0x10080] =	vst v63  }
0x88: {  	_ = 	snop  }
0x89: {  	[tilespmem:s24], [sflag:$0x1] =	stream.indirect_vreg.gather [hbm4b:s4+s3], $0x80, v3, vm0, $0xb8;
	[tilespmem:$0x10080] =	vst v63  }
0x8a: {  	v3 =	vld [tilespmem:$0x70];
	_ =	sdelay $0x4  }
0x8b: {  	v63 =	vshll.u32 v3, $0x2  }
0x8c: {  	v3 =	vand.u32 $0x7, v3;
	v4 =	vand.u32 $0xFFFFFFE0, v63  }
0x8d: {  	v3 =	vor.u32 v3, v4  }
0x8e: {  	v4 =	vperm.xlane v3, v0;
	_ =	sdelay $0x1  }
0x8f: {  	v4 =	vadd.s32 v1, v4;
	_ =	sdelay $0x1  }
0x90: {  	v3 =	vperm.xlane v3, v2;
	_ =	sdelay $0x1  }
0x91: {  	v3 =	vadd.s32 v1, v3  }
0x92: {  	[tilespmem:s25], [sflag:$0x1] =	stream.indirect_vreg.gather [hbm4b:s2+s3], $0x80, v4, vm0, $0xb8;
	[tilespmem:$0x10080] =	vst v63  }
0x93: {  	_ = 	snop  }
0x94: {  	[tilespmem:s26], [sflag:$0x1] =	stream.indirect_vreg.gather [hbm4b:s4+s3], $0x80, v4, vm0, $0xb8;
	[tilespmem:$0x10080] =	vst v63  }
0x95: {  	_ = 	snop  }
0x96: {  	[tilespmem:s28], [sflag:$0x1] =	stream.indirect_vreg.gather [hbm4b:s2+s3], $0x80, v3, vm0, $0xb8;
	[tilespmem:$0x10080] =	vst v63  }
0x97: {  	_ = 	snop  }
0x98: {  	[tilespmem:s29], [sflag:$0x1] =	stream.indirect_vreg.gather [hbm4b:s4+s3], $0x80, v3, vm0, $0xb8;
	[tilespmem:$0x10080] =	vst v63  }
0x99: {  	_ =	swait.ge [sflag:s30], $0x10000  }
0x9a: {  	p0 =	sne.s32 s0, $0x70;
	[sflag:s30] =	ssyncset.done $0x0  }
.Ltmp0:
0x9b: {  	[sflag:s30] =	ssyncadd.s32 $0xFFFF0000;
	(pc) =	sbr.rel @p0 .LBB2_2-.Ltmp0, $4  }
0x9c: {  	[hbm4b:s6+s3] =	stream.linear.scatter [tilespmem:s8], [sflag:$0x2], $0x10000, $0x38;
	[tilespmem:$0x10080] =	vst v63  }
0x9d: {  	_ =	swait.ge [sflag:s7], $0x10000  }
0x9e: {  	[sflag:s7] =	ssyncset.done $0x0  }
0x9f: {  	s0 =	sadd.s32 $0x10, s0;
	s6 =	sadd.s32 $0x2000, s6;
	[sflag:s7] =	ssyncadd.s32 $0xFFFF0000  }
0xa0: {  	s31 =	sadd.s32 $0x1, s31;
	s0 =	rddreg [dreg:$0xf]  }
0xa1: {  	p0 =	sne.s32 s31, s0  }
.Ltmp1:
0xa2: {  	_ = 	snop;
	(pc) =	sbr.rel @p0 .LBB2_1-.Ltmp1, $1  }
0xa3: {  	_ =	sdelay $0x3  }
0xa4: {  	_ =	sfence.sel $0x180000  }
0xa5: {  	[bflag:$0x0] =	sbarrier.arrive $0xFFFF  }
0xa6: {  	_ =	strace $0x90000047  }
0xa7: {  	s0 =	stileid.u32;
	[bflag:$0x2] =	sbarrier.arrive $0xFFFF  }
0xa8: {  	p0 =	sne.s32 s0, $0x0;
	s0 =	rddreg [dreg:$0x2]  }
0xa9: {  	s0 =	sadd.s32 @!p0 $0x100000, s0  }
0xaa: {  	[sflag:s0] =	ssyncadd.tile.s32 @!p0 $0x1;
	_ =	shalt  }
.Lfunc_end2:
_tile_overlayer_lowered:
.L_overlay_start_2:
0xab: {  	(tag) =	ssettag $0x2  }
0xac: {  	s0 =	rddreg [dreg:$0x0];
	s2 =	stileid.u32  }
0xad: {  	s1 =	rddreg [dreg:$0x1];
	p0 =	sne.s32 s2, $0x0  }
0xae: {  	s3 =	rddreg [dreg:$0x2];
	[bflag:$0x3] =	sbarrier.arrive $0xFFFF;
	s2 =	simm.s32 @!p0 $0x1C02  }
0xaf: {  	[timem:s3], [sflag:s2] =	dma.local @!p0 [hbm:s0], s1  }
0xb0: {  	s0 =	simm.s32 @!p0 $0x2  }
0xb1: {  	_ =	swait.ge @!p0 [sflag:s0], s1  }
0xb2: {  	s1 =	ssub.s32 @!p0 $0x0, s1;
	[sflag:s0] =	ssyncset.done @!p0 $0x0  }
0xb3: {  	[sflag:s0] =	ssyncadd.s32 @!p0 s1  }
0xb4: {  	[bflag:$0x3] =	sbarrier.arrive $0xFFFF  }
0xb5: {  	_ =	shalt  }

// kernel: kernel.21.cloned.1.call-start
scs
__scs_entry_jumppad:
0x0: {  	(pc) =	sbr.rel $0x88, $3  }
0x1: {  	(tag) =	ssettag $0x0;
	lr =	simm.s32 $0x1  }
0x2: {  	[smem:$0x3F92] =	sst lr;
	_ =	strace $0xD0000000  }
0x3: {  	_ = 	snop  }
0x4: {  	_ = 	snop  }
0x5: {  	_ = 	snop  }
0x6: {  	_ = 	snop  }
0x7: {  	_ = 	snop  }
__scs_overlays_trampoline_lowered:
0x8: {  	[smem:$0x3FA1] =	sst s0  }
0x9: {  	[smem:$0x3FA2] =	sst s1  }
0xa: {  	[smem:$0x3FA3] =	sst s2  }
0xb: {  	[smem:$0x3FA4] =	sst s3  }
0xc: {  	[smem:$0x3FA5] =	sst s4  }
0xd: {  	[smem:$0x3FA6] =	sst s5  }
0xe: {  	[smem:$0x3FA7] =	sst s6  }
0xf: {  	[smem:$0x3FA8] =	sst s7  }
0x10: {  	[smem:$0x3FA9] =	sst s8  }
0x11: {  	[smem:$0x3FAA] =	sst s9;
	s0 =	simm.s32 @!p0 $0x0  }
0x12: {  	s1 =	sld [smem:$0x3F90];
	s0 =	simm.s32 @p0 $0x1  }
0x13: {  	[smem:$0x3FAB] =	sst s0;
	s0 =	simm.s32 @!p1 $0x0  }
0x14: {  	s2 =	sld [smem:$0x3F8F];
	s0 =	simm.s32 @p1 $0x1  }
0x15: {  	[smem:$0x3FAC] =	sst s0;
	s0 =	simm.s32 @!p2 $0x0  }
0x16: {  	s3 =	sld [smem:$0x3FDB];
	s0 =	simm.s32 @p2 $0x1  }
0x17: {  	s4 =	simm.s32 $0x1BF5;
	[smem:$0x3FAE] =	sst s0  }
0x18: {  	s0 =	sld [smem:$0x3F91];
	_ =	swait.ge [sflag:s4], $0x0  }
0x19: {  	s7 =	sld [smem:$0x3F92]  }
0x1a: {  	s8 =	sadd.s32 $0xFFFFE003, lr  }
0x1b: {  	s9 =	sadd.s32 $0xFFFFFEF7, lr;
	s5 =	simm.s32 $0xFFFFFFFF;
	p2 =	slt.u32 s8, $0xFFFFF086  }
0x1c: {  	p1 =	slt.u32 s9, $0xF7A;
	s5 =	simm.s32 @!p2 $0x0  }
0x1d: {  	s5 =	simm.s32 @p1 $0x1;
	p0 =	seq.s32 s7, s2  }
0x1e: {  	s7 =	smul.u32 @!p0 $0xF7A, s2;
	p2 =	seq.s32 @!p0 s5, $0x0  }
0x1f: {  	s9 =	smul.u32 $0xF7A, s1;
	s8 =	simm.s32 @!p0 $0x1BF5;
	p2 =	por !p2, p0  }
0x20: {  	[sflag:s8] =	ssyncset.s32 @!p0 $0xFFFFF086;
	s6 =	sadd.s32 @!p0 s3, s7;
	s7 =	simm.s32 @!p0 $0x108  }
0x21: {  	s3 =	sadd.s32 s3, s9;
	s6 =	sadd.s32 @!p0 $0x88, s6;
	s7 =	simm.s32 @p2 $0x1082  }
0x22: {  	[simem:s7], [sflag:s8] =	dma.local @!p0 [hbm:s6], $0xF7A  }
0x23: {  	s9 =	sor.u32 $0xD0000000, s2;
	s6 =	simm.s32 $0x108;
	_ =	swait.ge @!p0 [sflag:s8], $0x0  }
0x24: {  	s3 =	sadd.s32 $0x88, s3;
	s6 =	simm.s32 @!p1 $0x1082;
	[sflag:s4] =	ssyncset.s32 $0xFFFFF086  }
0x25: {  	[simem:s6], [sflag:s4] =	dma.local [hbm:s3], $0xF7A  }
0x26: {  	[smem:$0x3F92] =	sst s1;
	(tag) =	ssettag s2;
	_ =	strace s9  }
0x27: {  	s1 =	sld [smem:$0x3FA2]  }
0x28: {  	s2 =	sld [smem:$0x3FA3]  }
0x29: {  	s4 =	sld [smem:$0x3FA5]  }
0x2a: {  	p0 =	seq.s32 s5, $0x0;
	s5 =	sld [smem:$0x3FA6]  }
0x2b: {  	s6 =	sld [smem:$0x3FA7]  }
0x2c: {  	s7 =	sld [smem:$0x3FA8]  }
0x2d: {  	s3 =	simm.s32 $0x108;
	s8 =	sld [smem:$0x3FA9]  }
0x2e: {  	s3 =	simm.s32 @!p0 $0x1082;
	s9 =	sld [smem:$0x3FAA]  }
0x2f: {  	lr =	sadd.s32 s0, s3;
	s0 =	sld [smem:$0x3FA1]  }
0x30: {  	s3 =	sld [smem:$0x3FA4]  }
0x31: {  	[smem:$0x3FAD] =	sst s10  }
0x32: {  	s10 =	sld [smem:$0x3FAB];
	_ =	sdelay $0x3  }
0x33: {  	p0 =	seq.s32 s10, $0x1;
	s10 =	sld [smem:$0x3FAD];
	_ =	sdelay $0x3  }
0x34: {  	[smem:$0x3FAD] =	sst s10  }
0x35: {  	s10 =	sld [smem:$0x3FAC];
	_ =	sdelay $0x3  }
0x36: {  	p1 =	seq.s32 s10, $0x1;
	s10 =	sld [smem:$0x3FAD];
	_ =	sdelay $0x3  }
0x37: {  	[smem:$0x3FAD] =	sst s10  }
0x38: {  	s10 =	sld [smem:$0x3FAE]  }
0x39: {  	_ = 	snop;
	(pc) =	sbr.ind lr, $3  }
0x3a: {  	_ = 	snop  }
0x3b: {  	_ = 	snop  }
0x3c: {  	p2 =	seq.s32 s10, $0x1;
	s10 =	sld [smem:$0x3FAD]  }
0x3d: {  	_ =	shalt  }
0x3e: {  	_ =	shalt  }
0x3f: {  	_ =	shalt  }
0x40: {  	_ =	shalt  }
0x41: {  	_ =	shalt  }
0x42: {  	_ =	shalt  }
0x43: {  	_ =	shalt  }
0x44: {  	_ =	shalt  }
0x45: {  	_ =	shalt  }
0x46: {  	_ =	shalt  }
0x47: {  	_ =	shalt  }
0x48: {  	_ =	shalt  }
0x49: {  	_ =	shalt  }
0x4a: {  	_ =	shalt  }
0x4b: {  	_ =	shalt  }
0x4c: {  	_ =	shalt  }
0x4d: {  	_ =	shalt  }
0x4e: {  	_ =	shalt  }
0x4f: {  	_ =	shalt  }
0x50: {  	_ =	shalt  }
0x51: {  	_ =	shalt  }
0x52: {  	_ =	shalt  }
0x53: {  	_ =	shalt  }
0x54: {  	_ =	shalt  }
0x55: {  	_ =	shalt  }
0x56: {  	_ =	shalt  }
0x57: {  	_ =	shalt  }
0x58: {  	_ =	shalt  }
0x59: {  	_ =	shalt  }
0x5a: {  	_ =	shalt  }
0x5b: {  	_ =	shalt  }
0x5c: {  	_ =	shalt  }
0x5d: {  	_ =	shalt  }
0x5e: {  	_ =	shalt  }
0x5f: {  	_ =	shalt  }
0x60: {  	_ =	shalt  }
0x61: {  	_ =	shalt  }
0x62: {  	_ =	shalt  }
0x63: {  	_ =	shalt  }
0x64: {  	_ =	shalt  }
0x65: {  	_ =	shalt  }
0x66: {  	_ =	shalt  }
0x67: {  	_ =	shalt  }
0x68: {  	_ =	shalt  }
0x69: {  	_ =	shalt  }
0x6a: {  	_ =	shalt  }
0x6b: {  	_ =	shalt  }
0x6c: {  	_ =	shalt  }
0x6d: {  	_ =	shalt  }
0x6e: {  	_ =	shalt  }
0x6f: {  	_ =	shalt  }
0x70: {  	_ =	shalt  }
0x71: {  	_ =	shalt  }
0x72: {  	_ =	shalt  }
0x73: {  	_ =	shalt  }
0x74: {  	_ =	shalt  }
0x75: {  	_ =	shalt  }
0x76: {  	_ =	shalt  }
0x77: {  	_ =	shalt  }
0x78: {  	_ =	shalt  }
0x79: {  	_ =	shalt  }
0x7a: {  	_ =	shalt  }
0x7b: {  	_ =	shalt  }
0x7c: {  	_ =	shalt  }
0x7d: {  	_ =	shalt  }
0x7e: {  	_ =	shalt  }
0x7f: {  	_ =	shalt  }
0x80: {  	_ =	shalt  }
0x81: {  	_ =	shalt  }
0x82: {  	_ =	shalt  }
0x83: {  	_ =	shalt  }
0x84: {  	_ =	shalt  }
0x85: {  	_ =	shalt  }
0x86: {  	_ =	shalt  }
0x87: {  	_ =	shalt  }
.Lfunc_end0:
.L_simem_size_0:
called_computation.1_lowered:
.L_overlay_start_0:
0x88: {  	s2 =	sld [smem:$0x3FD9]  }
0x89: {  	s3 =	sld [smem:$0x3FFE];
	_ =	sdelay $0x1  }
0x8a: {  	s1 =	srdreg.scid  }
0x8b: {  	s0 =	sand.u32 $0x1, s1  }
0x8c: {  	s17 =	sshll.u32 s0, $0xA;
	s2 =	sadd.s32 s3, s2  }
0x8d: {  	s2 =	sadd.s32 s2, s17  }
0x8e: {  	[smem:$0x3FB9] =	sst s2  }
0x8f: {  	_ = 	snop  }
0x90: {  	(tm) =	ssettm $0x1  }
0x91: {  	s18 =	sld [smem:$0x3FFB];
	_ =	sdelay $0x3  }
0x92: {  	_ =	strace s18  }
0x93: {  	s2 =	sld [smem:$0x3FFC];
	_ =	sdelay $0x3  }
0x94: {  	_ =	strace s2  }
0x95: {  	s2 =	sld [smem:$0x3FFD];
	_ =	sdelay $0x3  }
0x96: {  	_ =	strace s2  }
0x97: {  	_ =	strace $0x8FFFFFFF  }
0x98: {  	s19 =	sld [smem:$0x3FDB];
	_ =	sdelay $0x1  }
0x99: {  	s20 =	simm.s32 $_scs_section_size  }
0x9a: {  	s4 =	simm.s32 $_size__tile_overlayer_lowered;
	s5 =	simm.s32 $_tile_overlayer_lowered  }
0x9b: {  	s6 =	simm.s32 $0x1BFF;
	s21 =	sshll.u32 s5, $0x1;
	s3 =	sadd.s32 s20, s19  }
0x9c: {  	s22 =	simm.s32 $0x0;
	s4 =	sshll.u32 s4, $0x1;
	s5 =	sadd.s32 s21, s3  }
0x9d: {  	[timem:s22], [sflag:s6] =	dma.local [hbm:s5], s4  }
0x9e: {  	_ =	swait.ge [sflag:s6], s4  }
0x9f: {  	s4 =	ssub.s32 $0x0, s4;
	[sflag:s6] =	ssyncset.done $0x0  }
0xa0: {  	[sflag:s6] =	ssyncadd.s32 s4;
	_ =	sdelay $0x1  }
0xa1: {  	s23 =	simm.s32 $0x1B8B  }
0xa2: {  	_ =	swait.ge [sflag:s23], $0x1  }
0xa3: {  	[sflag:s23] =	ssyncset.done $0x0  }
0xa4: {  	[sflag:s23] =	ssyncadd.s32 $0xFFFFFFFF  }
0xa5: {  	s4 =	sld [smem:$0x0]  }
0xa6: {  	s5 =	sand.u32 $0xFFFFFFFE, s1  }
0xa7: {  	p0 =	sne.s32 s1, s5  }
0xa8: {  	s5 =	sshll.u32 @p0 s5, $0xE  }
0xa9: {  	s5 =	sadd.s32 @p0 $0x11B8D, s5;
	s6 =	sshll.u32 @p0 s4, $0x11  }
0xaa: {  	s5 =	sor.u32 @p0 s6, s5  }
0xab: {  	[sflag:s5] =	ssyncadd.remote.s32 @p0 $0x1;
	_ =	sdelay $0x1  }
0xac: {  	s5 =	simm.s32 @p0 $0x1B8D  }
0xad: {  	_ =	swait.eq @p0 [sflag:s5], $0x1  }
0xae: {  	[sflag:s5] =	ssyncadd.s32 @p0 $0xFFFFFFFF  }
0xaf: {  	s6 =	sshll.u32 @!p0 s1, $0xE  }
0xb0: {  	s6 =	sor.u32 @!p0 $0x4000, s6;
	s5 =	simm.s32 @!p0 $0x1B8D  }
0xb1: {  	s4 =	sshll.u32 @!p0 s4, $0x11;
	s6 =	sadd.s32 @!p0 $0x11B8D, s6;
	_ =	swait.eq @!p0 [sflag:s5], $0x1  }
0xb2: {  	s4 =	sor.u32 @!p0 s4, s6;
	[sflag:s5] =	ssyncadd.s32 @!p0 $0xFFFFFFFF  }
0xb3: {  	s25 =	simm.s32 $0x1B8E;
	s24 =	sld [smem:$0x3FFE];
	[sflag:s4] =	ssyncadd.remote.s32 @!p0 $0x1  }
0xb4: {  	s26 =	simm.s32 $execute0_lowered;
	[smem:$0x3FD2] =	sst s25  }
0xb5: {  	s5 =	sshll.u32 s26, $0x1;
	_ =	strace $0x80000049;
	[dreg:$0x1] =	wrdreg $0xFFFFFFFF  }
0xb6: {  	s28 =	simm.s32 $_size_execute0_lowered;
	s3 =	sadd.s32 s3, s5;
	[dreg:$0x0] =	wrdreg $0x0  }
0xb7: {  	s5 =	sshll.u32 s28, $0x1;
	[dreg:$0x2] =	wrdreg s3  }
0xb8: {  	[dreg:$0x3] =	wrdreg s5  }
0xb9: {  	[dreg:$0x4] =	wrdreg $0xC0  }
0xba: {  	_ =	task [dreg:s22], $0x5FFFF  }
0xbb: {  	[dreg:$0x1] =	wrdreg $0xFFFFFFFF  }
0xbc: {  	[dreg:$0x0] =	wrdreg $0x60  }
0xbd: {  	[dreg:$0x2] =	wrdreg s24  }
0xbe: {  	[dreg:$0x3] =	wrdreg $0xA  }
0xbf: {  	_ =	task.clear_ibuf [dreg:s22], $0x4FFFF;
	_ =	strace $0x90000049  }
0xc0: {  	s29 =	simm.s32 $0xA;
	_ =	strace $0x8000004B  }
0xc1: {  	_ =	swait.ge [sflag:s29], $0x1  }
0xc2: {  	[sflag:s29] =	ssyncadd.s32 $0xFFFFFFFF  }
0xc3: {  	_ =	strace $0x9000004B  }
0xc4: {  	_ =	sfence  }
0xc5: {  	s30 =	sld [smem:$0x0];
	_ =	sdelay $0x2  }
0xc6: {  	s31 =	sshll.u32 s1, $0xD;
	s1 =	sshrl.u32 s1, $0x2  }
0xc7: {  	s4 =	sand.u32 $0x4000, s31;
	s1 =	sadd.s32 s1, s30  }
0xc8: {  	s0 =	sor.u32 s4, s0;
	s1 =	sshll.u32 s1, $0x11  }
0xc9: {  	s0 =	sor.u32 s1, s0  }
0xca: {  	s0 =	sadd.s32 $0x8F2B, s0  }
0xcb: {  	[sflag:s0] =	ssyncadd.remote.s32 $0x1  }
0xcc: {  	_ =	sfence.sel $0xFFFF  }
0xcd: {  	[dreg:$0x0] =	wrdreg $0xFFFFFFFF;
	(pc) =	sbr.abs _section_cstart, $3  }
0xce: {  	[dreg:$0x1] =	wrdreg $0xFFFFFFFF  }
0xcf: {  	_ =	task.clear_ibuf [dreg:s22], $0x2FFFF;
	_ =	strace $0x9FFFFFFF  }
0xd0: {  	(tm) =	ssettm $0x7FFFFFFF  }
0xd1: {  	_ =	shalt  }
tec
execute0_lowered:
.L_overlay_start_1:
0x0: {  	(tag) =	ssettag $0x1  }
0x1: {  	s0 =	srdreg.scid  }
0x2: {  	s5 =	stileid.u32;
	s1 =	rddreg [dreg:$0x0];
	s2 =	simm.s32 $0x0  }
0x3: {  	s15 =	simm.s32 $0x880;
	s16 =	simm.s32 $0x1080;
	s18 =	simm.s32 $0x1880  }
0x4: {  	s19 =	simm.s32 $0x2080;
	s20 =	simm.s32 $0x2880;
	s21 =	simm.s32 $0x3080  }
0x5: {  	s22 =	simm.s32 $0x3880;
	s23 =	simm.s32 $0x4080;
	[smem:$0x7FF] =	sst s2  }
0x6: {  	s24 =	simm.s32 $0x4880;
	_ =	strace $0x8000004A;
	[dreg:$0x3] =	wrdreg s15  }
0x7: {  	s25 =	simm.s32 $0x5080;
	s26 =	simm.s32 $0x5880;
	[dreg:$0x4] =	wrdreg s16  }
0x8: {  	s8 =	simm.s32 $0x80;
	s9 =	simm.s32 $0x6080;
	[dreg:$0x5] =	wrdreg s18  }
0x9: {  	s10 =	simm.s32 $0x6880;
	s11 =	simm.s32 $0x7080;
	[dreg:$0x6] =	wrdreg s19  }
0xa: {  	s12 =	simm.s32 $0x7880;
	s13 =	simm.s32 $0x8080;
	[dreg:$0x7] =	wrdreg s20  }
0xb: {  	s28 =	simm.s32 $0xF080;
	s29 =	simm.s32 $0xF880;
	[dreg:$0x8] =	wrdreg s21  }
0xc: {  	s30 =	simm.s32 $0x1;
	s31 =	simm.s32 $0x0;
	[dreg:$0x9] =	wrdreg s22  }
0xd: {  	s0 =	sand.u32 $0x1, s0;
	s3 =	sshll.u32 s5, $0xB;
	[dreg:$0xa] =	wrdreg s23  }
0xe: {  	s5 =	sshll.u32 s5, $0x11;
	s4 =	sshll.u32 s0, $0xA;
	[dreg:$0xb] =	wrdreg s24  }
0xf: {  	s6 =	sadd.s32 s5, s1;
	s17 =	ssub.s32 $0x2, s0;
	[dreg:$0xc] =	wrdreg s25  }
0x10: {  	s0 =	sshll.u32 s0, $0x10;
	[dreg:$0xd] =	wrdreg s26;
	s15 =	simm.s32 $0x9080  }
0x11: {  	s16 =	simm.s32 $0x9880;
	s18 =	simm.s32 $0xA880;
	s19 =	simm.s32 $0xB080  }
0x12: {  	s20 =	simm.s32 $0xB880;
	s21 =	simm.s32 $0xC080;
	s22 =	simm.s32 $0xC880  }
0x13: {  	s23 =	simm.s32 $0xD080;
	s24 =	simm.s32 $0xD880;
	s25 =	simm.s32 $0xE080  }
0x14: {  	s26 =	simm.s32 $0xE880;
	s3 =	sor.u32 s4, s3;
	s7 =	sshrl.u32 s17, $0x1  }
0x15: {  	s0 =	sadd.s32 s0, s6;
	s3 =	sshrl.u32 s3, $0x3;
	s5 =	ssub.s32 s17, s7  }
0x16: {  	s0 =	sadd.s32 $0x28BE00, s0;
	s7 =	simm.s32 $0x2;
	s17 =	simm.s32 $0xA080  }
0x17: {  	v2 =	vlaneseq.u32;
	s14 =	sadd.s32 s3, s1;
	s5 =	smax.u32 s5, $0x1;
	[dreg:$0xf] =	wrdreg s0  }
0x18: {  	vm0 =	vmmov $0xffff;
	v1 =	vshrl.u32 v2, $0x3;
	s3 =	sadd.s32 $0x2AC00, s1;
	s4 =	sadd.s32 $0x28AE00, s14;
	[dreg:$0xe] =	wrdreg s5  }
0x19: {  	v0 =	vand.u32 $0x7, v2;
	v2 =	vor.u32 $0x8, v2;
	v1 =	vmul.u32 $0x8, v1;
	s14 =	simm.s32 $0x8880;
	[dreg:$0x2] =	wrdreg s4;
	s4 =	sadd.s32 $0x2AD00, s1  }
.LBB2_1:
0x1a: {  	s6 =	rddreg [dreg:$0xf];
	s0 =	simm.s32 $0x0  }
.LBB2_2:
0x1b: {  	s5 =	rddreg [dreg:$0x2]  }
0x1c: {  	s5 =	sadd.s32 s0, s5  }
0x1d: {  	[tilespmem:s2], [sflag:$0x2] =	stream.linear.gather [hbm4b:s5+s2], $0x80, $0x38;
	[tilespmem:$0x10080] =	vst v63  }
0x1e: {  	_ =	swait.ge [sflag:s7], $0x80  }
0x1f: {  	[sflag:s7] =	ssyncset.done $0x0  }
0x20: {  	[sflag:s7] =	ssyncadd.s32 $0xFFFFFF80  }
0x21: {  	v3 =	vld [tilespmem:$0x0];
	_ =	sdelay $0x4  }
0x22: {  	v4 =	vshll.u32 v3, $0x2  }
0x23: {  	v3 =	vand.u32 $0x7, v3;
	v4 =	vand.u32 $0xFFFFFFE0, v4  }
0x24: {  	v3 =	vor.u32 v3, v4  }
0x25: {  	v4 =	vperm.xlane v3, v0;
	_ =	sdelay $0x1  }
0x26: {  	v4 =	vadd.s32 v1, v4;
	_ =	sdelay $0x1  }
0x27: {  	v3 =	vperm.xlane v3, v2;
	_ =	sdelay $0x1  }
0x28: {  	v3 =	vadd.s32 v1, v3  }
0x29: {  	[tilespmem:s8], [sflag:$0x1] =	stream.indirect_vreg.gather [hbm4b:s3+s2], $0x80, v4, vm0, $0xb8;
	[tilespmem:$0x10080] =	vst v63  }
0x2a: {  	s5 =	rddreg [dreg:$0x3]  }
0x2b: {  	[tilespmem:s5], [sflag:$0x1] =	stream.indirect_vreg.gather [hbm4b:s4+s2], $0x80, v4, vm0, $0xb8;
	[tilespmem:$0x10080] =	vst v63  }
0x2c: {  	s1 =	rddreg [dreg:$0x4]  }
0x2d: {  	[tilespmem:s1], [sflag:$0x1] =	stream.indirect_vreg.gather [hbm4b:s3+s2], $0x80, v3, vm0, $0xb8;
	[tilespmem:$0x10080] =	vst v63  }
0x2e: {  	s5 =	rddreg [dreg:$0x5]  }
0x2f: {  	[tilespmem:s5], [sflag:$0x1] =	stream.indirect_vreg.gather [hbm4b:s4+s2], $0x80, v3, vm0, $0xb8;
	[tilespmem:$0x10080] =	vst v63  }
0x30: {  	v3 =	vld [tilespmem:$0x10];
	_ =	sdelay $0x4  }
0x31: {  	v57 =	vshll.u32 v3, $0x2  }
0x32: {  	v3 =	vand.u32 $0x7, v3;
	v4 =	vand.u32 $0xFFFFFFE0, v57  }
0x33: {  	v3 =	vor.u32 v3, v4  }
0x34: {  	v4 =	vperm.xlane v3, v0;
	_ =	sdelay $0x1  }
0x35: {  	v4 =	vadd.s32 v1, v4;
	_ =	sdelay $0x1  }
0x36: {  	v3 =	vperm.xlane v3, v2;
	_ =	sdelay $0x1  }
0x37: {  	s1 =	rddreg [dreg:$0x6];
	v3 =	vadd.s32 v1, v3  }
0x38: {  	[tilespmem:s1], [sflag:$0x1] =	stream.indirect_vreg.gather [hbm4b:s3+s2], $0x80, v4, vm0, $0xb8;
	[tilespmem:$0x10080] =	vst v63  }
0x39: {  	s5 =	rddreg [dreg:$0x7]  }
0x3a: {  	[tilespmem:s5], [sflag:$0x1] =	stream.indirect_vreg.gather [hbm4b:s4+s2], $0x80, v4, vm0, $0xb8;
	[tilespmem:$0x10080] =	vst v63  }
0x3b: {  	s1 =	rddreg [dreg:$0x8]  }
0x3c: {  	[tilespmem:s1], [sflag:$0x1] =	stream.indirect_vreg.gather [hbm4b:s3+s2], $0x80, v3, vm0, $0xb8;
	[tilespmem:$0x10080] =	vst v63  }
0x3d: {  	s5 =	rddreg [dreg:$0x9]  }
0x3e: {  	[tilespmem:s5], [sflag:$0x1] =	stream.indirect_vreg.gather [hbm4b:s4+s2], $0x80, v3, vm0, $0xb8;
	[tilespmem:$0x10080] =	vst v63  }
0x3f: {  	v3 =	vld [tilespmem:$0x20];
	_ =	sdelay $0x4  }
0x40: {  	v58 =	vshll.u32 v3, $0x2  }
0x41: {  	v3 =	vand.u32 $0x7, v3;
	v4 =	vand.u32 $0xFFFFFFE0, v58  }
0x42: {  	v3 =	vor.u32 v3, v4  }
0x43: {  	v4 =	vperm.xlane v3, v0;
	_ =	sdelay $0x1  }
0x44: {  	v4 =	vadd.s32 v1, v4;
	_ =	sdelay $0x1  }
0x45: {  	v3 =	vperm.xlane v3, v2;
	_ =	sdelay $0x1  }
0x46: {  	s1 =	rddreg [dreg:$0xa];
	v3 =	vadd.s32 v1, v3  }
0x47: {  	[tilespmem:s1], [sflag:$0x1] =	stream.indirect_vreg.gather [hbm4b:s3+s2], $0x80, v4, vm0, $0xb8;
	[tilespmem:$0x10080] =	vst v63  }
0x48: {  	s5 =	rddreg [dreg:$0xb]  }
0x49: {  	[tilespmem:s5], [sflag:$0x1] =	stream.indirect_vreg.gather [hbm4b:s4+s2], $0x80, v4, vm0, $0xb8;
	[tilespmem:$0x10080] =	vst v63  }
0x4a: {  	s1 =	rddreg [dreg:$0xc]  }
0x4b: {  	[tilespmem:s1], [sflag:$0x1] =	stream.indirect_vreg.gather [hbm4b:s3+s2], $0x80, v3, vm0, $0xb8;
	[tilespmem:$0x10080] =	vst v63  }
0x4c: {  	s5 =	rddreg [dreg:$0xd]  }
0x4d: {  	[tilespmem:s5], [sflag:$0x1] =	stream.indirect_vreg.gather [hbm4b:s4+s2], $0x80, v3, vm0, $0xb8;
	[tilespmem:$0x10080] =	vst v63  }
0x4e: {  	v3 =	vld [tilespmem:$0x30];
	_ =	sdelay $0x4  }
0x4f: {  	v59 =	vshll.u32 v3, $0x2  }
0x50: {  	v3 =	vand.u32 $0x7, v3;
	v4 =	vand.u32 $0xFFFFFFE0, v59  }
0x51: {  	v3 =	vor.u32 v3, v4  }
0x52: {  	v4 =	vperm.xlane v3, v0;
	_ =	sdelay $0x1  }
0x53: {  	v4 =	vadd.s32 v1, v4;
	_ =	sdelay $0x1  }
0x54: {  	v3 =	vperm.xlane v3, v2;
	_ =	sdelay $0x1  }
0x55: {  	v3 =	vadd.s32 v1, v3  }
0x56: {  	[tilespmem:s9], [sflag:$0x1] =	stream.indirect_vreg.gather [hbm4b:s3+s2], $0x80, v4, vm0, $0xb8;
	[tilespmem:$0x10080] =	vst v63  }
0x57: {  	_ = 	snop  }
0x58: {  	[tilespmem:s10], [sflag:$0x1] =	stream.indirect_vreg.gather [hbm4b:s4+s2], $0x80, v4, vm0, $0xb8;
	[tilespmem:$0x10080] =	vst v63  }
0x59: {  	_ = 	snop  }
0x5a: {  	[tilespmem:s11], [sflag:$0x1] =	stream.indirect_vreg.gather [hbm4b:s3+s2], $0x80, v3, vm0, $0xb8;
	[tilespmem:$0x10080] =	vst v63  }
0x5b: {  	_ = 	snop  }
0x5c: {  	[tilespmem:s12], [sflag:$0x1] =	stream.indirect_vreg.gather [hbm4b:s4+s2], $0x80, v3, vm0, $0xb8;
	[tilespmem:$0x10080] =	vst v63  }
0x5d: {  	v3 =	vld [tilespmem:$0x40];
	_ =	sdelay $0x4  }
0x5e: {  	v60 =	vshll.u32 v3, $0x2  }
0x5f: {  	v3 =	vand.u32 $0x7, v3;
	v4 =	vand.u32 $0xFFFFFFE0, v60  }
0x60: {  	v3 =	vor.u32 v3, v4  }
0x61: {  	v4 =	vperm.xlane v3, v0;
	_ =	sdelay $0x1  }
0x62: {  	v4 =	vadd.s32 v1, v4;
	_ =	sdelay $0x1  }
0x63: {  	v3 =	vperm.xlane v3, v2;
	_ =	sdelay $0x1  }
0x64: {  	v3 =	vadd.s32 v1, v3  }
0x65: {  	[tilespmem:s13], [sflag:$0x1] =	stream.indirect_vreg.gather [hbm4b:s3+s2], $0x80, v4, vm0, $0xb8;
	[tilespmem:$0x10080] =	vst v63  }
0x66: {  	_ = 	snop  }
0x67: {  	[tilespmem:s14], [sflag:$0x1] =	stream.indirect_vreg.gather [hbm4b:s4+s2], $0x80, v4, vm0, $0xb8;
	[tilespmem:$0x10080] =	vst v63  }
0x68: {  	_ = 	snop  }
0x69: {  	[tilespmem:s15], [sflag:$0x1] =	stream.indirect_vreg.gather [hbm4b:s3+s2], $0x80, v3, vm0, $0xb8;
	[tilespmem:$0x10080] =	vst v63  }
0x6a: {  	_ = 	snop  }
0x6b: {  	[tilespmem:s16], [sflag:$0x1] =	stream.indirect_vreg.gather [hbm4b:s4+s2], $0x80, v3, vm0, $0xb8;
	[tilespmem:$0x10080] =	vst v63  }
0x6c: {  	v3 =	vld [tilespmem:$0x50];
	_ =	sdelay $0x4  }
0x6d: {  	v61 =	vshll.u32 v3, $0x2  }
0x6e: {  	v3 =	vand.u32 $0x7, v3;
	v4 =	vand.u32 $0xFFFFFFE0, v61  }
0x6f: {  	v3 =	vor.u32 v3, v4  }
0x70: {  	v4 =	vperm.xlane v3, v0;
	_ =	sdelay $0x1  }
0x71: {  	v4 =	vadd.s32 v1, v4;
	_ =	sdelay $0x1  }
0x72: {  	v3 =	vperm.xlane v3, v2;
	_ =	sdelay $0x1  }
0x73: {  	v3 =	vadd.s32 v1, v3  }
0x74: {  	[tilespmem:s17], [sflag:$0x1] =	stream.indirect_vreg.gather [hbm4b:s3+s2], $0x80, v4, vm0, $0xb8;
	[tilespmem:$0x10080] =	vst v63  }
0x75: {  	_ = 	snop  }
0x76: {  	[tilespmem:s18], [sflag:$0x1] =	stream.indirect_vreg.gather [hbm4b:s4+s2], $0x80, v4, vm0, $0xb8;
	[tilespmem:$0x10080] =	vst v63  }
0x77: {  	_ = 	snop  }
0x78: {  	[tilespmem:s19], [sflag:$0x1] =	stream.indirect_vreg.gather [hbm4b:s3+s2], $0x80, v3, vm0, $0xb8;
	[tilespmem:$0x10080] =	vst v63  }
0x79: {  	_ = 	snop  }
0x7a: {  	[tilespmem:s20], [sflag:$0x1] =	stream.indirect_vreg.gather [hbm4b:s4+s2], $0x80, v3, vm0, $0xb8;
	[tilespmem:$0x10080] =	vst v63  }
0x7b: {  	v3 =	vld [tilespmem:$0x60];
	_ =	sdelay $0x4  }
0x7c: {  	v62 =	vshll.u32 v3, $0x2  }
0x7d: {  	v3 =	vand.u32 $0x7, v3;
	v4 =	vand.u32 $0xFFFFFFE0, v62  }
0x7e: {  	v3 =	vor.u32 v3, v4  }
0x7f: {  	v4 =	vperm.xlane v3, v0;
	_ =	sdelay $0x1  }
0x80: {  	v4 =	vadd.s32 v1, v4;
	_ =	sdelay $0x1  }
0x81: {  	v3 =	vperm.xlane v3, v2;
	_ =	sdelay $0x1  }
0x82: {  	v3 =	vadd.s32 v1, v3  }
0x83: {  	[tilespmem:s21], [sflag:$0x1] =	stream.indirect_vreg.gather [hbm4b:s3+s2], $0x80, v4, vm0, $0xb8;
	[tilespmem:$0x10080] =	vst v63  }
0x84: {  	_ = 	snop  }
0x85: {  	[tilespmem:s22], [sflag:$0x1] =	stream.indirect_vreg.gather [hbm4b:s4+s2], $0x80, v4, vm0, $0xb8;
	[tilespmem:$0x10080] =	vst v63  }
0x86: {  	_ = 	snop  }
0x87: {  	[tilespmem:s23], [sflag:$0x1] =	stream.indirect_vreg.gather [hbm4b:s3+s2], $0x80, v3, vm0, $0xb8;
	[tilespmem:$0x10080] =	vst v63  }
0x88: {  	_ = 	snop  }
0x89: {  	[tilespmem:s24], [sflag:$0x1] =	stream.indirect_vreg.gather [hbm4b:s4+s2], $0x80, v3, vm0, $0xb8;
	[tilespmem:$0x10080] =	vst v63  }
0x8a: {  	v3 =	vld [tilespmem:$0x70];
	_ =	sdelay $0x4  }
0x8b: {  	v63 =	vshll.u32 v3, $0x2  }
0x8c: {  	v3 =	vand.u32 $0x7, v3;
	v4 =	vand.u32 $0xFFFFFFE0, v63  }
0x8d: {  	v3 =	vor.u32 v3, v4  }
0x8e: {  	v4 =	vperm.xlane v3, v0;
	_ =	sdelay $0x1  }
0x8f: {  	v4 =	vadd.s32 v1, v4;
	_ =	sdelay $0x1  }
0x90: {  	v3 =	vperm.xlane v3, v2;
	_ =	sdelay $0x1  }
0x91: {  	v3 =	vadd.s32 v1, v3  }
0x92: {  	[tilespmem:s25], [sflag:$0x1] =	stream.indirect_vreg.gather [hbm4b:s3+s2], $0x80, v4, vm0, $0xb8;
	[tilespmem:$0x10080] =	vst v63  }
0x93: {  	_ = 	snop  }
0x94: {  	[tilespmem:s26], [sflag:$0x1] =	stream.indirect_vreg.gather [hbm4b:s4+s2], $0x80, v4, vm0, $0xb8;
	[tilespmem:$0x10080] =	vst v63  }
0x95: {  	_ = 	snop  }
0x96: {  	[tilespmem:s28], [sflag:$0x1] =	stream.indirect_vreg.gather [hbm4b:s3+s2], $0x80, v3, vm0, $0xb8;
	[tilespmem:$0x10080] =	vst v63  }
0x97: {  	_ = 	snop  }
0x98: {  	[tilespmem:s29], [sflag:$0x1] =	stream.indirect_vreg.gather [hbm4b:s4+s2], $0x80, v3, vm0, $0xb8;
	[tilespmem:$0x10080] =	vst v63  }
0x99: {  	_ =	swait.ge [sflag:s30], $0x10000  }
0x9a: {  	p0 =	sne.s32 s0, $0x70;
	[sflag:s30] =	ssyncset.done $0x0  }
.Ltmp0:
0x9b: {  	[sflag:s30] =	ssyncadd.s32 $0xFFFF0000;
	(pc) =	sbr.rel @p0 .LBB2_2-.Ltmp0, $4  }
0x9c: {  	[hbm4b:s6+s2] =	stream.linear.scatter [tilespmem:s8], [sflag:$0x2], $0x10000, $0x38;
	[tilespmem:$0x10080] =	vst v63  }
0x9d: {  	_ =	swait.ge [sflag:s7], $0x10000  }
0x9e: {  	[sflag:s7] =	ssyncset.done $0x0  }
0x9f: {  	s0 =	sadd.s32 $0x10, s0;
	s6 =	sadd.s32 $0x2000, s6;
	[sflag:s7] =	ssyncadd.s32 $0xFFFF0000  }
0xa0: {  	s31 =	sadd.s32 $0x1, s31;
	s0 =	rddreg [dreg:$0xe]  }
0xa1: {  	p0 =	sne.s32 s31, s0  }
.Ltmp1:
0xa2: {  	_ = 	snop;
	(pc) =	sbr.rel @p0 .LBB2_1-.Ltmp1, $1  }
0xa3: {  	_ =	sdelay $0x3  }
0xa4: {  	_ =	sfence.sel $0x180000  }
0xa5: {  	[bflag:$0x0] =	sbarrier.arrive $0xFFFF  }
0xa6: {  	_ =	strace $0x9000004A  }
0xa7: {  	s0 =	stileid.u32;
	[bflag:$0x2] =	sbarrier.arrive $0xFFFF  }
0xa8: {  	p0 =	sne.s32 s0, $0x0;
	s0 =	rddreg [dreg:$0x1]  }
0xa9: {  	s0 =	sadd.s32 @!p0 $0x100000, s0  }
0xaa: {  	[sflag:s0] =	ssyncadd.tile.s32 @!p0 $0x1;
	_ =	shalt  }
.Lfunc_end2:
_tile_overlayer_lowered:
.L_overlay_start_2:
0xab: {  	(tag) =	ssettag $0x2  }
0xac: {  	s0 =	rddreg [dreg:$0x0];
	s2 =	stileid.u32  }
0xad: {  	s1 =	rddreg [dreg:$0x1];
	p0 =	sne.s32 s2, $0x0  }
0xae: {  	s3 =	rddreg [dreg:$0x2];
	[bflag:$0x3] =	sbarrier.arrive $0xFFFF;
	s2 =	simm.s32 @!p0 $0x1C02  }
0xaf: {  	[timem:s3], [sflag:s2] =	dma.local @!p0 [hbm:s0], s1  }
0xb0: {  	s0 =	simm.s32 @!p0 $0x2  }
0xb1: {  	_ =	swait.ge @!p0 [sflag:s0], s1  }
0xb2: {  	s1 =	ssub.s32 @!p0 $0x0, s1;
	[sflag:s0] =	ssyncset.done @!p0 $0x0  }
0xb3: {  	[sflag:s0] =	ssyncadd.s32 @!p0 s1  }
0xb4: {  	[bflag:$0x3] =	sbarrier.arrive $0xFFFF  }
0xb5: {  	_ =	shalt  }

// kernel: kernel.24.cloned.1.call-start
scs
__scs_entry_jumppad:
0x0: {  	(pc) =	sbr.rel $0x88, $3  }
0x1: {  	(tag) =	ssettag $0x0;
	lr =	simm.s32 $0x1  }
0x2: {  	[smem:$0x3F92] =	sst lr;
	_ =	strace $0xD0000000  }
0x3: {  	_ = 	snop  }
0x4: {  	_ = 	snop  }
0x5: {  	_ = 	snop  }
0x6: {  	_ = 	snop  }
0x7: {  	_ = 	snop  }
__scs_overlays_trampoline_lowered:
0x8: {  	[smem:$0x3FA1] =	sst s0  }
0x9: {  	[smem:$0x3FA2] =	sst s1  }
0xa: {  	[smem:$0x3FA3] =	sst s2  }
0xb: {  	[smem:$0x3FA4] =	sst s3  }
0xc: {  	[smem:$0x3FA5] =	sst s4  }
0xd: {  	[smem:$0x3FA6] =	sst s5  }
0xe: {  	[smem:$0x3FA7] =	sst s6  }
0xf: {  	[smem:$0x3FA8] =	sst s7  }
0x10: {  	[smem:$0x3FA9] =	sst s8  }
0x11: {  	[smem:$0x3FAA] =	sst s9;
	s0 =	simm.s32 @!p0 $0x0  }
0x12: {  	s1 =	sld [smem:$0x3F90];
	s0 =	simm.s32 @p0 $0x1  }
0x13: {  	[smem:$0x3FAB] =	sst s0;
	s0 =	simm.s32 @!p1 $0x0  }
0x14: {  	s2 =	sld [smem:$0x3F8F];
	s0 =	simm.s32 @p1 $0x1  }
0x15: {  	[smem:$0x3FAC] =	sst s0;
	s0 =	simm.s32 @!p2 $0x0  }
0x16: {  	s3 =	sld [smem:$0x3FDB];
	s0 =	simm.s32 @p2 $0x1  }
0x17: {  	s4 =	simm.s32 $0x1BF5;
	[smem:$0x3FAE] =	sst s0  }
0x18: {  	s0 =	sld [smem:$0x3F91];
	_ =	swait.ge [sflag:s4], $0x0  }
0x19: {  	s7 =	sld [smem:$0x3F92]  }
0x1a: {  	s8 =	sadd.s32 $0xFFFFE003, lr  }
0x1b: {  	s9 =	sadd.s32 $0xFFFFFEF7, lr;
	s5 =	simm.s32 $0xFFFFFFFF;
	p2 =	slt.u32 s8, $0xFFFFF086  }
0x1c: {  	p1 =	slt.u32 s9, $0xF7A;
	s5 =	simm.s32 @!p2 $0x0  }
0x1d: {  	s5 =	simm.s32 @p1 $0x1;
	p0 =	seq.s32 s7, s2  }
0x1e: {  	s7 =	smul.u32 @!p0 $0xF7A, s2;
	p2 =	seq.s32 @!p0 s5, $0x0  }
0x1f: {  	s9 =	smul.u32 $0xF7A, s1;
	s8 =	simm.s32 @!p0 $0x1BF5;
	p2 =	por !p2, p0  }
0x20: {  	[sflag:s8] =	ssyncset.s32 @!p0 $0xFFFFF086;
	s6 =	sadd.s32 @!p0 s3, s7;
	s7 =	simm.s32 @!p0 $0x108  }
0x21: {  	s3 =	sadd.s32 s3, s9;
	s6 =	sadd.s32 @!p0 $0x88, s6;
	s7 =	simm.s32 @p2 $0x1082  }
0x22: {  	[simem:s7], [sflag:s8] =	dma.local @!p0 [hbm:s6], $0xF7A  }
0x23: {  	s9 =	sor.u32 $0xD0000000, s2;
	s6 =	simm.s32 $0x108;
	_ =	swait.ge @!p0 [sflag:s8], $0x0  }
0x24: {  	s3 =	sadd.s32 $0x88, s3;
	s6 =	simm.s32 @!p1 $0x1082;
	[sflag:s4] =	ssyncset.s32 $0xFFFFF086  }
0x25: {  	[simem:s6], [sflag:s4] =	dma.local [hbm:s3], $0xF7A  }
0x26: {  	[smem:$0x3F92] =	sst s1;
	(tag) =	ssettag s2;
	_ =	strace s9  }
0x27: {  	s1 =	sld [smem:$0x3FA2]  }
0x28: {  	s2 =	sld [smem:$0x3FA3]  }
0x29: {  	s4 =	sld [smem:$0x3FA5]  }
0x2a: {  	p0 =	seq.s32 s5, $0x0;
	s5 =	sld [smem:$0x3FA6]  }
0x2b: {  	s6 =	sld [smem:$0x3FA7]  }
0x2c: {  	s7 =	sld [smem:$0x3FA8]  }
0x2d: {  	s3 =	simm.s32 $0x108;
	s8 =	sld [smem:$0x3FA9]  }
0x2e: {  	s3 =	simm.s32 @!p0 $0x1082;
	s9 =	sld [smem:$0x3FAA]  }
0x2f: {  	lr =	sadd.s32 s0, s3;
	s0 =	sld [smem:$0x3FA1]  }
0x30: {  	s3 =	sld [smem:$0x3FA4]  }
0x31: {  	[smem:$0x3FAD] =	sst s10  }
0x32: {  	s10 =	sld [smem:$0x3FAB];
	_ =	sdelay $0x3  }
0x33: {  	p0 =	seq.s32 s10, $0x1;
	s10 =	sld [smem:$0x3FAD];
	_ =	sdelay $0x3  }
0x34: {  	[smem:$0x3FAD] =	sst s10  }
0x35: {  	s10 =	sld [smem:$0x3FAC];
	_ =	sdelay $0x3  }
0x36: {  	p1 =	seq.s32 s10, $0x1;
	s10 =	sld [smem:$0x3FAD];
	_ =	sdelay $0x3  }
0x37: {  	[smem:$0x3FAD] =	sst s10  }
0x38: {  	s10 =	sld [smem:$0x3FAE]  }
0x39: {  	_ = 	snop;
	(pc) =	sbr.ind lr, $3  }
0x3a: {  	_ = 	snop  }
0x3b: {  	_ = 	snop  }
0x3c: {  	p2 =	seq.s32 s10, $0x1;
	s10 =	sld [smem:$0x3FAD]  }
0x3d: {  	_ =	shalt  }
0x3e: {  	_ =	shalt  }
0x3f: {  	_ =	shalt  }
0x40: {  	_ =	shalt  }
0x41: {  	_ =	shalt  }
0x42: {  	_ =	shalt  }
0x43: {  	_ =	shalt  }
0x44: {  	_ =	shalt  }
0x45: {  	_ =	shalt  }
0x46: {  	_ =	shalt  }
0x47: {  	_ =	shalt  }
0x48: {  	_ =	shalt  }
0x49: {  	_ =	shalt  }
0x4a: {  	_ =	shalt  }
0x4b: {  	_ =	shalt  }
0x4c: {  	_ =	shalt  }
0x4d: {  	_ =	shalt  }
0x4e: {  	_ =	shalt  }
0x4f: {  	_ =	shalt  }
0x50: {  	_ =	shalt  }
0x51: {  	_ =	shalt  }
0x52: {  	_ =	shalt  }
0x53: {  	_ =	shalt  }
0x54: {  	_ =	shalt  }
0x55: {  	_ =	shalt  }
0x56: {  	_ =	shalt  }
0x57: {  	_ =	shalt  }
0x58: {  	_ =	shalt  }
0x59: {  	_ =	shalt  }
0x5a: {  	_ =	shalt  }
0x5b: {  	_ =	shalt  }
0x5c: {  	_ =	shalt  }
0x5d: {  	_ =	shalt  }
0x5e: {  	_ =	shalt  }
0x5f: {  	_ =	shalt  }
0x60: {  	_ =	shalt  }
0x61: {  	_ =	shalt  }
0x62: {  	_ =	shalt  }
0x63: {  	_ =	shalt  }
0x64: {  	_ =	shalt  }
0x65: {  	_ =	shalt  }
0x66: {  	_ =	shalt  }
0x67: {  	_ =	shalt  }
0x68: {  	_ =	shalt  }
0x69: {  	_ =	shalt  }
0x6a: {  	_ =	shalt  }
0x6b: {  	_ =	shalt  }
0x6c: {  	_ =	shalt  }
0x6d: {  	_ =	shalt  }
0x6e: {  	_ =	shalt  }
0x6f: {  	_ =	shalt  }
0x70: {  	_ =	shalt  }
0x71: {  	_ =	shalt  }
0x72: {  	_ =	shalt  }
0x73: {  	_ =	shalt  }
0x74: {  	_ =	shalt  }
0x75: {  	_ =	shalt  }
0x76: {  	_ =	shalt  }
0x77: {  	_ =	shalt  }
0x78: {  	_ =	shalt  }
0x79: {  	_ =	shalt  }
0x7a: {  	_ =	shalt  }
0x7b: {  	_ =	shalt  }
0x7c: {  	_ =	shalt  }
0x7d: {  	_ =	shalt  }
0x7e: {  	_ =	shalt  }
0x7f: {  	_ =	shalt  }
0x80: {  	_ =	shalt  }
0x81: {  	_ =	shalt  }
0x82: {  	_ =	shalt  }
0x83: {  	_ =	shalt  }
0x84: {  	_ =	shalt  }
0x85: {  	_ =	shalt  }
0x86: {  	_ =	shalt  }
0x87: {  	_ =	shalt  }
.Lfunc_end0:
.L_simem_size_0:
called_computation.2_lowered:
.L_overlay_start_0:
0x88: {  	s2 =	sld [smem:$0x3FD9]  }
0x89: {  	s3 =	sld [smem:$0x3FFE];
	_ =	sdelay $0x1  }
0x8a: {  	s1 =	srdreg.scid  }
0x8b: {  	s0 =	sand.u32 $0x1, s1  }
0x8c: {  	s17 =	sshll.u32 s0, $0xA;
	s2 =	sadd.s32 s3, s2  }
0x8d: {  	s2 =	sadd.s32 s2, s17  }
0x8e: {  	[smem:$0x3FB9] =	sst s2  }
0x8f: {  	_ = 	snop  }
0x90: {  	(tm) =	ssettm $0x1  }
0x91: {  	s18 =	sld [smem:$0x3FFB];
	_ =	sdelay $0x3  }
0x92: {  	_ =	strace s18  }
0x93: {  	s2 =	sld [smem:$0x3FFC];
	_ =	sdelay $0x3  }
0x94: {  	_ =	strace s2  }
0x95: {  	s2 =	sld [smem:$0x3FFD];
	_ =	sdelay $0x3  }
0x96: {  	_ =	strace s2  }
0x97: {  	_ =	strace $0x8FFFFFFF  }
0x98: {  	s19 =	sld [smem:$0x3FDB];
	_ =	sdelay $0x1  }
0x99: {  	s20 =	simm.s32 $_scs_section_size  }
0x9a: {  	s4 =	simm.s32 $_size__tile_overlayer_lowered;
	s5 =	simm.s32 $_tile_overlayer_lowered  }
0x9b: {  	s6 =	simm.s32 $0x1BFF;
	s21 =	sshll.u32 s5, $0x1;
	s3 =	sadd.s32 s20, s19  }
0x9c: {  	s22 =	simm.s32 $0x0;
	s4 =	sshll.u32 s4, $0x1;
	s5 =	sadd.s32 s21, s3  }
0x9d: {  	[timem:s22], [sflag:s6] =	dma.local [hbm:s5], s4  }
0x9e: {  	_ =	swait.ge [sflag:s6], s4  }
0x9f: {  	s4 =	ssub.s32 $0x0, s4;
	[sflag:s6] =	ssyncset.done $0x0  }
0xa0: {  	[sflag:s6] =	ssyncadd.s32 s4;
	_ =	sdelay $0x1  }
0xa1: {  	s23 =	simm.s32 $0x1B8B  }
0xa2: {  	_ =	swait.ge [sflag:s23], $0x1  }
0xa3: {  	[sflag:s23] =	ssyncset.done $0x0  }
0xa4: {  	[sflag:s23] =	ssyncadd.s32 $0xFFFFFFFF  }
0xa5: {  	s4 =	sld [smem:$0x0]  }
0xa6: {  	s5 =	sand.u32 $0xFFFFFFFE, s1  }
0xa7: {  	p0 =	sne.s32 s1, s5  }
0xa8: {  	s5 =	sshll.u32 @p0 s5, $0xE  }
0xa9: {  	s5 =	sadd.s32 @p0 $0x11B8D, s5;
	s6 =	sshll.u32 @p0 s4, $0x11  }
0xaa: {  	s5 =	sor.u32 @p0 s6, s5  }
0xab: {  	[sflag:s5] =	ssyncadd.remote.s32 @p0 $0x1;
	_ =	sdelay $0x1  }
0xac: {  	s5 =	simm.s32 @p0 $0x1B8D  }
0xad: {  	_ =	swait.eq @p0 [sflag:s5], $0x1  }
0xae: {  	[sflag:s5] =	ssyncadd.s32 @p0 $0xFFFFFFFF  }
0xaf: {  	s6 =	sshll.u32 @!p0 s1, $0xE  }
0xb0: {  	s6 =	sor.u32 @!p0 $0x4000, s6;
	s5 =	simm.s32 @!p0 $0x1B8D  }
0xb1: {  	s4 =	sshll.u32 @!p0 s4, $0x11;
	s6 =	sadd.s32 @!p0 $0x11B8D, s6;
	_ =	swait.eq @!p0 [sflag:s5], $0x1  }
0xb2: {  	s4 =	sor.u32 @!p0 s4, s6;
	[sflag:s5] =	ssyncadd.s32 @!p0 $0xFFFFFFFF  }
0xb3: {  	s25 =	simm.s32 $0x1B8E;
	s24 =	sld [smem:$0x3FFE];
	[sflag:s4] =	ssyncadd.remote.s32 @!p0 $0x1  }
0xb4: {  	s26 =	simm.s32 $execute0_lowered;
	[smem:$0x3FD2] =	sst s25  }
0xb5: {  	s5 =	sshll.u32 s26, $0x1;
	_ =	strace $0x8000004C;
	[dreg:$0x1] =	wrdreg $0xFFFFFFFF  }
0xb6: {  	s28 =	simm.s32 $_size_execute0_lowered;
	s3 =	sadd.s32 s3, s5;
	[dreg:$0x0] =	wrdreg $0x0  }
0xb7: {  	s5 =	sshll.u32 s28, $0x1;
	[dreg:$0x2] =	wrdreg s3  }
0xb8: {  	[dreg:$0x3] =	wrdreg s5  }
0xb9: {  	[dreg:$0x4] =	wrdreg $0xC0  }
0xba: {  	_ =	task [dreg:s22], $0x5FFFF  }
0xbb: {  	[dreg:$0x1] =	wrdreg $0xFFFFFFFF  }
0xbc: {  	[dreg:$0x0] =	wrdreg $0x60  }
0xbd: {  	[dreg:$0x2] =	wrdreg s24  }
0xbe: {  	[dreg:$0x3] =	wrdreg $0xB  }
0xbf: {  	_ =	task.clear_ibuf [dreg:s22], $0x4FFFF;
	_ =	strace $0x9000004C  }
0xc0: {  	s29 =	simm.s32 $0xB;
	_ =	strace $0x8000004E  }
0xc1: {  	_ =	swait.ge [sflag:s29], $0x1  }
0xc2: {  	[sflag:s29] =	ssyncadd.s32 $0xFFFFFFFF  }
0xc3: {  	_ =	strace $0x9000004E  }
0xc4: {  	_ =	sfence  }
0xc5: {  	s30 =	sld [smem:$0x0];
	_ =	sdelay $0x2  }
0xc6: {  	s31 =	sshll.u32 s1, $0xD;
	s1 =	sshrl.u32 s1, $0x2  }
0xc7: {  	s4 =	sand.u32 $0x4000, s31;
	s1 =	sadd.s32 s1, s30  }
0xc8: {  	s0 =	sor.u32 s4, s0;
	s1 =	sshll.u32 s1, $0x11  }
0xc9: {  	s0 =	sor.u32 s1, s0  }
0xca: {  	s0 =	sadd.s32 $0x8F2B, s0  }
0xcb: {  	[sflag:s0] =	ssyncadd.remote.s32 $0x1  }
0xcc: {  	_ =	sfence.sel $0xFFFF  }
0xcd: {  	[dreg:$0x0] =	wrdreg $0xFFFFFFFF;
	(pc) =	sbr.abs _section_cstart, $3  }
0xce: {  	[dreg:$0x1] =	wrdreg $0xFFFFFFFF  }
0xcf: {  	_ =	task.clear_ibuf [dreg:s22], $0x2FFFF;
	_ =	strace $0x9FFFFFFF  }
0xd0: {  	(tm) =	ssettm $0x7FFFFFFF  }
0xd1: {  	_ =	shalt  }
tec
execute0_lowered:
.L_overlay_start_1:
0x0: {  	(tag) =	ssettag $0x1  }
0x1: {  	s0 =	srdreg.scid  }
0x2: {  	s5 =	stileid.u32;
	s1 =	rddreg [dreg:$0x0];
	s2 =	simm.s32 $0x0  }
0x3: {  	s15 =	simm.s32 $0x880;
	s16 =	simm.s32 $0x1080;
	s18 =	simm.s32 $0x1880  }
0x4: {  	s19 =	simm.s32 $0x2080;
	s20 =	simm.s32 $0x2880;
	s21 =	simm.s32 $0x3080  }
0x5: {  	s22 =	simm.s32 $0x3880;
	s23 =	simm.s32 $0x4080;
	[smem:$0x7FF] =	sst s2  }
0x6: {  	s24 =	simm.s32 $0x4880;
	_ =	strace $0x8000004D;
	[dreg:$0x3] =	wrdreg s15  }
0x7: {  	s25 =	simm.s32 $0x5080;
	s26 =	simm.s32 $0x5880;
	[dreg:$0x4] =	wrdreg s16  }
0x8: {  	s8 =	simm.s32 $0x80;
	s9 =	simm.s32 $0x6080;
	[dreg:$0x5] =	wrdreg s18  }
0x9: {  	s10 =	simm.s32 $0x6880;
	s11 =	simm.s32 $0x7080;
	[dreg:$0x6] =	wrdreg s19  }
0xa: {  	s12 =	simm.s32 $0x7880;
	s13 =	simm.s32 $0x8080;
	[dreg:$0x7] =	wrdreg s20  }
0xb: {  	s28 =	simm.s32 $0xF080;
	s29 =	simm.s32 $0xF880;
	[dreg:$0x8] =	wrdreg s21  }
0xc: {  	s30 =	simm.s32 $0x1;
	s31 =	simm.s32 $0x0;
	[dreg:$0x9] =	wrdreg s22  }
0xd: {  	s0 =	sand.u32 $0x1, s0;
	s3 =	sshll.u32 s5, $0xB;
	[dreg:$0xa] =	wrdreg s23  }
0xe: {  	s5 =	sshll.u32 s5, $0x11;
	s4 =	sshll.u32 s0, $0xA;
	[dreg:$0xb] =	wrdreg s24  }
0xf: {  	s6 =	sadd.s32 s5, s1;
	s17 =	ssub.s32 $0x2, s0;
	[dreg:$0xc] =	wrdreg s25  }
0x10: {  	s0 =	sshll.u32 s0, $0x10;
	[dreg:$0xd] =	wrdreg s26;
	s15 =	simm.s32 $0x9080  }
0x11: {  	s16 =	simm.s32 $0x9880;
	s18 =	simm.s32 $0xA880;
	s19 =	simm.s32 $0xB080  }
0x12: {  	s20 =	simm.s32 $0xB880;
	s21 =	simm.s32 $0xC080;
	s22 =	simm.s32 $0xC880  }
0x13: {  	s23 =	simm.s32 $0xD080;
	s24 =	simm.s32 $0xD880;
	s25 =	simm.s32 $0xE080  }
0x14: {  	s26 =	simm.s32 $0xE880;
	s3 =	sor.u32 s4, s3;
	s7 =	sshrl.u32 s17, $0x1  }
0x15: {  	s0 =	sadd.s32 s0, s6;
	s3 =	sshrl.u32 s3, $0x3;
	s5 =	ssub.s32 s17, s7  }
0x16: {  	s0 =	sadd.s32 $0x48CE00, s0;
	s7 =	simm.s32 $0x2;
	s17 =	simm.s32 $0xA080  }
0x17: {  	v2 =	vlaneseq.u32;
	s14 =	sadd.s32 s3, s1;
	s5 =	smax.u32 s5, $0x1;
	[dreg:$0xf] =	wrdreg s0  }
0x18: {  	vm0 =	vmmov $0xffff;
	v1 =	vshrl.u32 v2, $0x3;
	s3 =	sadd.s32 $0x4AC00, s1;
	s4 =	sadd.s32 $0x48BE00, s14;
	[dreg:$0xe] =	wrdreg s5  }
0x19: {  	v0 =	vand.u32 $0x7, v2;
	v2 =	vor.u32 $0x8, v2;
	v1 =	vmul.u32 $0x8, v1;
	s14 =	simm.s32 $0x8880;
	[dreg:$0x2] =	wrdreg s4;
	s4 =	sadd.s32 $0x4AD00, s1  }
.LBB2_1:
0x1a: {  	s6 =	rddreg [dreg:$0xf];
	s0 =	simm.s32 $0x0  }
.LBB2_2:
0x1b: {  	s5 =	rddreg [dreg:$0x2]  }
0x1c: {  	s5 =	sadd.s32 s0, s5  }
0x1d: {  	[tilespmem:s2], [sflag:$0x2] =	stream.linear.gather [hbm4b:s5+s2], $0x80, $0x38;
	[tilespmem:$0x10080] =	vst v63  }
0x1e: {  	_ =	swait.ge [sflag:s7], $0x80  }
0x1f: {  	[sflag:s7] =	ssyncset.done $0x0  }
0x20: {  	[sflag:s7] =	ssyncadd.s32 $0xFFFFFF80  }
0x21: {  	v3 =	vld [tilespmem:$0x0];
	_ =	sdelay $0x4  }
0x22: {  	v4 =	vshll.u32 v3, $0x2  }
0x23: {  	v3 =	vand.u32 $0x7, v3;
	v4 =	vand.u32 $0xFFFFFFE0, v4  }
0x24: {  	v3 =	vor.u32 v3, v4  }
0x25: {  	v4 =	vperm.xlane v3, v0;
	_ =	sdelay $0x1  }
0x26: {  	v4 =	vadd.s32 v1, v4;
	_ =	sdelay $0x1  }
0x27: {  	v3 =	vperm.xlane v3, v2;
	_ =	sdelay $0x1  }
0x28: {  	v3 =	vadd.s32 v1, v3  }
0x29: {  	[tilespmem:s8], [sflag:$0x1] =	stream.indirect_vreg.gather [hbm4b:s3+s2], $0x80, v4, vm0, $0xb8;
	[tilespmem:$0x10080] =	vst v63  }
0x2a: {  	s5 =	rddreg [dreg:$0x3]  }
0x2b: {  	[tilespmem:s5], [sflag:$0x1] =	stream.indirect_vreg.gather [hbm4b:s4+s2], $0x80, v4, vm0, $0xb8;
	[tilespmem:$0x10080] =	vst v63  }
0x2c: {  	s1 =	rddreg [dreg:$0x4]  }
0x2d: {  	[tilespmem:s1], [sflag:$0x1] =	stream.indirect_vreg.gather [hbm4b:s3+s2], $0x80, v3, vm0, $0xb8;
	[tilespmem:$0x10080] =	vst v63  }
0x2e: {  	s5 =	rddreg [dreg:$0x5]  }
0x2f: {  	[tilespmem:s5], [sflag:$0x1] =	stream.indirect_vreg.gather [hbm4b:s4+s2], $0x80, v3, vm0, $0xb8;
	[tilespmem:$0x10080] =	vst v63  }
0x30: {  	v3 =	vld [tilespmem:$0x10];
	_ =	sdelay $0x4  }
0x31: {  	v57 =	vshll.u32 v3, $0x2  }
0x32: {  	v3 =	vand.u32 $0x7, v3;
	v4 =	vand.u32 $0xFFFFFFE0, v57  }
0x33: {  	v3 =	vor.u32 v3, v4  }
0x34: {  	v4 =	vperm.xlane v3, v0;
	_ =	sdelay $0x1  }
0x35: {  	v4 =	vadd.s32 v1, v4;
	_ =	sdelay $0x1  }
0x36: {  	v3 =	vperm.xlane v3, v2;
	_ =	sdelay $0x1  }
0x37: {  	s1 =	rddreg [dreg:$0x6];
	v3 =	vadd.s32 v1, v3  }
0x38: {  	[tilespmem:s1], [sflag:$0x1] =	stream.indirect_vreg.gather [hbm4b:s3+s2], $0x80, v4, vm0, $0xb8;
	[tilespmem:$0x10080] =	vst v63  }
0x39: {  	s5 =	rddreg [dreg:$0x7]  }
0x3a: {  	[tilespmem:s5], [sflag:$0x1] =	stream.indirect_vreg.gather [hbm4b:s4+s2], $0x80, v4, vm0, $0xb8;
	[tilespmem:$0x10080] =	vst v63  }
0x3b: {  	s1 =	rddreg [dreg:$0x8]  }
0x3c: {  	[tilespmem:s1], [sflag:$0x1] =	stream.indirect_vreg.gather [hbm4b:s3+s2], $0x80, v3, vm0, $0xb8;
	[tilespmem:$0x10080] =	vst v63  }
0x3d: {  	s5 =	rddreg [dreg:$0x9]  }
0x3e: {  	[tilespmem:s5], [sflag:$0x1] =	stream.indirect_vreg.gather [hbm4b:s4+s2], $0x80, v3, vm0, $0xb8;
	[tilespmem:$0x10080] =	vst v63  }
0x3f: {  	v3 =	vld [tilespmem:$0x20];
	_ =	sdelay $0x4  }
0x40: {  	v58 =	vshll.u32 v3, $0x2  }
0x41: {  	v3 =	vand.u32 $0x7, v3;
	v4 =	vand.u32 $0xFFFFFFE0, v58  }
0x42: {  	v3 =	vor.u32 v3, v4  }
0x43: {  	v4 =	vperm.xlane v3, v0;
	_ =	sdelay $0x1  }
0x44: {  	v4 =	vadd.s32 v1, v4;
	_ =	sdelay $0x1  }
0x45: {  	v3 =	vperm.xlane v3, v2;
	_ =	sdelay $0x1  }
0x46: {  	s1 =	rddreg [dreg:$0xa];
	v3 =	vadd.s32 v1, v3  }
0x47: {  	[tilespmem:s1], [sflag:$0x1] =	stream.indirect_vreg.gather [hbm4b:s3+s2], $0x80, v4, vm0, $0xb8;
	[tilespmem:$0x10080] =	vst v63  }
0x48: {  	s5 =	rddreg [dreg:$0xb]  }
0x49: {  	[tilespmem:s5], [sflag:$0x1] =	stream.indirect_vreg.gather [hbm4b:s4+s2], $0x80, v4, vm0, $0xb8;
	[tilespmem:$0x10080] =	vst v63  }
0x4a: {  	s1 =	rddreg [dreg:$0xc]  }
0x4b: {  	[tilespmem:s1], [sflag:$0x1] =	stream.indirect_vreg.gather [hbm4b:s3+s2], $0x80, v3, vm0, $0xb8;
	[tilespmem:$0x10080] =	vst v63  }
0x4c: {  	s5 =	rddreg [dreg:$0xd]  }
0x4d: {  	[tilespmem:s5], [sflag:$0x1] =	stream.indirect_vreg.gather [hbm4b:s4+s2], $0x80, v3, vm0, $0xb8;
	[tilespmem:$0x10080] =	vst v63  }
0x4e: {  	v3 =	vld [tilespmem:$0x30];
	_ =	sdelay $0x4  }
0x4f: {  	v59 =	vshll.u32 v3, $0x2  }
0x50: {  	v3 =	vand.u32 $0x7, v3;
	v4 =	vand.u32 $0xFFFFFFE0, v59  }
0x51: {  	v3 =	vor.u32 v3, v4  }
0x52: {  	v4 =	vperm.xlane v3, v0;
	_ =	sdelay $0x1  }
0x53: {  	v4 =	vadd.s32 v1, v4;
	_ =	sdelay $0x1  }
0x54: {  	v3 =	vperm.xlane v3, v2;
	_ =	sdelay $0x1  }
0x55: {  	v3 =	vadd.s32 v1, v3  }
0x56: {  	[tilespmem:s9], [sflag:$0x1] =	stream.indirect_vreg.gather [hbm4b:s3+s2], $0x80, v4, vm0, $0xb8;
	[tilespmem:$0x10080] =	vst v63  }
0x57: {  	_ = 	snop  }
0x58: {  	[tilespmem:s10], [sflag:$0x1] =	stream.indirect_vreg.gather [hbm4b:s4+s2], $0x80, v4, vm0, $0xb8;
	[tilespmem:$0x10080] =	vst v63  }
0x59: {  	_ = 	snop  }
0x5a: {  	[tilespmem:s11], [sflag:$0x1] =	stream.indirect_vreg.gather [hbm4b:s3+s2], $0x80, v3, vm0, $0xb8;
	[tilespmem:$0x10080] =	vst v63  }
0x5b: {  	_ = 	snop  }
0x5c: {  	[tilespmem:s12], [sflag:$0x1] =	stream.indirect_vreg.gather [hbm4b:s4+s2], $0x80, v3, vm0, $0xb8;
	[tilespmem:$0x10080] =	vst v63  }
0x5d: {  	v3 =	vld [tilespmem:$0x40];
	_ =	sdelay $0x4  }
0x5e: {  	v60 =	vshll.u32 v3, $0x2  }
0x5f: {  	v3 =	vand.u32 $0x7, v3;
	v4 =	vand.u32 $0xFFFFFFE0, v60  }
0x60: {  	v3 =	vor.u32 v3, v4  }
0x61: {  	v4 =	vperm.xlane v3, v0;
	_ =	sdelay $0x1  }
0x62: {  	v4 =	vadd.s32 v1, v4;
	_ =	sdelay $0x1  }
0x63: {  	v3 =	vperm.xlane v3, v2;
	_ =	sdelay $0x1  }
0x64: {  	v3 =	vadd.s32 v1, v3  }
0x65: {  	[tilespmem:s13], [sflag:$0x1] =	stream.indirect_vreg.gather [hbm4b:s3+s2], $0x80, v4, vm0, $0xb8;
	[tilespmem:$0x10080] =	vst v63  }
0x66: {  	_ = 	snop  }
0x67: {  	[tilespmem:s14], [sflag:$0x1] =	stream.indirect_vreg.gather [hbm4b:s4+s2], $0x80, v4, vm0, $0xb8;
	[tilespmem:$0x10080] =	vst v63  }
0x68: {  	_ = 	snop  }
0x69: {  	[tilespmem:s15], [sflag:$0x1] =	stream.indirect_vreg.gather [hbm4b:s3+s2], $0x80, v3, vm0, $0xb8;
	[tilespmem:$0x10080] =	vst v63  }
0x6a: {  	_ = 	snop  }
0x6b: {  	[tilespmem:s16], [sflag:$0x1] =	stream.indirect_vreg.gather [hbm4b:s4+s2], $0x80, v3, vm0, $0xb8;
	[tilespmem:$0x10080] =	vst v63  }
0x6c: {  	v3 =	vld [tilespmem:$0x50];
	_ =	sdelay $0x4  }
0x6d: {  	v61 =	vshll.u32 v3, $0x2  }
0x6e: {  	v3 =	vand.u32 $0x7, v3;
	v4 =	vand.u32 $0xFFFFFFE0, v61  }
0x6f: {  	v3 =	vor.u32 v3, v4  }
0x70: {  	v4 =	vperm.xlane v3, v0;
	_ =	sdelay $0x1  }
0x71: {  	v4 =	vadd.s32 v1, v4;
	_ =	sdelay $0x1  }
0x72: {  	v3 =	vperm.xlane v3, v2;
	_ =	sdelay $0x1  }
0x73: {  	v3 =	vadd.s32 v1, v3  }
0x74: {  	[tilespmem:s17], [sflag:$0x1] =	stream.indirect_vreg.gather [hbm4b:s3+s2], $0x80, v4, vm0, $0xb8;
	[tilespmem:$0x10080] =	vst v63  }
0x75: {  	_ = 	snop  }
0x76: {  	[tilespmem:s18], [sflag:$0x1] =	stream.indirect_vreg.gather [hbm4b:s4+s2], $0x80, v4, vm0, $0xb8;
	[tilespmem:$0x10080] =	vst v63  }
0x77: {  	_ = 	snop  }
0x78: {  	[tilespmem:s19], [sflag:$0x1] =	stream.indirect_vreg.gather [hbm4b:s3+s2], $0x80, v3, vm0, $0xb8;
	[tilespmem:$0x10080] =	vst v63  }
0x79: {  	_ = 	snop  }
0x7a: {  	[tilespmem:s20], [sflag:$0x1] =	stream.indirect_vreg.gather [hbm4b:s4+s2], $0x80, v3, vm0, $0xb8;
	[tilespmem:$0x10080] =	vst v63  }
0x7b: {  	v3 =	vld [tilespmem:$0x60];
	_ =	sdelay $0x4  }
0x7c: {  	v62 =	vshll.u32 v3, $0x2  }
0x7d: {  	v3 =	vand.u32 $0x7, v3;
	v4 =	vand.u32 $0xFFFFFFE0, v62  }
0x7e: {  	v3 =	vor.u32 v3, v4  }
0x7f: {  	v4 =	vperm.xlane v3, v0;
	_ =	sdelay $0x1  }
0x80: {  	v4 =	vadd.s32 v1, v4;
	_ =	sdelay $0x1  }
0x81: {  	v3 =	vperm.xlane v3, v2;
	_ =	sdelay $0x1  }
0x82: {  	v3 =	vadd.s32 v1, v3  }
0x83: {  	[tilespmem:s21], [sflag:$0x1] =	stream.indirect_vreg.gather [hbm4b:s3+s2], $0x80, v4, vm0, $0xb8;
	[tilespmem:$0x10080] =	vst v63  }
0x84: {  	_ = 	snop  }
0x85: {  	[tilespmem:s22], [sflag:$0x1] =	stream.indirect_vreg.gather [hbm4b:s4+s2], $0x80, v4, vm0, $0xb8;
	[tilespmem:$0x10080] =	vst v63  }
0x86: {  	_ = 	snop  }
0x87: {  	[tilespmem:s23], [sflag:$0x1] =	stream.indirect_vreg.gather [hbm4b:s3+s2], $0x80, v3, vm0, $0xb8;
	[tilespmem:$0x10080] =	vst v63  }
0x88: {  	_ = 	snop  }
0x89: {  	[tilespmem:s24], [sflag:$0x1] =	stream.indirect_vreg.gather [hbm4b:s4+s2], $0x80, v3, vm0, $0xb8;
	[tilespmem:$0x10080] =	vst v63  }
0x8a: {  	v3 =	vld [tilespmem:$0x70];
	_ =	sdelay $0x4  }
0x8b: {  	v63 =	vshll.u32 v3, $0x2  }
0x8c: {  	v3 =	vand.u32 $0x7, v3;
	v4 =	vand.u32 $0xFFFFFFE0, v63  }
0x8d: {  	v3 =	vor.u32 v3, v4  }
0x8e: {  	v4 =	vperm.xlane v3, v0;
	_ =	sdelay $0x1  }
0x8f: {  	v4 =	vadd.s32 v1, v4;
	_ =	sdelay $0x1  }
0x90: {  	v3 =	vperm.xlane v3, v2;
	_ =	sdelay $0x1  }
0x91: {  	v3 =	vadd.s32 v1, v3  }
0x92: {  	[tilespmem:s25], [sflag:$0x1] =	stream.indirect_vreg.gather [hbm4b:s3+s2], $0x80, v4, vm0, $0xb8;
	[tilespmem:$0x10080] =	vst v63  }
0x93: {  	_ = 	snop  }
0x94: {  	[tilespmem:s26], [sflag:$0x1] =	stream.indirect_vreg.gather [hbm4b:s4+s2], $0x80, v4, vm0, $0xb8;
	[tilespmem:$0x10080] =	vst v63  }
0x95: {  	_ = 	snop  }
0x96: {  	[tilespmem:s28], [sflag:$0x1] =	stream.indirect_vreg.gather [hbm4b:s3+s2], $0x80, v3, vm0, $0xb8;
	[tilespmem:$0x10080] =	vst v63  }
0x97: {  	_ = 	snop  }
0x98: {  	[tilespmem:s29], [sflag:$0x1] =	stream.indirect_vreg.gather [hbm4b:s4+s2], $0x80, v3, vm0, $0xb8;
	[tilespmem:$0x10080] =	vst v63  }
0x99: {  	_ =	swait.ge [sflag:s30], $0x10000  }
0x9a: {  	p0 =	sne.s32 s0, $0x70;
	[sflag:s30] =	ssyncset.done $0x0  }
.Ltmp0:
0x9b: {  	[sflag:s30] =	ssyncadd.s32 $0xFFFF0000;
	(pc) =	sbr.rel @p0 .LBB2_2-.Ltmp0, $4  }
0x9c: {  	[hbm4b:s6+s2] =	stream.linear.scatter [tilespmem:s8], [sflag:$0x2], $0x10000, $0x38;
	[tilespmem:$0x10080] =	vst v63  }
0x9d: {  	_ =	swait.ge [sflag:s7], $0x10000  }
0x9e: {  	[sflag:s7] =	ssyncset.done $0x0  }
0x9f: {  	s0 =	sadd.s32 $0x10, s0;
	s6 =	sadd.s32 $0x2000, s6;
	[sflag:s7] =	ssyncadd.s32 $0xFFFF0000  }
0xa0: {  	s31 =	sadd.s32 $0x1, s31;
	s0 =	rddreg [dreg:$0xe]  }
0xa1: {  	p0 =	sne.s32 s31, s0  }
.Ltmp1:
0xa2: {  	_ = 	snop;
	(pc) =	sbr.rel @p0 .LBB2_1-.Ltmp1, $1  }
0xa3: {  	_ =	sdelay $0x3  }
0xa4: {  	_ =	sfence.sel $0x180000  }
0xa5: {  	[bflag:$0x0] =	sbarrier.arrive $0xFFFF  }
0xa6: {  	_ =	strace $0x9000004D  }
0xa7: {  	s0 =	stileid.u32;
	[bflag:$0x2] =	sbarrier.arrive $0xFFFF  }
0xa8: {  	p0 =	sne.s32 s0, $0x0;
	s0 =	rddreg [dreg:$0x1]  }
0xa9: {  	s0 =	sadd.s32 @!p0 $0x100000, s0  }
0xaa: {  	[sflag:s0] =	ssyncadd.tile.s32 @!p0 $0x1;
	_ =	shalt  }
.Lfunc_end2:
_tile_overlayer_lowered:
.L_overlay_start_2:
0xab: {  	(tag) =	ssettag $0x2  }
0xac: {  	s0 =	rddreg [dreg:$0x0];
	s2 =	stileid.u32  }
0xad: {  	s1 =	rddreg [dreg:$0x1];
	p0 =	sne.s32 s2, $0x0  }
0xae: {  	s3 =	rddreg [dreg:$0x2];
	[bflag:$0x3] =	sbarrier.arrive $0xFFFF;
	s2 =	simm.s32 @!p0 $0x1C02  }
0xaf: {  	[timem:s3], [sflag:s2] =	dma.local @!p0 [hbm:s0], s1  }
0xb0: {  	s0 =	simm.s32 @!p0 $0x2  }
0xb1: {  	_ =	swait.ge @!p0 [sflag:s0], s1  }
0xb2: {  	s1 =	ssub.s32 @!p0 $0x0, s1;
	[sflag:s0] =	ssyncset.done @!p0 $0x0  }
0xb3: {  	[sflag:s0] =	ssyncadd.s32 @!p0 s1  }
0xb4: {  	[bflag:$0x3] =	sbarrier.arrive $0xFFFF  }
0xb5: {  	_ =	shalt  }

// kernel: kernel.27.cloned.1.call-start
scs
__scs_entry_jumppad:
0x0: {  	(pc) =	sbr.rel $0x88, $3  }
0x1: {  	(tag) =	ssettag $0x0;
	lr =	simm.s32 $0x1  }
0x2: {  	[smem:$0x3F92] =	sst lr;
	_ =	strace $0xD0000000  }
0x3: {  	_ = 	snop  }
0x4: {  	_ = 	snop  }
0x5: {  	_ = 	snop  }
0x6: {  	_ = 	snop  }
0x7: {  	_ = 	snop  }
__scs_overlays_trampoline_lowered:
0x8: {  	[smem:$0x3FA1] =	sst s0  }
0x9: {  	[smem:$0x3FA2] =	sst s1  }
0xa: {  	[smem:$0x3FA3] =	sst s2  }
0xb: {  	[smem:$0x3FA4] =	sst s3  }
0xc: {  	[smem:$0x3FA5] =	sst s4  }
0xd: {  	[smem:$0x3FA6] =	sst s5  }
0xe: {  	[smem:$0x3FA7] =	sst s6  }
0xf: {  	[smem:$0x3FA8] =	sst s7  }
0x10: {  	[smem:$0x3FA9] =	sst s8  }
0x11: {  	[smem:$0x3FAA] =	sst s9;
	s0 =	simm.s32 @!p0 $0x0  }
0x12: {  	s1 =	sld [smem:$0x3F90];
	s0 =	simm.s32 @p0 $0x1  }
0x13: {  	[smem:$0x3FAB] =	sst s0;
	s0 =	simm.s32 @!p1 $0x0  }
0x14: {  	s2 =	sld [smem:$0x3F8F];
	s0 =	simm.s32 @p1 $0x1  }
0x15: {  	[smem:$0x3FAC] =	sst s0;
	s0 =	simm.s32 @!p2 $0x0  }
0x16: {  	s3 =	sld [smem:$0x3FDB];
	s0 =	simm.s32 @p2 $0x1  }
0x17: {  	s4 =	simm.s32 $0x1BF5;
	[smem:$0x3FAE] =	sst s0  }
0x18: {  	s0 =	sld [smem:$0x3F91];
	_ =	swait.ge [sflag:s4], $0x0  }
0x19: {  	s7 =	sld [smem:$0x3F92]  }
0x1a: {  	s8 =	sadd.s32 $0xFFFFE003, lr  }
0x1b: {  	s9 =	sadd.s32 $0xFFFFFEF7, lr;
	s5 =	simm.s32 $0xFFFFFFFF;
	p2 =	slt.u32 s8, $0xFFFFF086  }
0x1c: {  	p1 =	slt.u32 s9, $0xF7A;
	s5 =	simm.s32 @!p2 $0x0  }
0x1d: {  	s5 =	simm.s32 @p1 $0x1;
	p0 =	seq.s32 s7, s2  }
0x1e: {  	s7 =	smul.u32 @!p0 $0xF7A, s2;
	p2 =	seq.s32 @!p0 s5, $0x0  }
0x1f: {  	s9 =	smul.u32 $0xF7A, s1;
	s8 =	simm.s32 @!p0 $0x1BF5;
	p2 =	por !p2, p0  }
0x20: {  	[sflag:s8] =	ssyncset.s32 @!p0 $0xFFFFF086;
	s6 =	sadd.s32 @!p0 s3, s7;
	s7 =	simm.s32 @!p0 $0x108  }
0x21: {  	s3 =	sadd.s32 s3, s9;
	s6 =	sadd.s32 @!p0 $0x88, s6;
	s7 =	simm.s32 @p2 $0x1082  }
0x22: {  	[simem:s7], [sflag:s8] =	dma.local @!p0 [hbm:s6], $0xF7A  }
0x23: {  	s9 =	sor.u32 $0xD0000000, s2;
	s6 =	simm.s32 $0x108;
	_ =	swait.ge @!p0 [sflag:s8], $0x0  }
0x24: {  	s3 =	sadd.s32 $0x88, s3;
	s6 =	simm.s32 @!p1 $0x1082;
	[sflag:s4] =	ssyncset.s32 $0xFFFFF086  }
0x25: {  	[simem:s6], [sflag:s4] =	dma.local [hbm:s3], $0xF7A  }
0x26: {  	[smem:$0x3F92] =	sst s1;
	(tag) =	ssettag s2;
	_ =	strace s9  }
0x27: {  	s1 =	sld [smem:$0x3FA2]  }
0x28: {  	s2 =	sld [smem:$0x3FA3]  }
0x29: {  	s4 =	sld [smem:$0x3FA5]  }
0x2a: {  	p0 =	seq.s32 s5, $0x0;
	s5 =	sld [smem:$0x3FA6]  }
0x2b: {  	s6 =	sld [smem:$0x3FA7]  }
0x2c: {  	s7 =	sld [smem:$0x3FA8]  }
0x2d: {  	s3 =	simm.s32 $0x108;
	s8 =	sld [smem:$0x3FA9]  }
0x2e: {  	s3 =	simm.s32 @!p0 $0x1082;
	s9 =	sld [smem:$0x3FAA]  }
0x2f: {  	lr =	sadd.s32 s0, s3;
	s0 =	sld [smem:$0x3FA1]  }
0x30: {  	s3 =	sld [smem:$0x3FA4]  }
0x31: {  	[smem:$0x3FAD] =	sst s10  }
0x32: {  	s10 =	sld [smem:$0x3FAB];
	_ =	sdelay $0x3  }
0x33: {  	p0 =	seq.s32 s10, $0x1;
	s10 =	sld [smem:$0x3FAD];
	_ =	sdelay $0x3  }
0x34: {  	[smem:$0x3FAD] =	sst s10  }
0x35: {  	s10 =	sld [smem:$0x3FAC];
	_ =	sdelay $0x3  }
0x36: {  	p1 =	seq.s32 s10, $0x1;
	s10 =	sld [smem:$0x3FAD];
	_ =	sdelay $0x3  }
0x37: {  	[smem:$0x3FAD] =	sst s10  }
0x38: {  	s10 =	sld [smem:$0x3FAE]  }
0x39: {  	_ = 	snop;
	(pc) =	sbr.ind lr, $3  }
0x3a: {  	_ = 	snop  }
0x3b: {  	_ = 	snop  }
0x3c: {  	p2 =	seq.s32 s10, $0x1;
	s10 =	sld [smem:$0x3FAD]  }
0x3d: {  	_ =	shalt  }
0x3e: {  	_ =	shalt  }
0x3f: {  	_ =	shalt  }
0x40: {  	_ =	shalt  }
0x41: {  	_ =	shalt  }
0x42: {  	_ =	shalt  }
0x43: {  	_ =	shalt  }
0x44: {  	_ =	shalt  }
0x45: {  	_ =	shalt  }
0x46: {  	_ =	shalt  }
0x47: {  	_ =	shalt  }
0x48: {  	_ =	shalt  }
0x49: {  	_ =	shalt  }
0x4a: {  	_ =	shalt  }
0x4b: {  	_ =	shalt  }
0x4c: {  	_ =	shalt  }
0x4d: {  	_ =	shalt  }
0x4e: {  	_ =	shalt  }
0x4f: {  	_ =	shalt  }
0x50: {  	_ =	shalt  }
0x51: {  	_ =	shalt  }
0x52: {  	_ =	shalt  }
0x53: {  	_ =	shalt  }
0x54: {  	_ =	shalt  }
0x55: {  	_ =	shalt  }
0x56: {  	_ =	shalt  }
0x57: {  	_ =	shalt  }
0x58: {  	_ =	shalt  }
0x59: {  	_ =	shalt  }
0x5a: {  	_ =	shalt  }
0x5b: {  	_ =	shalt  }
0x5c: {  	_ =	shalt  }
0x5d: {  	_ =	shalt  }
0x5e: {  	_ =	shalt  }
0x5f: {  	_ =	shalt  }
0x60: {  	_ =	shalt  }
0x61: {  	_ =	shalt  }
0x62: {  	_ =	shalt  }
0x63: {  	_ =	shalt  }
0x64: {  	_ =	shalt  }
0x65: {  	_ =	shalt  }
0x66: {  	_ =	shalt  }
0x67: {  	_ =	shalt  }
0x68: {  	_ =	shalt  }
0x69: {  	_ =	shalt  }
0x6a: {  	_ =	shalt  }
0x6b: {  	_ =	shalt  }
0x6c: {  	_ =	shalt  }
0x6d: {  	_ =	shalt  }
0x6e: {  	_ =	shalt  }
0x6f: {  	_ =	shalt  }
0x70: {  	_ =	shalt  }
0x71: {  	_ =	shalt  }
0x72: {  	_ =	shalt  }
0x73: {  	_ =	shalt  }
0x74: {  	_ =	shalt  }
0x75: {  	_ =	shalt  }
0x76: {  	_ =	shalt  }
0x77: {  	_ =	shalt  }
0x78: {  	_ =	shalt  }
0x79: {  	_ =	shalt  }
0x7a: {  	_ =	shalt  }
0x7b: {  	_ =	shalt  }
0x7c: {  	_ =	shalt  }
0x7d: {  	_ =	shalt  }
0x7e: {  	_ =	shalt  }
0x7f: {  	_ =	shalt  }
0x80: {  	_ =	shalt  }
0x81: {  	_ =	shalt  }
0x82: {  	_ =	shalt  }
0x83: {  	_ =	shalt  }
0x84: {  	_ =	shalt  }
0x85: {  	_ =	shalt  }
0x86: {  	_ =	shalt  }
0x87: {  	_ =	shalt  }
.Lfunc_end0:
.L_simem_size_0:
called_computation.3_lowered:
.L_overlay_start_0:
0x88: {  	s2 =	sld [smem:$0x3FD9]  }
0x89: {  	s3 =	sld [smem:$0x3FFE];
	_ =	sdelay $0x1  }
0x8a: {  	s1 =	srdreg.scid  }
0x8b: {  	s0 =	sand.u32 $0x1, s1  }
0x8c: {  	s17 =	sshll.u32 s0, $0xA;
	s2 =	sadd.s32 s3, s2  }
0x8d: {  	s2 =	sadd.s32 s2, s17  }
0x8e: {  	[smem:$0x3FB9] =	sst s2  }
0x8f: {  	_ = 	snop  }
0x90: {  	(tm) =	ssettm $0x1  }
0x91: {  	s18 =	sld [smem:$0x3FFB];
	_ =	sdelay $0x3  }
0x92: {  	_ =	strace s18  }
0x93: {  	s2 =	sld [smem:$0x3FFC];
	_ =	sdelay $0x3  }
0x94: {  	_ =	strace s2  }
0x95: {  	s2 =	sld [smem:$0x3FFD];
	_ =	sdelay $0x3  }
0x96: {  	_ =	strace s2  }
0x97: {  	_ =	strace $0x8FFFFFFF  }
0x98: {  	s19 =	sld [smem:$0x3FDB];
	_ =	sdelay $0x1  }
0x99: {  	s20 =	simm.s32 $_scs_section_size  }
0x9a: {  	s4 =	simm.s32 $_size__tile_overlayer_lowered;
	s5 =	simm.s32 $_tile_overlayer_lowered  }
0x9b: {  	s6 =	simm.s32 $0x1BFF;
	s21 =	sshll.u32 s5, $0x1;
	s3 =	sadd.s32 s20, s19  }
0x9c: {  	s22 =	simm.s32 $0x0;
	s4 =	sshll.u32 s4, $0x1;
	s5 =	sadd.s32 s21, s3  }
0x9d: {  	[timem:s22], [sflag:s6] =	dma.local [hbm:s5], s4  }
0x9e: {  	_ =	swait.ge [sflag:s6], s4  }
0x9f: {  	s4 =	ssub.s32 $0x0, s4;
	[sflag:s6] =	ssyncset.done $0x0  }
0xa0: {  	[sflag:s6] =	ssyncadd.s32 s4;
	_ =	sdelay $0x1  }
0xa1: {  	s23 =	simm.s32 $0x1B8B  }
0xa2: {  	_ =	swait.ge [sflag:s23], $0x1  }
0xa3: {  	[sflag:s23] =	ssyncset.done $0x0  }
0xa4: {  	[sflag:s23] =	ssyncadd.s32 $0xFFFFFFFF  }
0xa5: {  	s4 =	sld [smem:$0x0]  }
0xa6: {  	s5 =	sand.u32 $0xFFFFFFFE, s1  }
0xa7: {  	p0 =	sne.s32 s1, s5  }
0xa8: {  	s5 =	sshll.u32 @p0 s5, $0xE  }
0xa9: {  	s5 =	sadd.s32 @p0 $0x11B8D, s5;
	s6 =	sshll.u32 @p0 s4, $0x11  }
0xaa: {  	s5 =	sor.u32 @p0 s6, s5  }
0xab: {  	[sflag:s5] =	ssyncadd.remote.s32 @p0 $0x1;
	_ =	sdelay $0x1  }
0xac: {  	s5 =	simm.s32 @p0 $0x1B8D  }
0xad: {  	_ =	swait.eq @p0 [sflag:s5], $0x1  }
0xae: {  	[sflag:s5] =	ssyncadd.s32 @p0 $0xFFFFFFFF  }
0xaf: {  	s6 =	sshll.u32 @!p0 s1, $0xE  }
0xb0: {  	s6 =	sor.u32 @!p0 $0x4000, s6;
	s5 =	simm.s32 @!p0 $0x1B8D  }
0xb1: {  	s4 =	sshll.u32 @!p0 s4, $0x11;
	s6 =	sadd.s32 @!p0 $0x11B8D, s6;
	_ =	swait.eq @!p0 [sflag:s5], $0x1  }
0xb2: {  	s4 =	sor.u32 @!p0 s4, s6;
	[sflag:s5] =	ssyncadd.s32 @!p0 $0xFFFFFFFF  }
0xb3: {  	s25 =	simm.s32 $0x1B8E;
	s24 =	sld [smem:$0x3FFE];
	[sflag:s4] =	ssyncadd.remote.s32 @!p0 $0x1  }
0xb4: {  	s26 =	simm.s32 $execute0_lowered;
	[smem:$0x3FD2] =	sst s25  }
0xb5: {  	s5 =	sshll.u32 s26, $0x1;
	_ =	strace $0x8000004F;
	[dreg:$0x1] =	wrdreg $0xFFFFFFFF  }
0xb6: {  	s28 =	simm.s32 $_size_execute0_lowered;
	s3 =	sadd.s32 s3, s5;
	[dreg:$0x0] =	wrdreg $0x0  }
0xb7: {  	s5 =	sshll.u32 s28, $0x1;
	[dreg:$0x2] =	wrdreg s3  }
0xb8: {  	[dreg:$0x3] =	wrdreg s5  }
0xb9: {  	[dreg:$0x4] =	wrdreg $0xC0  }
0xba: {  	_ =	task [dreg:s22], $0x5FFFF  }
0xbb: {  	[dreg:$0x1] =	wrdreg $0xFFFFFFFF  }
0xbc: {  	[dreg:$0x0] =	wrdreg $0x60  }
0xbd: {  	[dreg:$0x2] =	wrdreg s24  }
0xbe: {  	[dreg:$0x3] =	wrdreg $0xC  }
0xbf: {  	_ =	task.clear_ibuf [dreg:s22], $0x4FFFF;
	_ =	strace $0x9000004F  }
0xc0: {  	s29 =	simm.s32 $0xC;
	_ =	strace $0x80000051  }
0xc1: {  	_ =	swait.ge [sflag:s29], $0x1  }
0xc2: {  	[sflag:s29] =	ssyncadd.s32 $0xFFFFFFFF  }
0xc3: {  	_ =	strace $0x90000051  }
0xc4: {  	_ =	sfence  }
0xc5: {  	s30 =	sld [smem:$0x0];
	_ =	sdelay $0x2  }
0xc6: {  	s31 =	sshll.u32 s1, $0xD;
	s1 =	sshrl.u32 s1, $0x2  }
0xc7: {  	s4 =	sand.u32 $0x4000, s31;
	s1 =	sadd.s32 s1, s30  }
0xc8: {  	s0 =	sor.u32 s4, s0;
	s1 =	sshll.u32 s1, $0x11  }
0xc9: {  	s0 =	sor.u32 s1, s0  }
0xca: {  	s0 =	sadd.s32 $0x8F2B, s0  }
0xcb: {  	[sflag:s0] =	ssyncadd.remote.s32 $0x1  }
0xcc: {  	_ =	sfence.sel $0xFFFF  }
0xcd: {  	[dreg:$0x0] =	wrdreg $0xFFFFFFFF;
	(pc) =	sbr.abs _section_cstart, $3  }
0xce: {  	[dreg:$0x1] =	wrdreg $0xFFFFFFFF  }
0xcf: {  	_ =	task.clear_ibuf [dreg:s22], $0x2FFFF;
	_ =	strace $0x9FFFFFFF  }
0xd0: {  	(tm) =	ssettm $0x7FFFFFFF  }
0xd1: {  	_ =	shalt  }
tec
execute0_lowered:
.L_overlay_start_1:
0x0: {  	(tag) =	ssettag $0x1  }
0x1: {  	s0 =	srdreg.scid  }
0x2: {  	s5 =	stileid.u32;
	s4 =	rddreg [dreg:$0x0];
	s15 =	simm.s32 $0x880  }
0x3: {  	s16 =	simm.s32 $0x1080;
	s18 =	simm.s32 $0x1880;
	s19 =	simm.s32 $0x2080  }
0x4: {  	s20 =	simm.s32 $0x2880;
	s21 =	simm.s32 $0x3080;
	s22 =	simm.s32 $0x3880  }
0x5: {  	s23 =	simm.s32 $0x4080;
	s24 =	simm.s32 $0x4880;
	s25 =	simm.s32 $0x5080  }
0x6: {  	s26 =	simm.s32 $0x5880;
	s8 =	simm.s32 $0x80;
	s0 =	sand.u32 $0x1, s0  }
0x7: {  	s9 =	simm.s32 $0x6080;
	s1 =	sshll.u32 s5, $0xB;
	s2 =	sshll.u32 s0, $0xA  }
0x8: {  	s10 =	simm.s32 $0x6880;
	s1 =	sor.u32 s2, s1;
	s2 =	simm.s32 $0x0  }
0x9: {  	s11 =	simm.s32 $0x7080;
	s12 =	simm.s32 $0x7880;
	[smem:$0x7FF] =	sst s2  }
0xa: {  	s13 =	simm.s32 $0x8080;
	_ =	strace $0x80000050;
	[dreg:$0x3] =	wrdreg s15  }
0xb: {  	s14 =	simm.s32 $0x8880;
	s28 =	simm.s32 $0xF080;
	[dreg:$0x4] =	wrdreg s16  }
0xc: {  	s29 =	simm.s32 $0xF880;
	s30 =	simm.s32 $0x1;
	[dreg:$0x5] =	wrdreg s18  }
0xd: {  	s31 =	simm.s32 $0x0;
	s5 =	sshll.u32 s5, $0x11;
	[dreg:$0x6] =	wrdreg s19  }
0xe: {  	s3 =	sadd.s32 $0x6AC00, s4;
	s6 =	sadd.s32 s5, s4;
	[dreg:$0x7] =	wrdreg s20  }
0xf: {  	s17 =	ssub.s32 $0x2, s0;
	s0 =	sshll.u32 s0, $0x10;
	[dreg:$0x8] =	wrdreg s21  }
0x10: {  	s7 =	sshrl.u32 s17, $0x1;
	s0 =	sadd.s32 s0, s6;
	[dreg:$0x9] =	wrdreg s22  }
0x11: {  	s1 =	sshrl.u32 s1, $0x3;
	s0 =	sadd.s32 $0x68CE00, s0;
	[dreg:$0xa] =	wrdreg s23  }
0x12: {  	s5 =	ssub.s32 s17, s7;
	s7 =	simm.s32 $0x2;
	[dreg:$0xf] =	wrdreg s0  }
0x13: {  	s17 =	simm.s32 $0xA080;
	s1 =	sadd.s32 s1, s4;
	[dreg:$0xb] =	wrdreg s24  }
0x14: {  	s4 =	sadd.s32 $0x6AD00, s4;
	s5 =	smax.u32 s5, $0x1;
	[dreg:$0xc] =	wrdreg s25  }
0x15: {  	[dreg:$0xd] =	wrdreg s26;
	s15 =	simm.s32 $0x9080;
	s16 =	simm.s32 $0x9880  }
0x16: {  	s18 =	simm.s32 $0xA880;
	s19 =	simm.s32 $0xB080;
	s20 =	simm.s32 $0xB880  }
0x17: {  	v2 =	vlaneseq.u32;
	s21 =	simm.s32 $0xC080;
	s22 =	simm.s32 $0xC880;
	s23 =	simm.s32 $0xD080  }
0x18: {  	vm0 =	vmmov $0xffff;
	v1 =	vshrl.u32 v2, $0x3;
	s24 =	simm.s32 $0xD880;
	s1 =	sadd.s32 $0x9C00, s1;
	[dreg:$0xe] =	wrdreg s5  }
0x19: {  	v0 =	vand.u32 $0x7, v2;
	v2 =	vor.u32 $0x8, v2;
	v1 =	vmul.u32 $0x8, v1;
	s25 =	simm.s32 $0xE080;
	s26 =	simm.s32 $0xE880;
	[dreg:$0x2] =	wrdreg s1  }
.LBB2_1:
0x1a: {  	s6 =	rddreg [dreg:$0xf];
	s0 =	simm.s32 $0x0  }
.LBB2_2:
0x1b: {  	s5 =	rddreg [dreg:$0x2]  }
0x1c: {  	s5 =	sadd.s32 s0, s5  }
0x1d: {  	[tilespmem:s2], [sflag:$0x2] =	stream.linear.gather [hbm4b:s5+s2], $0x80, $0x38;
	[tilespmem:$0x10080] =	vst v63  }
0x1e: {  	_ =	swait.ge [sflag:s7], $0x80  }
0x1f: {  	[sflag:s7] =	ssyncset.done $0x0  }
0x20: {  	[sflag:s7] =	ssyncadd.s32 $0xFFFFFF80  }
0x21: {  	v3 =	vld [tilespmem:$0x0];
	_ =	sdelay $0x4  }
0x22: {  	v4 =	vshll.u32 v3, $0x2  }
0x23: {  	v3 =	vand.u32 $0x7, v3;
	v4 =	vand.u32 $0xFFFFFFE0, v4  }
0x24: {  	v3 =	vor.u32 v3, v4  }
0x25: {  	v4 =	vperm.xlane v3, v0;
	_ =	sdelay $0x1  }
0x26: {  	v4 =	vadd.s32 v1, v4;
	_ =	sdelay $0x1  }
0x27: {  	v3 =	vperm.xlane v3, v2;
	_ =	sdelay $0x1  }
0x28: {  	v3 =	vadd.s32 v1, v3  }
0x29: {  	[tilespmem:s8], [sflag:$0x1] =	stream.indirect_vreg.gather [hbm4b:s3+s2], $0x80, v4, vm0, $0xb8;
	[tilespmem:$0x10080] =	vst v63  }
0x2a: {  	s5 =	rddreg [dreg:$0x3]  }
0x2b: {  	[tilespmem:s5], [sflag:$0x1] =	stream.indirect_vreg.gather [hbm4b:s4+s2], $0x80, v4, vm0, $0xb8;
	[tilespmem:$0x10080] =	vst v63  }
0x2c: {  	s1 =	rddreg [dreg:$0x4]  }
0x2d: {  	[tilespmem:s1], [sflag:$0x1] =	stream.indirect_vreg.gather [hbm4b:s3+s2], $0x80, v3, vm0, $0xb8;
	[tilespmem:$0x10080] =	vst v63  }
0x2e: {  	s5 =	rddreg [dreg:$0x5]  }
0x2f: {  	[tilespmem:s5], [sflag:$0x1] =	stream.indirect_vreg.gather [hbm4b:s4+s2], $0x80, v3, vm0, $0xb8;
	[tilespmem:$0x10080] =	vst v63  }
0x30: {  	v3 =	vld [tilespmem:$0x10];
	_ =	sdelay $0x4  }
0x31: {  	v57 =	vshll.u32 v3, $0x2  }
0x32: {  	v3 =	vand.u32 $0x7, v3;
	v4 =	vand.u32 $0xFFFFFFE0, v57  }
0x33: {  	v3 =	vor.u32 v3, v4  }
0x34: {  	v4 =	vperm.xlane v3, v0;
	_ =	sdelay $0x1  }
0x35: {  	v4 =	vadd.s32 v1, v4;
	_ =	sdelay $0x1  }
0x36: {  	v3 =	vperm.xlane v3, v2;
	_ =	sdelay $0x1  }
0x37: {  	s1 =	rddreg [dreg:$0x6];
	v3 =	vadd.s32 v1, v3  }
0x38: {  	[tilespmem:s1], [sflag:$0x1] =	stream.indirect_vreg.gather [hbm4b:s3+s2], $0x80, v4, vm0, $0xb8;
	[tilespmem:$0x10080] =	vst v63  }
0x39: {  	s5 =	rddreg [dreg:$0x7]  }
0x3a: {  	[tilespmem:s5], [sflag:$0x1] =	stream.indirect_vreg.gather [hbm4b:s4+s2], $0x80, v4, vm0, $0xb8;
	[tilespmem:$0x10080] =	vst v63  }
0x3b: {  	s1 =	rddreg [dreg:$0x8]  }
0x3c: {  	[tilespmem:s1], [sflag:$0x1] =	stream.indirect_vreg.gather [hbm4b:s3+s2], $0x80, v3, vm0, $0xb8;
	[tilespmem:$0x10080] =	vst v63  }
0x3d: {  	s5 =	rddreg [dreg:$0x9]  }
0x3e: {  	[tilespmem:s5], [sflag:$0x1] =	stream.indirect_vreg.gather [hbm4b:s4+s2], $0x80, v3, vm0, $0xb8;
	[tilespmem:$0x10080] =	vst v63  }
0x3f: {  	v3 =	vld [tilespmem:$0x20];
	_ =	sdelay $0x4  }
0x40: {  	v58 =	vshll.u32 v3, $0x2  }
0x41: {  	v3 =	vand.u32 $0x7, v3;
	v4 =	vand.u32 $0xFFFFFFE0, v58  }
0x42: {  	v3 =	vor.u32 v3, v4  }
0x43: {  	v4 =	vperm.xlane v3, v0;
	_ =	sdelay $0x1  }
0x44: {  	v4 =	vadd.s32 v1, v4;
	_ =	sdelay $0x1  }
0x45: {  	v3 =	vperm.xlane v3, v2;
	_ =	sdelay $0x1  }
0x46: {  	s1 =	rddreg [dreg:$0xa];
	v3 =	vadd.s32 v1, v3  }
0x47: {  	[tilespmem:s1], [sflag:$0x1] =	stream.indirect_vreg.gather [hbm4b:s3+s2], $0x80, v4, vm0, $0xb8;
	[tilespmem:$0x10080] =	vst v63  }
0x48: {  	s5 =	rddreg [dreg:$0xb]  }
0x49: {  	[tilespmem:s5], [sflag:$0x1] =	stream.indirect_vreg.gather [hbm4b:s4+s2], $0x80, v4, vm0, $0xb8;
	[tilespmem:$0x10080] =	vst v63  }
0x4a: {  	s1 =	rddreg [dreg:$0xc]  }
0x4b: {  	[tilespmem:s1], [sflag:$0x1] =	stream.indirect_vreg.gather [hbm4b:s3+s2], $0x80, v3, vm0, $0xb8;
	[tilespmem:$0x10080] =	vst v63  }
0x4c: {  	s5 =	rddreg [dreg:$0xd]  }
0x4d: {  	[tilespmem:s5], [sflag:$0x1] =	stream.indirect_vreg.gather [hbm4b:s4+s2], $0x80, v3, vm0, $0xb8;
	[tilespmem:$0x10080] =	vst v63  }
0x4e: {  	v3 =	vld [tilespmem:$0x30];
	_ =	sdelay $0x4  }
0x4f: {  	v59 =	vshll.u32 v3, $0x2  }
0x50: {  	v3 =	vand.u32 $0x7, v3;
	v4 =	vand.u32 $0xFFFFFFE0, v59  }
0x51: {  	v3 =	vor.u32 v3, v4  }
0x52: {  	v4 =	vperm.xlane v3, v0;
	_ =	sdelay $0x1  }
0x53: {  	v4 =	vadd.s32 v1, v4;
	_ =	sdelay $0x1  }
0x54: {  	v3 =	vperm.xlane v3, v2;
	_ =	sdelay $0x1  }
0x55: {  	v3 =	vadd.s32 v1, v3  }
0x56: {  	[tilespmem:s9], [sflag:$0x1] =	stream.indirect_vreg.gather [hbm4b:s3+s2], $0x80, v4, vm0, $0xb8;
	[tilespmem:$0x10080] =	vst v63  }
0x57: {  	_ = 	snop  }
0x58: {  	[tilespmem:s10], [sflag:$0x1] =	stream.indirect_vreg.gather [hbm4b:s4+s2], $0x80, v4, vm0, $0xb8;
	[tilespmem:$0x10080] =	vst v63  }
0x59: {  	_ = 	snop  }
0x5a: {  	[tilespmem:s11], [sflag:$0x1] =	stream.indirect_vreg.gather [hbm4b:s3+s2], $0x80, v3, vm0, $0xb8;
	[tilespmem:$0x10080] =	vst v63  }
0x5b: {  	_ = 	snop  }
0x5c: {  	[tilespmem:s12], [sflag:$0x1] =	stream.indirect_vreg.gather [hbm4b:s4+s2], $0x80, v3, vm0, $0xb8;
	[tilespmem:$0x10080] =	vst v63  }
0x5d: {  	v3 =	vld [tilespmem:$0x40];
	_ =	sdelay $0x4  }
0x5e: {  	v60 =	vshll.u32 v3, $0x2  }
0x5f: {  	v3 =	vand.u32 $0x7, v3;
	v4 =	vand.u32 $0xFFFFFFE0, v60  }
0x60: {  	v3 =	vor.u32 v3, v4  }
0x61: {  	v4 =	vperm.xlane v3, v0;
	_ =	sdelay $0x1  }
0x62: {  	v4 =	vadd.s32 v1, v4;
	_ =	sdelay $0x1  }
0x63: {  	v3 =	vperm.xlane v3, v2;
	_ =	sdelay $0x1  }
0x64: {  	v3 =	vadd.s32 v1, v3  }
0x65: {  	[tilespmem:s13], [sflag:$0x1] =	stream.indirect_vreg.gather [hbm4b:s3+s2], $0x80, v4, vm0, $0xb8;
	[tilespmem:$0x10080] =	vst v63  }
0x66: {  	_ = 	snop  }
0x67: {  	[tilespmem:s14], [sflag:$0x1] =	stream.indirect_vreg.gather [hbm4b:s4+s2], $0x80, v4, vm0, $0xb8;
	[tilespmem:$0x10080] =	vst v63  }
0x68: {  	_ = 	snop  }
0x69: {  	[tilespmem:s15], [sflag:$0x1] =	stream.indirect_vreg.gather [hbm4b:s3+s2], $0x80, v3, vm0, $0xb8;
	[tilespmem:$0x10080] =	vst v63  }
0x6a: {  	_ = 	snop  }
0x6b: {  	[tilespmem:s16], [sflag:$0x1] =	stream.indirect_vreg.gather [hbm4b:s4+s2], $0x80, v3, vm0, $0xb8;
	[tilespmem:$0x10080] =	vst v63  }
0x6c: {  	v3 =	vld [tilespmem:$0x50];
	_ =	sdelay $0x4  }
0x6d: {  	v61 =	vshll.u32 v3, $0x2  }
0x6e: {  	v3 =	vand.u32 $0x7, v3;
	v4 =	vand.u32 $0xFFFFFFE0, v61  }
0x6f: {  	v3 =	vor.u32 v3, v4  }
0x70: {  	v4 =	vperm.xlane v3, v0;
	_ =	sdelay $0x1  }
0x71: {  	v4 =	vadd.s32 v1, v4;
	_ =	sdelay $0x1  }
0x72: {  	v3 =	vperm.xlane v3, v2;
	_ =	sdelay $0x1  }
0x73: {  	v3 =	vadd.s32 v1, v3  }
0x74: {  	[tilespmem:s17], [sflag:$0x1] =	stream.indirect_vreg.gather [hbm4b:s3+s2], $0x80, v4, vm0, $0xb8;
	[tilespmem:$0x10080] =	vst v63  }
0x75: {  	_ = 	snop  }
0x76: {  	[tilespmem:s18], [sflag:$0x1] =	stream.indirect_vreg.gather [hbm4b:s4+s2], $0x80, v4, vm0, $0xb8;
	[tilespmem:$0x10080] =	vst v63  }
0x77: {  	_ = 	snop  }
0x78: {  	[tilespmem:s19], [sflag:$0x1] =	stream.indirect_vreg.gather [hbm4b:s3+s2], $0x80, v3, vm0, $0xb8;
	[tilespmem:$0x10080] =	vst v63  }
0x79: {  	_ = 	snop  }
0x7a: {  	[tilespmem:s20], [sflag:$0x1] =	stream.indirect_vreg.gather [hbm4b:s4+s2], $0x80, v3, vm0, $0xb8;
	[tilespmem:$0x10080] =	vst v63  }
0x7b: {  	v3 =	vld [tilespmem:$0x60];
	_ =	sdelay $0x4  }
0x7c: {  	v62 =	vshll.u32 v3, $0x2  }
0x7d: {  	v3 =	vand.u32 $0x7, v3;
	v4 =	vand.u32 $0xFFFFFFE0, v62  }
0x7e: {  	v3 =	vor.u32 v3, v4  }
0x7f: {  	v4 =	vperm.xlane v3, v0;
	_ =	sdelay $0x1  }
0x80: {  	v4 =	vadd.s32 v1, v4;
	_ =	sdelay $0x1  }
0x81: {  	v3 =	vperm.xlane v3, v2;
	_ =	sdelay $0x1  }
0x82: {  	v3 =	vadd.s32 v1, v3  }
0x83: {  	[tilespmem:s21], [sflag:$0x1] =	stream.indirect_vreg.gather [hbm4b:s3+s2], $0x80, v4, vm0, $0xb8;
	[tilespmem:$0x10080] =	vst v63  }
0x84: {  	_ = 	snop  }
0x85: {  	[tilespmem:s22], [sflag:$0x1] =	stream.indirect_vreg.gather [hbm4b:s4+s2], $0x80, v4, vm0, $0xb8;
	[tilespmem:$0x10080] =	vst v63  }
0x86: {  	_ = 	snop  }
0x87: {  	[tilespmem:s23], [sflag:$0x1] =	stream.indirect_vreg.gather [hbm4b:s3+s2], $0x80, v3, vm0, $0xb8;
	[tilespmem:$0x10080] =	vst v63  }
0x88: {  	_ = 	snop  }
0x89: {  	[tilespmem:s24], [sflag:$0x1] =	stream.indirect_vreg.gather [hbm4b:s4+s2], $0x80, v3, vm0, $0xb8;
	[tilespmem:$0x10080] =	vst v63  }
0x8a: {  	v3 =	vld [tilespmem:$0x70];
	_ =	sdelay $0x4  }
0x8b: {  	v63 =	vshll.u32 v3, $0x2  }
0x8c: {  	v3 =	vand.u32 $0x7, v3;
	v4 =	vand.u32 $0xFFFFFFE0, v63  }
0x8d: {  	v3 =	vor.u32 v3, v4  }
0x8e: {  	v4 =	vperm.xlane v3, v0;
	_ =	sdelay $0x1  }
0x8f: {  	v4 =	vadd.s32 v1, v4;
	_ =	sdelay $0x1  }
0x90: {  	v3 =	vperm.xlane v3, v2;
	_ =	sdelay $0x1  }
0x91: {  	v3 =	vadd.s32 v1, v3  }
0x92: {  	[tilespmem:s25], [sflag:$0x1] =	stream.indirect_vreg.gather [hbm4b:s3+s2], $0x80, v4, vm0, $0xb8;
	[tilespmem:$0x10080] =	vst v63  }
0x93: {  	_ = 	snop  }
0x94: {  	[tilespmem:s26], [sflag:$0x1] =	stream.indirect_vreg.gather [hbm4b:s4+s2], $0x80, v4, vm0, $0xb8;
	[tilespmem:$0x10080] =	vst v63  }
0x95: {  	_ = 	snop  }
0x96: {  	[tilespmem:s28], [sflag:$0x1] =	stream.indirect_vreg.gather [hbm4b:s3+s2], $0x80, v3, vm0, $0xb8;
	[tilespmem:$0x10080] =	vst v63  }
0x97: {  	_ = 	snop  }
0x98: {  	[tilespmem:s29], [sflag:$0x1] =	stream.indirect_vreg.gather [hbm4b:s4+s2], $0x80, v3, vm0, $0xb8;
	[tilespmem:$0x10080] =	vst v63  }
0x99: {  	_ =	swait.ge [sflag:s30], $0x10000  }
0x9a: {  	p0 =	sne.s32 s0, $0x70;
	[sflag:s30] =	ssyncset.done $0x0  }
.Ltmp0:
0x9b: {  	[sflag:s30] =	ssyncadd.s32 $0xFFFF0000;
	(pc) =	sbr.rel @p0 .LBB2_2-.Ltmp0, $4  }
0x9c: {  	[hbm4b:s6+s2] =	stream.linear.scatter [tilespmem:s8], [sflag:$0x2], $0x10000, $0x38;
	[tilespmem:$0x10080] =	vst v63  }
0x9d: {  	_ =	swait.ge [sflag:s7], $0x10000  }
0x9e: {  	[sflag:s7] =	ssyncset.done $0x0  }
0x9f: {  	s0 =	sadd.s32 $0x10, s0;
	s6 =	sadd.s32 $0x2000, s6;
	[sflag:s7] =	ssyncadd.s32 $0xFFFF0000  }
0xa0: {  	s31 =	sadd.s32 $0x1, s31;
	s0 =	rddreg [dreg:$0xe]  }
0xa1: {  	p0 =	sne.s32 s31, s0  }
.Ltmp1:
0xa2: {  	_ = 	snop;
	(pc) =	sbr.rel @p0 .LBB2_1-.Ltmp1, $1  }
0xa3: {  	_ =	sdelay $0x3  }
0xa4: {  	_ =	sfence.sel $0x180000  }
0xa5: {  	[bflag:$0x0] =	sbarrier.arrive $0xFFFF  }
0xa6: {  	_ =	strace $0x90000050  }
0xa7: {  	s0 =	stileid.u32;
	[bflag:$0x2] =	sbarrier.arrive $0xFFFF  }
0xa8: {  	p0 =	sne.s32 s0, $0x0;
	s0 =	rddreg [dreg:$0x1]  }
0xa9: {  	s0 =	sadd.s32 @!p0 $0x100000, s0  }
0xaa: {  	[sflag:s0] =	ssyncadd.tile.s32 @!p0 $0x1;
	_ =	shalt  }
.Lfunc_end2:
_tile_overlayer_lowered:
.L_overlay_start_2:
0xab: {  	(tag) =	ssettag $0x2  }
0xac: {  	s0 =	rddreg [dreg:$0x0];
	s2 =	stileid.u32  }
0xad: {  	s1 =	rddreg [dreg:$0x1];
	p0 =	sne.s32 s2, $0x0  }
0xae: {  	s3 =	rddreg [dreg:$0x2];
	[bflag:$0x3] =	sbarrier.arrive $0xFFFF;
	s2 =	simm.s32 @!p0 $0x1C02  }
0xaf: {  	[timem:s3], [sflag:s2] =	dma.local @!p0 [hbm:s0], s1  }
0xb0: {  	s0 =	simm.s32 @!p0 $0x2  }
0xb1: {  	_ =	swait.ge @!p0 [sflag:s0], s1  }
0xb2: {  	s1 =	ssub.s32 @!p0 $0x0, s1;
	[sflag:s0] =	ssyncset.done @!p0 $0x0  }
0xb3: {  	[sflag:s0] =	ssyncadd.s32 @!p0 s1  }
0xb4: {  	[bflag:$0x3] =	sbarrier.arrive $0xFFFF  }
0xb5: {  	_ =	shalt  }

</sc_bundles>
